<compile_context>
chip_gen: v7x
topology: tpu7x:2x2x1
jax: 0.10.2.dev20260603
libtpu: 0.0.44.dev20260713+nightly
codegen_flags: <defaults>
</compile_context>

<pallas_src>
import jax
import jax.numpy as jnp
from jax import lax
from jax.experimental import pallas as pl
from jax.experimental.pallas import tpu as pltpu
from jax.experimental.pallas import tpu_sc as plsc

N = 10000
D_IN = 128
D_H = 256
G = 512
BLK = 1000
GRID = N // BLK

NC, NS = 2, 16
NW = NC * NS
GPT = G // NW
CH = 128
BUF = CH + 16
NK = D_H // 16


def _mm_body(x_ref, W0_ref, b0_ref, h_ref):
    h = jnp.dot(x_ref[...], W0_ref[...], preferred_element_type=jnp.float32)
    h = h + b0_ref[...]
    h_ref[...] = jnp.where(h > 0, h, jnp.exp(jnp.minimum(h, 0.0)) - 1.0)


def _stage1(x, W0, b0):
    return pl.pallas_call(
        _mm_body,
        grid=(GRID,),
        in_specs=[
            pl.BlockSpec((BLK, D_IN), lambda i: (i, 0)),
            pl.BlockSpec((D_IN, D_H), lambda i: (0, 0)),
            pl.BlockSpec((1, D_H), lambda i: (0, 0)),
        ],
        out_specs=pl.BlockSpec((BLK, D_H), lambda i: (i, 0)),
        out_shape=jax.ShapeDtypeStruct((N, D_H), jnp.float32),
    )(x, W0, b0.reshape(1, D_H))


def _gat(ref, i):
    return plsc.load_gather(ref, [jnp.full((16,), i, jnp.int32)])[0]


def _sc_body(h_hbm, starts_hbm, out_hbm, buf0, ostage, st_v):
    c = lax.axis_index("c")
    s = lax.axis_index("s")
    wid = c * NS + s
    g0 = wid * GPT

    pltpu.sync_copy(starts_hbm.at[pl.ds(g0, 24)], st_v)
    sv0 = st_v[pl.ds(0, 16)]
    sv1 = st_v[pl.ds(8, 16)]
    row_s = sv0[0]
    row_e = sv1[8]

    zv = jnp.zeros((16,), jnp.float32)
    for r in range(GPT):
        for k in range(NK):
            ostage[r, pl.ds(k * 16, 16)] = zv

    nchunks = lax.div(row_e - row_s + (CH - 1), CH)

    def chunk_start(ci):
        base = row_s + ci * CH
        start = jnp.minimum(base, N - BUF)
        return base, (start // 8) * 8


    def process(ci, buf):
        base, start = chunk_start(ci)
        cnt = jnp.minimum(row_e - base, CH)
        chunk_end = base + cnt

        def graph_body(g, _):
            s_g = _gat(st_v, g)
            e_g = _gat(st_v, g + 1)

            @pl.when((s_g < chunk_end) & (e_g > base))
            def _acc():
                lo = jnp.maximum(s_g, base) - start
                hi = jnp.minimum(e_g, chunk_end) - start

                def row_body(slot, acc):
                    return tuple(acc[k] + buf[slot, pl.ds(k * 16, 16)]
                                 for k in range(NK))

                acc = lax.fori_loop(lo, hi, row_body,
                                    tuple(zv for _ in range(NK)))
                for k in range(NK):
                    plsc.addupdate(ostage.at[g, pl.ds(k * 16, 16)], acc[k])

            return 0

        lax.fori_loop(0, GPT, graph_body, 0)

    def chunk_loop(ci, _):
        _, start = chunk_start(ci)
        pltpu.sync_copy(h_hbm.at[pl.ds(start, BUF)], buf0)
        process(ci, buf0)
        return 0

    lax.fori_loop(0, nchunks, chunk_loop, 0)

    pltpu.sync_copy(ostage, out_hbm.at[pl.ds(g0, GPT)])


def _sc_segment_sum(h, starts):
    mesh = plsc.VectorSubcoreMesh(core_axis_name="c", subcore_axis_name="s")
    f = pl.kernel(
        _sc_body,
        out_type=jax.ShapeDtypeStruct((G, D_H), jnp.float32),
        mesh=mesh,
        compiler_params=pltpu.CompilerParams(use_tc_tiling_on_sc=False,
                                             needs_layout_passes=False),
        scratch_types=[
            pltpu.VMEM((BUF, D_H), jnp.float32),
            pltpu.VMEM((GPT, D_H), jnp.float32),
            pltpu.VMEM((24,), jnp.int32),
        ],
    )
    return f(h, starts)


def _head_body(p_ref, W1_ref, b1_ref, w2_ref, b2_ref, out_ref):
    pooled = p_ref[...]
    h2 = jnp.dot(pooled, W1_ref[...], preferred_element_type=jnp.float32)
    h2 = jnp.maximum(h2 + b1_ref[...], 0.0)
    logit = jnp.sum(h2 * w2_ref[...], axis=1, keepdims=True) + b2_ref[...]
    out_ref[...] = 1.0 / (1.0 + jnp.exp(-logit))


def _head(pooled, W1, b1, W2, b2):
    return pl.pallas_call(
        _head_body,
        out_shape=jax.ShapeDtypeStruct((G, 1), jnp.float32),
    )(pooled, W1, b1.reshape(1, D_H), W2.reshape(1, D_H), b2.reshape(1, 1))


def _build_starts(batch):
    starts512 = jnp.searchsorted(
        batch, jnp.arange(G + 1, dtype=jnp.int32)).astype(jnp.int32)
    return jnp.concatenate([starts512, jnp.full((7,), N, jnp.int32)])


def kernel(x, edge_index, batch, W0, b0, W1, b1, W2, b2):
    del edge_index
    h = _stage1(x, W0, b0)
    starts = _build_starts(batch)
    pooled = _sc_segment_sum(h, starts)
    out = _head(pooled, W1, b1, W2, b2)
    return out.reshape(G)

# --- scband reference (transcript-rebuilt; emitter-appended) ---
"""Pipeline reference for scband-gcnmodel-32203664785488 (READ-ONLY COPY).

The authoritative reference and input builder live on the scoring server;
editing this copy changes nothing except your own understanding.
"""

import jax, jax.numpy as jnp
import numpy as np

N = 10000
E = 320000
D_IN = 128
D_H = 256
NUM_GRAPHS = 512


def setup_inputs(seed: int = 0) -> dict:
    key = jax.random.key(seed)
    ks = jax.random.split(key, 10)
    x = jax.random.normal(ks[0], (N, D_IN), dtype=jnp.float32)
    edge_index = jax.random.randint(ks[1], (2, E), 0, N, dtype=jnp.int32)
    batch = jnp.sort(jax.random.randint(ks[2], (N,), 0, NUM_GRAPHS, dtype=jnp.int32))
    # Learned parameters (Linear layers: y = x @ W + b, W stored as [in, out])
    W0 = jax.random.normal(ks[3], (D_IN, D_H), dtype=jnp.float32) * (1.0 / np.sqrt(D_IN))
    b0 = jnp.zeros((D_H,), dtype=jnp.float32)
    W1 = jax.random.normal(ks[4], (D_H, D_H), dtype=jnp.float32) * (1.0 / np.sqrt(D_H))
    b1 = jnp.zeros((D_H,), dtype=jnp.float32)
    W2 = jax.random.normal(ks[5], (D_H, 1), dtype=jnp.float32) * (1.0 / np.sqrt(D_H))
    b2 = jnp.zeros((1,), dtype=jnp.float32)
    return {"x": x, "edge_index": edge_index, "batch": batch,
            "W0": W0, "b0": b0, "W1": W1, "b1": b1, "W2": W2, "b2": b2}


def reference(x, edge_index, batch, W0, b0, W1, b1, W2, b2):
    # x = F.elu(self.lin_0(x))
    h = jax.nn.elu(x @ W0 + b0)
    # NOTE: in the original module, self.norms is an EMPTY ModuleList
    # (GraphNorm is assigned to self.norm, never appended), so
    # `for conv, norm in zip(self.convs, self.norms)` executes ZERO iterations.
    # Faithful translation: the GCNConv layers are never applied and
    # edge_index is unused in forward.
    # x = global_add_pool(x, batch)
    pooled = jax.ops.segment_sum(h, batch, num_segments=NUM_GRAPHS)
    # x = F.relu(self.lin_1(x))
    h2 = jax.nn.relu(pooled @ W1 + b1)
    # x = self.lin_out(x)
    out = h2 @ W2 + b2
    # torch.sigmoid(x).squeeze()
    return jnp.squeeze(jax.nn.sigmoid(out))

if __name__ == "__main__":
    import jax
    _d = setup_inputs()
    print(jax.jit(kernel)(*tuple(_d.values())))

</pallas_src>

<mosaic_0001>
#map = affine_map<(d0, d1) -> (0, 0)>
#map1 = affine_map<(d0, d1) -> (0)>
module attributes {stable_mosaic.version = 14 : i64} {
  func.func @_sc_body(%arg0: i32, %arg1: i32, %arg2: memref<10000x256xf32, #tpu.memory_space<hbm>>, %arg3: memref<520xi32, #tpu.memory_space<hbm>>, %arg4: memref<512x256xf32, #tpu.memory_space<hbm>>, %arg5: memref<144x256xf32, #tpu.memory_space<vmem>>, %arg6: memref<16x256xf32, #tpu.memory_space<vmem>>, %arg7: memref<24xi32, #tpu.memory_space<vmem>>) attributes {dimension_semantics = [#tpu.dimension_semantics<core_parallel>, #tpu.dimension_semantics<subcore_parallel>], iteration_bounds = array<i64: 2, 16>, scalar_prefetch = 0 : i64, scratch_operands = 3 : i64, tpu.core_type = #tpu.core_type<sc_vector_subcore>, window_params = [{transform_indices = #map}, {transform_indices = #map1}, {transform_indices = #map}]} {
    %mul3A = arith.constant 16 : i32
    %mul3A_0 = arith.muli %arg0, %mul3A : i32
    %add3A = arith.addi %mul3A_0, %arg1 : i32
    %mul3A_1 = arith.constant 16 : i32
    %mul3A_2 = arith.muli %add3A, %mul3A_1 : i32
    "tpu.region"() ({
      %run_scoped3A = tpu.sem_alloc : memref<!tpu.dma_semaphore, #tpu.memory_space<semaphore_mem>>
      %dma_start3A = tpu.memref_slice %arg3[%mul3A_2] : memref<520xi32, #tpu.memory_space<hbm>> -> memref<24xi32, #tpu.memory_space<hbm>>
      %dma_start3A_1046 = tpu.memref_slice %arg3[%mul3A_2] : memref<520xi32, #tpu.memory_space<hbm>> -> memref<24xi32, #tpu.memory_space<hbm>>
      tpu.enqueue_dma source(%dma_start3A_1046 : memref<24xi32, #tpu.memory_space<hbm>>) target(%arg7 : memref<24xi32, #tpu.memory_space<vmem>>) target_semaphore(%run_scoped3A : memref<!tpu.dma_semaphore, #tpu.memory_space<semaphore_mem>>)
      %dma_wait3A = tpu.memref_slice %arg3[%mul3A_2] : memref<520xi32, #tpu.memory_space<hbm>> -> memref<24xi32, #tpu.memory_space<hbm>>
      %dma_wait3A_1047 = tpu.memref_slice %arg3[%mul3A_2] : memref<520xi32, #tpu.memory_space<hbm>> -> memref<24xi32, #tpu.memory_space<hbm>>
      tpu.wait_dma2 semaphore(%run_scoped3A : memref<!tpu.dma_semaphore, #tpu.memory_space<semaphore_mem>>) src(%dma_wait3A_1047 : memref<24xi32, #tpu.memory_space<hbm>>) dst(%arg7 : memref<24xi32, #tpu.memory_space<vmem>>)
      tpu.yield
    }) : () -> ()
    %get3A = arith.constant 0 : index
    %get3A_3 = tpu.vector_load %arg7[%get3A] {strides = array<i32>} : memref<24xi32, #tpu.memory_space<vmem>>, vector<16xi32>,
    %get3A_4 = arith.constant 8 : index
    %get3A_5 = tpu.vector_load %arg7[%get3A_4] {strides = array<i32>} : memref<24xi32, #tpu.memory_space<vmem>>, vector<16xi32>,
    %slice3A = vector.extract_strided_slice %get3A_3 {offsets = [0], sizes = [1], strides = [1]} : vector<16xi32> to vector<1xi32>
    %squeeze3A = vector.extract %slice3A[0] : i32 from vector<1xi32>
    %slice3A_6 = vector.extract_strided_slice %get3A_5 {offsets = [8], sizes = [1], strides = [1]} : vector<16xi32> to vector<1xi32>
    %squeeze3A_7 = vector.extract %slice3A_6[0] : i32 from vector<1xi32>
    %broadcast_in_dim3A = arith.constant 0.000000e+00 : f32
    %broadcast_in_dim3A_8 = vector.broadcast %broadcast_in_dim3A : f32 to vector<16xf32>
    %swap3A = arith.constant 0 : i32
    %swap3A_9 = arith.index_cast %swap3A : i32 to index
    %swap3A_10 = arith.constant 0 : index
    %swap3A_11 = tpu.vector_load %arg6[%swap3A_9, %swap3A_10] {strides = array<i32>} : memref<16x256xf32, #tpu.memory_space<vmem>>, vector<16xf32>,
    tpu.vector_store %arg6[%swap3A_9, %swap3A_10], %broadcast_in_dim3A_8 {strides = array<i32>} : memref<16x256xf32, #tpu.memory_space<vmem>>, vector<16xf32>,
    %swap3A_12 = arith.constant 0 : i32
    %swap3A_13 = arith.index_cast %swap3A_12 : i32 to index
    %swap3A_14 = arith.constant 16 : index
    %swap3A_15 = tpu.vector_load %arg6[%swap3A_13, %swap3A_14] {strides = array<i32>} : memref<16x256xf32, #tpu.memory_space<vmem>>, vector<16xf32>,
    tpu.vector_store %arg6[%swap3A_13, %swap3A_14], %broadcast_in_dim3A_8 {strides = array<i32>} : memref<16x256xf32, #tpu.memory_space<vmem>>, vector<16xf32>,
    %swap3A_16 = arith.constant 0 : i32
    %swap3A_17 = arith.index_cast %swap3A_16 : i32 to index
    %swap3A_18 = arith.constant 32 : index
    %swap3A_19 = tpu.vector_load %arg6[%swap3A_17, %swap3A_18] {strides = array<i32>} : memref<16x256xf32, #tpu.memory_space<vmem>>, vector<16xf32>,
    tpu.vector_store %arg6[%swap3A_17, %swap3A_18], %broadcast_in_dim3A_8 {strides = array<i32>} : memref<16x256xf32, #tpu.memory_space<vmem>>, vector<16xf32>,
    %swap3A_20 = arith.constant 0 : i32
    %swap3A_21 = arith.index_cast %swap3A_20 : i32 to index
    %swap3A_22 = arith.constant 48 : index
    %swap3A_23 = tpu.vector_load %arg6[%swap3A_21, %swap3A_22] {strides = array<i32>} : memref<16x256xf32, #tpu.memory_space<vmem>>, vector<16xf32>,
    tpu.vector_store %arg6[%swap3A_21, %swap3A_22], %broadcast_in_dim3A_8 {strides = array<i32>} : memref<16x256xf32, #tpu.memory_space<vmem>>, vector<16xf32>,
    %swap3A_24 = arith.constant 0 : i32
    %swap3A_25 = arith.index_cast %swap3A_24 : i32 to index
    %swap3A_26 = arith.constant 64 : index
    %swap3A_27 = tpu.vector_load %arg6[%swap3A_25, %swap3A_26] {strides = array<i32>} : memref<16x256xf32, #tpu.memory_space<vmem>>, vector<16xf32>,
    tpu.vector_store %arg6[%swap3A_25, %swap3A_26], %broadcast_in_dim3A_8 {strides = array<i32>} : memref<16x256xf32, #tpu.memory_space<vmem>>, vector<16xf32>,
    %swap3A_28 = arith.constant 0 : i32
    %swap3A_29 = arith.index_cast %swap3A_28 : i32 to index
    %swap3A_30 = arith.constant 80 : index
    %swap3A_31 = tpu.vector_load %arg6[%swap3A_29, %swap3A_30] {strides = array<i32>} : memref<16x256xf32, #tpu.memory_space<vmem>>, vector<16xf32>,
    tpu.vector_store %arg6[%swap3A_29, %swap3A_30], %broadcast_in_dim3A_8 {strides = array<i32>} : memref<16x256xf32, #tpu.memory_space<vmem>>, vector<16xf32>,
    %swap3A_32 = arith.constant 0 : i32
    %swap3A_33 = arith.index_cast %swap3A_32 : i32 to index
    %swap3A_34 = arith.constant 96 : index
    %swap3A_35 = tpu.vector_load %arg6[%swap3A_33, %swap3A_34] {strides = array<i32>} : memref<16x256xf32, #tpu.memory_space<vmem>>, vector<16xf32>,
    tpu.vector_store %arg6[%swap3A_33, %swap3A_34], %broadcast_in_dim3A_8 {strides = array<i32>} : memref<16x256xf32, #tpu.memory_space<vmem>>, vector<16xf32>,
    %swap3A_36 = arith.constant 0 : i32
    %swap3A_37 = arith.index_cast %swap3A_36 : i32 to index
    %swap3A_38 = arith.constant 112 : index
    %swap3A_39 = tpu.vector_load %arg6[%swap3A_37, %swap3A_38] {strides = array<i32>} : memref<16x256xf32, #tpu.memory_space<vmem>>, vector<16xf32>,
    tpu.vector_store %arg6[%swap3A_37, %swap3A_38], %broadcast_in_dim3A_8 {strides = array<i32>} : memref<16x256xf32, #tpu.memory_space<vmem>>, vector<16xf32>,
    %swap3A_40 = arith.constant 0 : i32
    %swap3A_41 = arith.index_cast %swap3A_40 : i32 to index
    %swap3A_42 = arith.constant 128 : index
    %swap3A_43 = tpu.vector_load %arg6[%swap3A_41, %swap3A_42] {strides = array<i32>} : memref<16x256xf32, #tpu.memory_space<vmem>>, vector<16xf32>,
    tpu.vector_store %arg6[%swap3A_41, %swap3A_42], %broadcast_in_dim3A_8 {strides = array<i32>} : memref<16x256xf32, #tpu.memory_space<vmem>>, vector<16xf32>,
    %swap3A_44 = arith.constant 0 : i32
    %swap3A_45 = arith.index_cast %swap3A_44 : i32 to index
    %swap3A_46 = arith.constant 144 : index
    %swap3A_47 = tpu.vector_load %arg6[%swap3A_45, %swap3A_46] {strides = array<i32>} : memref<16x256xf32, #tpu.memory_space<vmem>>, vector<16xf32>,
    tpu.vector_store %arg6[%swap3A_45, %swap3A_46], %broadcast_in_dim3A_8 {strides = array<i32>} : memref<16x256xf32, #tpu.memory_space<vmem>>, vector<16xf32>,
    %swap3A_48 = arith.constant 0 : i32
    %swap3A_49 = arith.index_cast %swap3A_48 : i32 to index
    %swap3A_50 = arith.constant 160 : index
    %swap3A_51 = tpu.vector_load %arg6[%swap3A_49, %swap3A_50] {strides = array<i32>} : memref<16x256xf32, #tpu.memory_space<vmem>>, vector<16xf32>,
    tpu.vector_store %arg6[%swap3A_49, %swap3A_50], %broadcast_in_dim3A_8 {strides = array<i32>} : memref<16x256xf32, #tpu.memory_space<vmem>>, vector<16xf32>,
    %swap3A_52 = arith.constant 0 : i32
    %swap3A_53 = arith.index_cast %swap3A_52 : i32 to index
    %swap3A_54 = arith.constant 176 : index
    %swap3A_55 = tpu.vector_load %arg6[%swap3A_53, %swap3A_54] {strides = array<i32>} : memref<16x256xf32, #tpu.memory_space<vmem>>, vector<16xf32>,
    tpu.vector_store %arg6[%swap3A_53, %swap3A_54], %broadcast_in_dim3A_8 {strides = array<i32>} : memref<16x256xf32, #tpu.memory_space<vmem>>, vector<16xf32>,
    %swap3A_56 = arith.constant 0 : i32
    %swap3A_57 = arith.index_cast %swap3A_56 : i32 to index
    %swap3A_58 = arith.constant 192 : index
    %swap3A_59 = tpu.vector_load %arg6[%swap3A_57, %swap3A_58] {strides = array<i32>} : memref<16x256xf32, #tpu.memory_space<vmem>>, vector<16xf32>,
    tpu.vector_store %arg6[%swap3A_57, %swap3A_58], %broadcast_in_dim3A_8 {strides = array<i32>} : memref<16x256xf32, #tpu.memory_space<vmem>>, vector<16xf32>,
    %swap3A_60 = arith.constant 0 : i32
    %swap3A_61 = arith.index_cast %swap3A_60 : i32 to index
    %swap3A_62 = arith.constant 208 : index
    %swap3A_63 = tpu.vector_load %arg6[%swap3A_61, %swap3A_62] {strides = array<i32>} : memref<16x256xf32, #tpu.memory_space<vmem>>, vector<16xf32>,
    tpu.vector_store %arg6[%swap3A_61, %swap3A_62], %broadcast_in_dim3A_8 {strides = array<i32>} : memref<16x256xf32, #tpu.memory_space<vmem>>, vector<16xf32>,
    %swap3A_64 = arith.constant 0 : i32
    %swap3A_65 = arith.index_cast %swap3A_64 : i32 to index
    %swap3A_66 = arith.constant 224 : index
    %swap3A_67 = tpu.vector_load %arg6[%swap3A_65, %swap3A_66] {strides = array<i32>} : memref<16x256xf32, #tpu.memory_space<vmem>>, vector<16xf32>,
    tpu.vector_store %arg6[%swap3A_65, %swap3A_66], %broadcast_in_dim3A_8 {strides = array<i32>} : memref<16x256xf32, #tpu.memory_space<vmem>>, vector<16xf32>,
    %swap3A_68 = arith.constant 0 : i32
    %swap3A_69 = arith.index_cast %swap3A_68 : i32 to index
    %swap3A_70 = arith.constant 240 : index
    %swap3A_71 = tpu.vector_load %arg6[%swap3A_69, %swap3A_70] {strides = array<i32>} : memref<16x256xf32, #tpu.memory_space<vmem>>, vector<16xf32>,
    tpu.vector_store %arg6[%swap3A_69, %swap3A_70], %broadcast_in_dim3A_8 {strides = array<i32>} : memref<16x256xf32, #tpu.memory_space<vmem>>, vector<16xf32>,
    %swap3A_72 = arith.constant 1 : i32
    %swap3A_73 = arith.index_cast %swap3A_72 : i32 to index
    %swap3A_74 = arith.constant 0 : index
    %swap3A_75 = tpu.vector_load %arg6[%swap3A_73, %swap3A_74] {strides = array<i32>} : memref<16x256xf32, #tpu.memory_space<vmem>>, vector<16xf32>,
    tpu.vector_store %arg6[%swap3A_73, %swap3A_74], %broadcast_in_dim3A_8 {strides = array<i32>} : memref<16x256xf32, #tpu.memory_space<vmem>>, vector<16xf32>,
    %swap3A_76 = arith.constant 1 : i32
    %swap3A_77 = arith.index_cast %swap3A_76 : i32 to index
    %swap3A_78 = arith.constant 16 : index
    %swap3A_79 = tpu.vector_load %arg6[%swap3A_77, %swap3A_78] {strides = array<i32>} : memref<16x256xf32, #tpu.memory_space<vmem>>, vector<16xf32>,
    tpu.vector_store %arg6[%swap3A_77, %swap3A_78], %broadcast_in_dim3A_8 {strides = array<i32>} : memref<16x256xf32, #tpu.memory_space<vmem>>, vector<16xf32>,
    %swap3A_80 = arith.constant 1 : i32
    %swap3A_81 = arith.index_cast %swap3A_80 : i32 to index
    %swap3A_82 = arith.constant 32 : index
    %swap3A_83 = tpu.vector_load %arg6[%swap3A_81, %swap3A_82] {strides = array<i32>} : memref<16x256xf32, #tpu.memory_space<vmem>>, vector<16xf32>,
    tpu.vector_store %arg6[%swap3A_81, %swap3A_82], %broadcast_in_dim3A_8 {strides = array<i32>} : memref<16x256xf32, #tpu.memory_space<vmem>>, vector<16xf32>,
    %swap3A_84 = arith.constant 1 : i32
    %swap3A_85 = arith.index_cast %swap3A_84 : i32 to index
    %swap3A_86 = arith.constant 48 : index
    %swap3A_87 = tpu.vector_load %arg6[%swap3A_85, %swap3A_86] {strides = array<i32>} : memref<16x256xf32, #tpu.memory_space<vmem>>, vector<16xf32>,
    tpu.vector_store %arg6[%swap3A_85, %swap3A_86], %broadcast_in_dim3A_8 {strides = array<i32>} : memref<16x256xf32, #tpu.memory_space<vmem>>, vector<16xf32>,
    %swap3A_88 = arith.constant 1 : i32
    %swap3A_89 = arith.index_cast %swap3A_88 : i32 to index
    %swap3A_90 = arith.constant 64 : index
    %swap3A_91 = tpu.vector_load %arg6[%swap3A_89, %swap3A_90] {strides = array<i32>} : memref<16x256xf32, #tpu.memory_space<vmem>>, vector<16xf32>,
    tpu.vector_store %arg6[%swap3A_89, %swap3A_90], %broadcast_in_dim3A_8 {strides = array<i32>} : memref<16x256xf32, #tpu.memory_space<vmem>>, vector<16xf32>,
    %swap3A_92 = arith.constant 1 : i32
    %swap3A_93 = arith.index_cast %swap3A_92 : i32 to index
    %swap3A_94 = arith.constant 80 : index
    %swap3A_95 = tpu.vector_load %arg6[%swap3A_93, %swap3A_94] {strides = array<i32>} : memref<16x256xf32, #tpu.memory_space<vmem>>, vector<16xf32>,
    tpu.vector_store %arg6[%swap3A_93, %swap3A_94], %broadcast_in_dim3A_8 {strides = array<i32>} : memref<16x256xf32, #tpu.memory_space<vmem>>, vector<16xf32>,
    %swap3A_96 = arith.constant 1 : i32
    %swap3A_97 = arith.index_cast %swap3A_96 : i32 to index
    %swap3A_98 = arith.constant 96 : index
    %swap3A_99 = tpu.vector_load %arg6[%swap3A_97, %swap3A_98] {strides = array<i32>} : memref<16x256xf32, #tpu.memory_space<vmem>>, vector<16xf32>,
    tpu.vector_store %arg6[%swap3A_97, %swap3A_98], %broadcast_in_dim3A_8 {strides = array<i32>} : memref<16x256xf32, #tpu.memory_space<vmem>>, vector<16xf32>,
    %swap3A_100 = arith.constant 1 : i32
    %swap3A_101 = arith.index_cast %swap3A_100 : i32 to index
    %swap3A_102 = arith.constant 112 : index
    %swap3A_103 = tpu.vector_load %arg6[%swap3A_101, %swap3A_102] {strides = array<i32>} : memref<16x256xf32, #tpu.memory_space<vmem>>, vector<16xf32>,
    tpu.vector_store %arg6[%swap3A_101, %swap3A_102], %broadcast_in_dim3A_8 {strides = array<i32>} : memref<16x256xf32, #tpu.memory_space<vmem>>, vector<16xf32>,
    %swap3A_104 = arith.constant 1 : i32
    %swap3A_105 = arith.index_cast %swap3A_104 : i32 to index
    %swap3A_106 = arith.constant 128 : index
    %swap3A_107 = tpu.vector_load %arg6[%swap3A_105, %swap3A_106] {strides = array<i32>} : memref<16x256xf32, #tpu.memory_space<vmem>>, vector<16xf32>,
    tpu.vector_store %arg6[%swap3A_105, %swap3A_106], %broadcast_in_dim3A_8 {strides = array<i32>} : memref<16x256xf32, #tpu.memory_space<vmem>>, vector<16xf32>,
    %swap3A_108 = arith.constant 1 : i32
    %swap3A_109 = arith.index_cast %swap3A_108 : i32 to index
    %swap3A_110 = arith.constant 144 : index
    %swap3A_111 = tpu.vector_load %arg6[%swap3A_109, %swap3A_110] {strides = array<i32>} : memref<16x256xf32, #tpu.memory_space<vmem>>, vector<16xf32>,
    tpu.vector_store %arg6[%swap3A_109, %swap3A_110], %broadcast_in_dim3A_8 {strides = array<i32>} : memref<16x256xf32, #tpu.memory_space<vmem>>, vector<16xf32>,
    %swap3A_112 = arith.constant 1 : i32
    %swap3A_113 = arith.index_cast %swap3A_112 : i32 to index
    %swap3A_114 = arith.constant 160 : index
    %swap3A_115 = tpu.vector_load %arg6[%swap3A_113, %swap3A_114] {strides = array<i32>} : memref<16x256xf32, #tpu.memory_space<vmem>>, vector<16xf32>,
    tpu.vector_store %arg6[%swap3A_113, %swap3A_114], %broadcast_in_dim3A_8 {strides = array<i32>} : memref<16x256xf32, #tpu.memory_space<vmem>>, vector<16xf32>,
    %swap3A_116 = arith.constant 1 : i32
    %swap3A_117 = arith.index_cast %swap3A_116 : i32 to index
    %swap3A_118 = arith.constant 176 : index
    %swap3A_119 = tpu.vector_load %arg6[%swap3A_117, %swap3A_118] {strides = array<i32>} : memref<16x256xf32, #tpu.memory_space<vmem>>, vector<16xf32>,
    tpu.vector_store %arg6[%swap3A_117, %swap3A_118], %broadcast_in_dim3A_8 {strides = array<i32>} : memref<16x256xf32, #tpu.memory_space<vmem>>, vector<16xf32>,
    %swap3A_120 = arith.constant 1 : i32
    %swap3A_121 = arith.index_cast %swap3A_120 : i32 to index
    %swap3A_122 = arith.constant 192 : index
    %swap3A_123 = tpu.vector_load %arg6[%swap3A_121, %swap3A_122] {strides = array<i32>} : memref<16x256xf32, #tpu.memory_space<vmem>>, vector<16xf32>,
    tpu.vector_store %arg6[%swap3A_121, %swap3A_122], %broadcast_in_dim3A_8 {strides = array<i32>} : memref<16x256xf32, #tpu.memory_space<vmem>>, vector<16xf32>,
    %swap3A_124 = arith.constant 1 : i32
    %swap3A_125 = arith.index_cast %swap3A_124 : i32 to index
    %swap3A_126 = arith.constant 208 : index
    %swap3A_127 = tpu.vector_load %arg6[%swap3A_125, %swap3A_126] {strides = array<i32>} : memref<16x256xf32, #tpu.memory_space<vmem>>, vector<16xf32>,
    tpu.vector_store %arg6[%swap3A_125, %swap3A_126], %broadcast_in_dim3A_8 {strides = array<i32>} : memref<16x256xf32, #tpu.memory_space<vmem>>, vector<16xf32>,
    %swap3A_128 = arith.constant 1 : i32
    %swap3A_129 = arith.index_cast %swap3A_128 : i32 to index
    %swap3A_130 = arith.constant 224 : index
    %swap3A_131 = tpu.vector_load %arg6[%swap3A_129, %swap3A_130] {strides = array<i32>} : memref<16x256xf32, #tpu.memory_space<vmem>>, vector<16xf32>,
    tpu.vector_store %arg6[%swap3A_129, %swap3A_130], %broadcast_in_dim3A_8 {strides = array<i32>} : memref<16x256xf32, #tpu.memory_space<vmem>>, vector<16xf32>,
    %swap3A_132 = arith.constant 1 : i32
    %swap3A_133 = arith.index_cast %swap3A_132 : i32 to index
    %swap3A_134 = arith.constant 240 : index
    %swap3A_135 = tpu.vector_load %arg6[%swap3A_133, %swap3A_134] {strides = array<i32>} : memref<16x256xf32, #tpu.memory_space<vmem>>, vector<16xf32>,
    tpu.vector_store %arg6[%swap3A_133, %swap3A_134], %broadcast_in_dim3A_8 {strides = array<i32>} : memref<16x256xf32, #tpu.memory_space<vmem>>, vector<16xf32>,
    %swap3A_136 = arith.constant 2 : i32
    %swap3A_137 = arith.index_cast %swap3A_136 : i32 to index
    %swap3A_138 = arith.constant 0 : index
    %swap3A_139 = tpu.vector_load %arg6[%swap3A_137, %swap3A_138] {strides = array<i32>} : memref<16x256xf32, #tpu.memory_space<vmem>>, vector<16xf32>,
    tpu.vector_store %arg6[%swap3A_137, %swap3A_138], %broadcast_in_dim3A_8 {strides = array<i32>} : memref<16x256xf32, #tpu.memory_space<vmem>>, vector<16xf32>,
    %swap3A_140 = arith.constant 2 : i32
    %swap3A_141 = arith.index_cast %swap3A_140 : i32 to index
    %swap3A_142 = arith.constant 16 : index
    %swap3A_143 = tpu.vector_load %arg6[%swap3A_141, %swap3A_142] {strides = array<i32>} : memref<16x256xf32, #tpu.memory_space<vmem>>, vector<16xf32>,
    tpu.vector_store %arg6[%swap3A_141, %swap3A_142], %broadcast_in_dim3A_8 {strides = array<i32>} : memref<16x256xf32, #tpu.memory_space<vmem>>, vector<16xf32>,
    %swap3A_144 = arith.constant 2 : i32
    %swap3A_145 = arith.index_cast %swap3A_144 : i32 to index
    %swap3A_146 = arith.constant 32 : index
    %swap3A_147 = tpu.vector_load %arg6[%swap3A_145, %swap3A_146] {strides = array<i32>} : memref<16x256xf32, #tpu.memory_space<vmem>>, vector<16xf32>,
    tpu.vector_store %arg6[%swap3A_145, %swap3A_146], %broadcast_in_dim3A_8 {strides = array<i32>} : memref<16x256xf32, #tpu.memory_space<vmem>>, vector<16xf32>,
    %swap3A_148 = arith.constant 2 : i32
    %swap3A_149 = arith.index_cast %swap3A_148 : i32 to index
    %swap3A_150 = arith.constant 48 : index
    %swap3A_151 = tpu.vector_load %arg6[%swap3A_149, %swap3A_150] {strides = array<i32>} : memref<16x256xf32, #tpu.memory_space<vmem>>, vector<16xf32>,
    tpu.vector_store %arg6[%swap3A_149, %swap3A_150], %broadcast_in_dim3A_8 {strides = array<i32>} : memref<16x256xf32, #tpu.memory_space<vmem>>, vector<16xf32>,
    %swap3A_152 = arith.constant 2 : i32
    %swap3A_153 = arith.index_cast %swap3A_152 : i32 to index
    %swap3A_154 = arith.constant 64 : index
    %swap3A_155 = tpu.vector_load %arg6[%swap3A_153, %swap3A_154] {strides = array<i32>} : memref<16x256xf32, #tpu.memory_space<vmem>>, vector<16xf32>,
    tpu.vector_store %arg6[%swap3A_153, %swap3A_154], %broadcast_in_dim3A_8 {strides = array<i32>} : memref<16x256xf32, #tpu.memory_space<vmem>>, vector<16xf32>,
    %swap3A_156 = arith.constant 2 : i32
    %swap3A_157 = arith.index_cast %swap3A_156 : i32 to index
    %swap3A_158 = arith.constant 80 : index
    %swap3A_159 = tpu.vector_load %arg6[%swap3A_157, %swap3A_158] {strides = array<i32>} : memref<16x256xf32, #tpu.memory_space<vmem>>, vector<16xf32>,
    tpu.vector_store %arg6[%swap3A_157, %swap3A_158], %broadcast_in_dim3A_8 {strides = array<i32>} : memref<16x256xf32, #tpu.memory_space<vmem>>, vector<16xf32>,
    %swap3A_160 = arith.constant 2 : i32
    %swap3A_161 = arith.index_cast %swap3A_160 : i32 to index
    %swap3A_162 = arith.constant 96 : index
    %swap3A_163 = tpu.vector_load %arg6[%swap3A_161, %swap3A_162] {strides = array<i32>} : memref<16x256xf32, #tpu.memory_space<vmem>>, vector<16xf32>,
    tpu.vector_store %arg6[%swap3A_161, %swap3A_162], %broadcast_in_dim3A_8 {strides = array<i32>} : memref<16x256xf32, #tpu.memory_space<vmem>>, vector<16xf32>,
    %swap3A_164 = arith.constant 2 : i32
    %swap3A_165 = arith.index_cast %swap3A_164 : i32 to index
    %swap3A_166 = arith.constant 112 : index
    %swap3A_167 = tpu.vector_load %arg6[%swap3A_165, %swap3A_166] {strides = array<i32>} : memref<16x256xf32, #tpu.memory_space<vmem>>, vector<16xf32>,
    tpu.vector_store %arg6[%swap3A_165, %swap3A_166], %broadcast_in_dim3A_8 {strides = array<i32>} : memref<16x256xf32, #tpu.memory_space<vmem>>, vector<16xf32>,
    %swap3A_168 = arith.constant 2 : i32
    %swap3A_169 = arith.index_cast %swap3A_168 : i32 to index
    %swap3A_170 = arith.constant 128 : index
    %swap3A_171 = tpu.vector_load %arg6[%swap3A_169, %swap3A_170] {strides = array<i32>} : memref<16x256xf32, #tpu.memory_space<vmem>>, vector<16xf32>,
    tpu.vector_store %arg6[%swap3A_169, %swap3A_170], %broadcast_in_dim3A_8 {strides = array<i32>} : memref<16x256xf32, #tpu.memory_space<vmem>>, vector<16xf32>,
    %swap3A_172 = arith.constant 2 : i32
    %swap3A_173 = arith.index_cast %swap3A_172 : i32 to index
    %swap3A_174 = arith.constant 144 : index
    %swap3A_175 = tpu.vector_load %arg6[%swap3A_173, %swap3A_174] {strides = array<i32>} : memref<16x256xf32, #tpu.memory_space<vmem>>, vector<16xf32>,
    tpu.vector_store %arg6[%swap3A_173, %swap3A_174], %broadcast_in_dim3A_8 {strides = array<i32>} : memref<16x256xf32, #tpu.memory_space<vmem>>, vector<16xf32>,
    %swap3A_176 = arith.constant 2 : i32
    %swap3A_177 = arith.index_cast %swap3A_176 : i32 to index
    %swap3A_178 = arith.constant 160 : index
    %swap3A_179 = tpu.vector_load %arg6[%swap3A_177, %swap3A_178] {strides = array<i32>} : memref<16x256xf32, #tpu.memory_space<vmem>>, vector<16xf32>,
    tpu.vector_store %arg6[%swap3A_177, %swap3A_178], %broadcast_in_dim3A_8 {strides = array<i32>} : memref<16x256xf32, #tpu.memory_space<vmem>>, vector<16xf32>,
    %swap3A_180 = arith.constant 2 : i32
    %swap3A_181 = arith.index_cast %swap3A_180 : i32 to index
    %swap3A_182 = arith.constant 176 : index
    %swap3A_183 = tpu.vector_load %arg6[%swap3A_181, %swap3A_182] {strides = array<i32>} : memref<16x256xf32, #tpu.memory_space<vmem>>, vector<16xf32>,
    tpu.vector_store %arg6[%swap3A_181, %swap3A_182], %broadcast_in_dim3A_8 {strides = array<i32>} : memref<16x256xf32, #tpu.memory_space<vmem>>, vector<16xf32>,
    %swap3A_184 = arith.constant 2 : i32
    %swap3A_185 = arith.index_cast %swap3A_184 : i32 to index
    %swap3A_186 = arith.constant 192 : index
    %swap3A_187 = tpu.vector_load %arg6[%swap3A_185, %swap3A_186] {strides = array<i32>} : memref<16x256xf32, #tpu.memory_space<vmem>>, vector<16xf32>,
    tpu.vector_store %arg6[%swap3A_185, %swap3A_186], %broadcast_in_dim3A_8 {strides = array<i32>} : memref<16x256xf32, #tpu.memory_space<vmem>>, vector<16xf32>,
    %swap3A_188 = arith.constant 2 : i32
    %swap3A_189 = arith.index_cast %swap3A_188 : i32 to index
    %swap3A_190 = arith.constant 208 : index
    %swap3A_191 = tpu.vector_load %arg6[%swap3A_189, %swap3A_190] {strides = array<i32>} : memref<16x256xf32, #tpu.memory_space<vmem>>, vector<16xf32>,
    tpu.vector_store %arg6[%swap3A_189, %swap3A_190], %broadcast_in_dim3A_8 {strides = array<i32>} : memref<16x256xf32, #tpu.memory_space<vmem>>, vector<16xf32>,
    %swap3A_192 = arith.constant 2 : i32
    %swap3A_193 = arith.index_cast %swap3A_192 : i32 to index
    %swap3A_194 = arith.constant 224 : index
    %swap3A_195 = tpu.vector_load %arg6[%swap3A_193, %swap3A_194] {strides = array<i32>} : memref<16x256xf32, #tpu.memory_space<vmem>>, vector<16xf32>,
    tpu.vector_store %arg6[%swap3A_193, %swap3A_194], %broadcast_in_dim3A_8 {strides = array<i32>} : memref<16x256xf32, #tpu.memory_space<vmem>>, vector<16xf32>,
    %swap3A_196 = arith.constant 2 : i32
    %swap3A_197 = arith.index_cast %swap3A_196 : i32 to index
    %swap3A_198 = arith.constant 240 : index
    %swap3A_199 = tpu.vector_load %arg6[%swap3A_197, %swap3A_198] {strides = array<i32>} : memref<16x256xf32, #tpu.memory_space<vmem>>, vector<16xf32>,
    tpu.vector_store %arg6[%swap3A_197, %swap3A_198], %broadcast_in_dim3A_8 {strides = array<i32>} : memref<16x256xf32, #tpu.memory_space<vmem>>, vector<16xf32>,
    %swap3A_200 = arith.constant 3 : i32
    %swap3A_201 = arith.index_cast %swap3A_200 : i32 to index
    %swap3A_202 = arith.constant 0 : index
    %swap3A_203 = tpu.vector_load %arg6[%swap3A_201, %swap3A_202] {strides = array<i32>} : memref<16x256xf32, #tpu.memory_space<vmem>>, vector<16xf32>,
    tpu.vector_store %arg6[%swap3A_201, %swap3A_202], %broadcast_in_dim3A_8 {strides = array<i32>} : memref<16x256xf32, #tpu.memory_space<vmem>>, vector<16xf32>,
    %swap3A_204 = arith.constant 3 : i32
    %swap3A_205 = arith.index_cast %swap3A_204 : i32 to index
    %swap3A_206 = arith.constant 16 : index
    %swap3A_207 = tpu.vector_load %arg6[%swap3A_205, %swap3A_206] {strides = array<i32>} : memref<16x256xf32, #tpu.memory_space<vmem>>, vector<16xf32>,
    tpu.vector_store %arg6[%swap3A_205, %swap3A_206], %broadcast_in_dim3A_8 {strides = array<i32>} : memref<16x256xf32, #tpu.memory_space<vmem>>, vector<16xf32>,
    %swap3A_208 = arith.constant 3 : i32
    %swap3A_209 = arith.index_cast %swap3A_208 : i32 to index
    %swap3A_210 = arith.constant 32 : index
    %swap3A_211 = tpu.vector_load %arg6[%swap3A_209, %swap3A_210] {strides = array<i32>} : memref<16x256xf32, #tpu.memory_space<vmem>>, vector<16xf32>,
    tpu.vector_store %arg6[%swap3A_209, %swap3A_210], %broadcast_in_dim3A_8 {strides = array<i32>} : memref<16x256xf32, #tpu.memory_space<vmem>>, vector<16xf32>,
    %swap3A_212 = arith.constant 3 : i32
    %swap3A_213 = arith.index_cast %swap3A_212 : i32 to index
    %swap3A_214 = arith.constant 48 : index
    %swap3A_215 = tpu.vector_load %arg6[%swap3A_213, %swap3A_214] {strides = array<i32>} : memref<16x256xf32, #tpu.memory_space<vmem>>, vector<16xf32>,
    tpu.vector_store %arg6[%swap3A_213, %swap3A_214], %broadcast_in_dim3A_8 {strides = array<i32>} : memref<16x256xf32, #tpu.memory_space<vmem>>, vector<16xf32>,
    %swap3A_216 = arith.constant 3 : i32
    %swap3A_217 = arith.index_cast %swap3A_216 : i32 to index
    %swap3A_218 = arith.constant 64 : index
    %swap3A_219 = tpu.vector_load %arg6[%swap3A_217, %swap3A_218] {strides = array<i32>} : memref<16x256xf32, #tpu.memory_space<vmem>>, vector<16xf32>,
    tpu.vector_store %arg6[%swap3A_217, %swap3A_218], %broadcast_in_dim3A_8 {strides = array<i32>} : memref<16x256xf32, #tpu.memory_space<vmem>>, vector<16xf32>,
    %swap3A_220 = arith.constant 3 : i32
    %swap3A_221 = arith.index_cast %swap3A_220 : i32 to index
    %swap3A_222 = arith.constant 80 : index
    %swap3A_223 = tpu.vector_load %arg6[%swap3A_221, %swap3A_222] {strides = array<i32>} : memref<16x256xf32, #tpu.memory_space<vmem>>, vector<16xf32>,
    tpu.vector_store %arg6[%swap3A_221, %swap3A_222], %broadcast_in_dim3A_8 {strides = array<i32>} : memref<16x256xf32, #tpu.memory_space<vmem>>, vector<16xf32>,
    %swap3A_224 = arith.constant 3 : i32
    %swap3A_225 = arith.index_cast %swap3A_224 : i32 to index
    %swap3A_226 = arith.constant 96 : index
    %swap3A_227 = tpu.vector_load %arg6[%swap3A_225, %swap3A_226] {strides = array<i32>} : memref<16x256xf32, #tpu.memory_space<vmem>>, vector<16xf32>,
    tpu.vector_store %arg6[%swap3A_225, %swap3A_226], %broadcast_in_dim3A_8 {strides = array<i32>} : memref<16x256xf32, #tpu.memory_space<vmem>>, vector<16xf32>,
    %swap3A_228 = arith.constant 3 : i32
    %swap3A_229 = arith.index_cast %swap3A_228 : i32 to index
    %swap3A_230 = arith.constant 112 : index
    %swap3A_231 = tpu.vector_load %arg6[%swap3A_229, %swap3A_230] {strides = array<i32>} : memref<16x256xf32, #tpu.memory_space<vmem>>, vector<16xf32>,
    tpu.vector_store %arg6[%swap3A_229, %swap3A_230], %broadcast_in_dim3A_8 {strides = array<i32>} : memref<16x256xf32, #tpu.memory_space<vmem>>, vector<16xf32>,
    %swap3A_232 = arith.constant 3 : i32
    %swap3A_233 = arith.index_cast %swap3A_232 : i32 to index
    %swap3A_234 = arith.constant 128 : index
    %swap3A_235 = tpu.vector_load %arg6[%swap3A_233, %swap3A_234] {strides = array<i32>} : memref<16x256xf32, #tpu.memory_space<vmem>>, vector<16xf32>,
    tpu.vector_store %arg6[%swap3A_233, %swap3A_234], %broadcast_in_dim3A_8 {strides = array<i32>} : memref<16x256xf32, #tpu.memory_space<vmem>>, vector<16xf32>,
    %swap3A_236 = arith.constant 3 : i32
    %swap3A_237 = arith.index_cast %swap3A_236 : i32 to index
    %swap3A_238 = arith.constant 144 : index
    %swap3A_239 = tpu.vector_load %arg6[%swap3A_237, %swap3A_238] {strides = array<i32>} : memref<16x256xf32, #tpu.memory_space<vmem>>, vector<16xf32>,
    tpu.vector_store %arg6[%swap3A_237, %swap3A_238], %broadcast_in_dim3A_8 {strides = array<i32>} : memref<16x256xf32, #tpu.memory_space<vmem>>, vector<16xf32>,
    %swap3A_240 = arith.constant 3 : i32
    %swap3A_241 = arith.index_cast %swap3A_240 : i32 to index
    %swap3A_242 = arith.constant 160 : index
    %swap3A_243 = tpu.vector_load %arg6[%swap3A_241, %swap3A_242] {strides = array<i32>} : memref<16x256xf32, #tpu.memory_space<vmem>>, vector<16xf32>,
    tpu.vector_store %arg6[%swap3A_241, %swap3A_242], %broadcast_in_dim3A_8 {strides = array<i32>} : memref<16x256xf32, #tpu.memory_space<vmem>>, vector<16xf32>,
    %swap3A_244 = arith.constant 3 : i32
    %swap3A_245 = arith.index_cast %swap3A_244 : i32 to index
    %swap3A_246 = arith.constant 176 : index
    %swap3A_247 = tpu.vector_load %arg6[%swap3A_245, %swap3A_246] {strides = array<i32>} : memref<16x256xf32, #tpu.memory_space<vmem>>, vector<16xf32>,
    tpu.vector_store %arg6[%swap3A_245, %swap3A_246], %broadcast_in_dim3A_8 {strides = array<i32>} : memref<16x256xf32, #tpu.memory_space<vmem>>, vector<16xf32>,
    %swap3A_248 = arith.constant 3 : i32
    %swap3A_249 = arith.index_cast %swap3A_248 : i32 to index
    %swap3A_250 = arith.constant 192 : index
    %swap3A_251 = tpu.vector_load %arg6[%swap3A_249, %swap3A_250] {strides = array<i32>} : memref<16x256xf32, #tpu.memory_space<vmem>>, vector<16xf32>,
    tpu.vector_store %arg6[%swap3A_249, %swap3A_250], %broadcast_in_dim3A_8 {strides = array<i32>} : memref<16x256xf32, #tpu.memory_space<vmem>>, vector<16xf32>,
    %swap3A_252 = arith.constant 3 : i32
    %swap3A_253 = arith.index_cast %swap3A_252 : i32 to index
    %swap3A_254 = arith.constant 208 : index
    %swap3A_255 = tpu.vector_load %arg6[%swap3A_253, %swap3A_254] {strides = array<i32>} : memref<16x256xf32, #tpu.memory_space<vmem>>, vector<16xf32>,
    tpu.vector_store %arg6[%swap3A_253, %swap3A_254], %broadcast_in_dim3A_8 {strides = array<i32>} : memref<16x256xf32, #tpu.memory_space<vmem>>, vector<16xf32>,
    %swap3A_256 = arith.constant 3 : i32
    %swap3A_257 = arith.index_cast %swap3A_256 : i32 to index
    %swap3A_258 = arith.constant 224 : index
    %swap3A_259 = tpu.vector_load %arg6[%swap3A_257, %swap3A_258] {strides = array<i32>} : memref<16x256xf32, #tpu.memory_space<vmem>>, vector<16xf32>,
    tpu.vector_store %arg6[%swap3A_257, %swap3A_258], %broadcast_in_dim3A_8 {strides = array<i32>} : memref<16x256xf32, #tpu.memory_space<vmem>>, vector<16xf32>,
    %swap3A_260 = arith.constant 3 : i32
    %swap3A_261 = arith.index_cast %swap3A_260 : i32 to index
    %swap3A_262 = arith.constant 240 : index
    %swap3A_263 = tpu.vector_load %arg6[%swap3A_261, %swap3A_262] {strides = array<i32>} : memref<16x256xf32, #tpu.memory_space<vmem>>, vector<16xf32>,
    tpu.vector_store %arg6[%swap3A_261, %swap3A_262], %broadcast_in_dim3A_8 {strides = array<i32>} : memref<16x256xf32, #tpu.memory_space<vmem>>, vector<16xf32>,
    %swap3A_264 = arith.constant 4 : i32
    %swap3A_265 = arith.index_cast %swap3A_264 : i32 to index
    %swap3A_266 = arith.constant 0 : index
    %swap3A_267 = tpu.vector_load %arg6[%swap3A_265, %swap3A_266] {strides = array<i32>} : memref<16x256xf32, #tpu.memory_space<vmem>>, vector<16xf32>,
    tpu.vector_store %arg6[%swap3A_265, %swap3A_266], %broadcast_in_dim3A_8 {strides = array<i32>} : memref<16x256xf32, #tpu.memory_space<vmem>>, vector<16xf32>,
    %swap3A_268 = arith.constant 4 : i32
    %swap3A_269 = arith.index_cast %swap3A_268 : i32 to index
    %swap3A_270 = arith.constant 16 : index
    %swap3A_271 = tpu.vector_load %arg6[%swap3A_269, %swap3A_270] {strides = array<i32>} : memref<16x256xf32, #tpu.memory_space<vmem>>, vector<16xf32>,
    tpu.vector_store %arg6[%swap3A_269, %swap3A_270], %broadcast_in_dim3A_8 {strides = array<i32>} : memref<16x256xf32, #tpu.memory_space<vmem>>, vector<16xf32>,
    %swap3A_272 = arith.constant 4 : i32
    %swap3A_273 = arith.index_cast %swap3A_272 : i32 to index
    %swap3A_274 = arith.constant 32 : index
    %swap3A_275 = tpu.vector_load %arg6[%swap3A_273, %swap3A_274] {strides = array<i32>} : memref<16x256xf32, #tpu.memory_space<vmem>>, vector<16xf32>,
    tpu.vector_store %arg6[%swap3A_273, %swap3A_274], %broadcast_in_dim3A_8 {strides = array<i32>} : memref<16x256xf32, #tpu.memory_space<vmem>>, vector<16xf32>,
    %swap3A_276 = arith.constant 4 : i32
    %swap3A_277 = arith.index_cast %swap3A_276 : i32 to index
    %swap3A_278 = arith.constant 48 : index
    %swap3A_279 = tpu.vector_load %arg6[%swap3A_277, %swap3A_278] {strides = array<i32>} : memref<16x256xf32, #tpu.memory_space<vmem>>, vector<16xf32>,
    tpu.vector_store %arg6[%swap3A_277, %swap3A_278], %broadcast_in_dim3A_8 {strides = array<i32>} : memref<16x256xf32, #tpu.memory_space<vmem>>, vector<16xf32>,
    %swap3A_280 = arith.constant 4 : i32
    %swap3A_281 = arith.index_cast %swap3A_280 : i32 to index
    %swap3A_282 = arith.constant 64 : index
    %swap3A_283 = tpu.vector_load %arg6[%swap3A_281, %swap3A_282] {strides = array<i32>} : memref<16x256xf32, #tpu.memory_space<vmem>>, vector<16xf32>,
    tpu.vector_store %arg6[%swap3A_281, %swap3A_282], %broadcast_in_dim3A_8 {strides = array<i32>} : memref<16x256xf32, #tpu.memory_space<vmem>>, vector<16xf32>,
    %swap3A_284 = arith.constant 4 : i32
    %swap3A_285 = arith.index_cast %swap3A_284 : i32 to index
    %swap3A_286 = arith.constant 80 : index
    %swap3A_287 = tpu.vector_load %arg6[%swap3A_285, %swap3A_286] {strides = array<i32>} : memref<16x256xf32, #tpu.memory_space<vmem>>, vector<16xf32>,
    tpu.vector_store %arg6[%swap3A_285, %swap3A_286], %broadcast_in_dim3A_8 {strides = array<i32>} : memref<16x256xf32, #tpu.memory_space<vmem>>, vector<16xf32>,
    %swap3A_288 = arith.constant 4 : i32
    %swap3A_289 = arith.index_cast %swap3A_288 : i32 to index
    %swap3A_290 = arith.constant 96 : index
    %swap3A_291 = tpu.vector_load %arg6[%swap3A_289, %swap3A_290] {strides = array<i32>} : memref<16x256xf32, #tpu.memory_space<vmem>>, vector<16xf32>,
    tpu.vector_store %arg6[%swap3A_289, %swap3A_290], %broadcast_in_dim3A_8 {strides = array<i32>} : memref<16x256xf32, #tpu.memory_space<vmem>>, vector<16xf32>,
    %swap3A_292 = arith.constant 4 : i32
    %swap3A_293 = arith.index_cast %swap3A_292 : i32 to index
    %swap3A_294 = arith.constant 112 : index
    %swap3A_295 = tpu.vector_load %arg6[%swap3A_293, %swap3A_294] {strides = array<i32>} : memref<16x256xf32, #tpu.memory_space<vmem>>, vector<16xf32>,
    tpu.vector_store %arg6[%swap3A_293, %swap3A_294], %broadcast_in_dim3A_8 {strides = array<i32>} : memref<16x256xf32, #tpu.memory_space<vmem>>, vector<16xf32>,
    %swap3A_296 = arith.constant 4 : i32
    %swap3A_297 = arith.index_cast %swap3A_296 : i32 to index
    %swap3A_298 = arith.constant 128 : index
    %swap3A_299 = tpu.vector_load %arg6[%swap3A_297, %swap3A_298] {strides = array<i32>} : memref<16x256xf32, #tpu.memory_space<vmem>>, vector<16xf32>,
    tpu.vector_store %arg6[%swap3A_297, %swap3A_298], %broadcast_in_dim3A_8 {strides = array<i32>} : memref<16x256xf32, #tpu.memory_space<vmem>>, vector<16xf32>,
    %swap3A_300 = arith.constant 4 : i32
    %swap3A_301 = arith.index_cast %swap3A_300 : i32 to index
    %swap3A_302 = arith.constant 144 : index
    %swap3A_303 = tpu.vector_load %arg6[%swap3A_301, %swap3A_302] {strides = array<i32>} : memref<16x256xf32, #tpu.memory_space<vmem>>, vector<16xf32>,
    tpu.vector_store %arg6[%swap3A_301, %swap3A_302], %broadcast_in_dim3A_8 {strides = array<i32>} : memref<16x256xf32, #tpu.memory_space<vmem>>, vector<16xf32>,
    %swap3A_304 = arith.constant 4 : i32
    %swap3A_305 = arith.index_cast %swap3A_304 : i32 to index
    %swap3A_306 = arith.constant 160 : index
    %swap3A_307 = tpu.vector_load %arg6[%swap3A_305, %swap3A_306] {strides = array<i32>} : memref<16x256xf32, #tpu.memory_space<vmem>>, vector<16xf32>,
    tpu.vector_store %arg6[%swap3A_305, %swap3A_306], %broadcast_in_dim3A_8 {strides = array<i32>} : memref<16x256xf32, #tpu.memory_space<vmem>>, vector<16xf32>,
    %swap3A_308 = arith.constant 4 : i32
    %swap3A_309 = arith.index_cast %swap3A_308 : i32 to index
    %swap3A_310 = arith.constant 176 : index
    %swap3A_311 = tpu.vector_load %arg6[%swap3A_309, %swap3A_310] {strides = array<i32>} : memref<16x256xf32, #tpu.memory_space<vmem>>, vector<16xf32>,
    tpu.vector_store %arg6[%swap3A_309, %swap3A_310], %broadcast_in_dim3A_8 {strides = array<i32>} : memref<16x256xf32, #tpu.memory_space<vmem>>, vector<16xf32>,
    %swap3A_312 = arith.constant 4 : i32
    %swap3A_313 = arith.index_cast %swap3A_312 : i32 to index
    %swap3A_314 = arith.constant 192 : index
    %swap3A_315 = tpu.vector_load %arg6[%swap3A_313, %swap3A_314] {strides = array<i32>} : memref<16x256xf32, #tpu.memory_space<vmem>>, vector<16xf32>,
    tpu.vector_store %arg6[%swap3A_313, %swap3A_314], %broadcast_in_dim3A_8 {strides = array<i32>} : memref<16x256xf32, #tpu.memory_space<vmem>>, vector<16xf32>,
    %swap3A_316 = arith.constant 4 : i32
    %swap3A_317 = arith.index_cast %swap3A_316 : i32 to index
    %swap3A_318 = arith.constant 208 : index
    %swap3A_319 = tpu.vector_load %arg6[%swap3A_317, %swap3A_318] {strides = array<i32>} : memref<16x256xf32, #tpu.memory_space<vmem>>, vector<16xf32>,
    tpu.vector_store %arg6[%swap3A_317, %swap3A_318], %broadcast_in_dim3A_8 {strides = array<i32>} : memref<16x256xf32, #tpu.memory_space<vmem>>, vector<16xf32>,
    %swap3A_320 = arith.constant 4 : i32
    %swap3A_321 = arith.index_cast %swap3A_320 : i32 to index
    %swap3A_322 = arith.constant 224 : index
    %swap3A_323 = tpu.vector_load %arg6[%swap3A_321, %swap3A_322] {strides = array<i32>} : memref<16x256xf32, #tpu.memory_space<vmem>>, vector<16xf32>,
    tpu.vector_store %arg6[%swap3A_321, %swap3A_322], %broadcast_in_dim3A_8 {strides = array<i32>} : memref<16x256xf32, #tpu.memory_space<vmem>>, vector<16xf32>,
    %swap3A_324 = arith.constant 4 : i32
    %swap3A_325 = arith.index_cast %swap3A_324 : i32 to index
    %swap3A_326 = arith.constant 240 : index
    %swap3A_327 = tpu.vector_load %arg6[%swap3A_325, %swap3A_326] {strides = array<i32>} : memref<16x256xf32, #tpu.memory_space<vmem>>, vector<16xf32>,
    tpu.vector_store %arg6[%swap3A_325, %swap3A_326], %broadcast_in_dim3A_8 {strides = array<i32>} : memref<16x256xf32, #tpu.memory_space<vmem>>, vector<16xf32>,
    %swap3A_328 = arith.constant 5 : i32
    %swap3A_329 = arith.index_cast %swap3A_328 : i32 to index
    %swap3A_330 = arith.constant 0 : index
    %swap3A_331 = tpu.vector_load %arg6[%swap3A_329, %swap3A_330] {strides = array<i32>} : memref<16x256xf32, #tpu.memory_space<vmem>>, vector<16xf32>,
    tpu.vector_store %arg6[%swap3A_329, %swap3A_330], %broadcast_in_dim3A_8 {strides = array<i32>} : memref<16x256xf32, #tpu.memory_space<vmem>>, vector<16xf32>,
    %swap3A_332 = arith.constant 5 : i32
    %swap3A_333 = arith.index_cast %swap3A_332 : i32 to index
    %swap3A_334 = arith.constant 16 : index
    %swap3A_335 = tpu.vector_load %arg6[%swap3A_333, %swap3A_334] {strides = array<i32>} : memref<16x256xf32, #tpu.memory_space<vmem>>, vector<16xf32>,
    tpu.vector_store %arg6[%swap3A_333, %swap3A_334], %broadcast_in_dim3A_8 {strides = array<i32>} : memref<16x256xf32, #tpu.memory_space<vmem>>, vector<16xf32>,
    %swap3A_336 = arith.constant 5 : i32
    %swap3A_337 = arith.index_cast %swap3A_336 : i32 to index
    %swap3A_338 = arith.constant 32 : index
    %swap3A_339 = tpu.vector_load %arg6[%swap3A_337, %swap3A_338] {strides = array<i32>} : memref<16x256xf32, #tpu.memory_space<vmem>>, vector<16xf32>,
    tpu.vector_store %arg6[%swap3A_337, %swap3A_338], %broadcast_in_dim3A_8 {strides = array<i32>} : memref<16x256xf32, #tpu.memory_space<vmem>>, vector<16xf32>,
    %swap3A_340 = arith.constant 5 : i32
    %swap3A_341 = arith.index_cast %swap3A_340 : i32 to index
    %swap3A_342 = arith.constant 48 : index
    %swap3A_343 = tpu.vector_load %arg6[%swap3A_341, %swap3A_342] {strides = array<i32>} : memref<16x256xf32, #tpu.memory_space<vmem>>, vector<16xf32>,
    tpu.vector_store %arg6[%swap3A_341, %swap3A_342], %broadcast_in_dim3A_8 {strides = array<i32>} : memref<16x256xf32, #tpu.memory_space<vmem>>, vector<16xf32>,
    %swap3A_344 = arith.constant 5 : i32
    %swap3A_345 = arith.index_cast %swap3A_344 : i32 to index
    %swap3A_346 = arith.constant 64 : index
    %swap3A_347 = tpu.vector_load %arg6[%swap3A_345, %swap3A_346] {strides = array<i32>} : memref<16x256xf32, #tpu.memory_space<vmem>>, vector<16xf32>,
    tpu.vector_store %arg6[%swap3A_345, %swap3A_346], %broadcast_in_dim3A_8 {strides = array<i32>} : memref<16x256xf32, #tpu.memory_space<vmem>>, vector<16xf32>,
    %swap3A_348 = arith.constant 5 : i32
    %swap3A_349 = arith.index_cast %swap3A_348 : i32 to index
    %swap3A_350 = arith.constant 80 : index
    %swap3A_351 = tpu.vector_load %arg6[%swap3A_349, %swap3A_350] {strides = array<i32>} : memref<16x256xf32, #tpu.memory_space<vmem>>, vector<16xf32>,
    tpu.vector_store %arg6[%swap3A_349, %swap3A_350], %broadcast_in_dim3A_8 {strides = array<i32>} : memref<16x256xf32, #tpu.memory_space<vmem>>, vector<16xf32>,
    %swap3A_352 = arith.constant 5 : i32
    %swap3A_353 = arith.index_cast %swap3A_352 : i32 to index
    %swap3A_354 = arith.constant 96 : index
    %swap3A_355 = tpu.vector_load %arg6[%swap3A_353, %swap3A_354] {strides = array<i32>} : memref<16x256xf32, #tpu.memory_space<vmem>>, vector<16xf32>,
    tpu.vector_store %arg6[%swap3A_353, %swap3A_354], %broadcast_in_dim3A_8 {strides = array<i32>} : memref<16x256xf32, #tpu.memory_space<vmem>>, vector<16xf32>,
    %swap3A_356 = arith.constant 5 : i32
    %swap3A_357 = arith.index_cast %swap3A_356 : i32 to index
    %swap3A_358 = arith.constant 112 : index
    %swap3A_359 = tpu.vector_load %arg6[%swap3A_357, %swap3A_358] {strides = array<i32>} : memref<16x256xf32, #tpu.memory_space<vmem>>, vector<16xf32>,
    tpu.vector_store %arg6[%swap3A_357, %swap3A_358], %broadcast_in_dim3A_8 {strides = array<i32>} : memref<16x256xf32, #tpu.memory_space<vmem>>, vector<16xf32>,
    %swap3A_360 = arith.constant 5 : i32
    %swap3A_361 = arith.index_cast %swap3A_360 : i32 to index
    %swap3A_362 = arith.constant 128 : index
    %swap3A_363 = tpu.vector_load %arg6[%swap3A_361, %swap3A_362] {strides = array<i32>} : memref<16x256xf32, #tpu.memory_space<vmem>>, vector<16xf32>,
    tpu.vector_store %arg6[%swap3A_361, %swap3A_362], %broadcast_in_dim3A_8 {strides = array<i32>} : memref<16x256xf32, #tpu.memory_space<vmem>>, vector<16xf32>,
    %swap3A_364 = arith.constant 5 : i32
    %swap3A_365 = arith.index_cast %swap3A_364 : i32 to index
    %swap3A_366 = arith.constant 144 : index
    %swap3A_367 = tpu.vector_load %arg6[%swap3A_365, %swap3A_366] {strides = array<i32>} : memref<16x256xf32, #tpu.memory_space<vmem>>, vector<16xf32>,
    tpu.vector_store %arg6[%swap3A_365, %swap3A_366], %broadcast_in_dim3A_8 {strides = array<i32>} : memref<16x256xf32, #tpu.memory_space<vmem>>, vector<16xf32>,
    %swap3A_368 = arith.constant 5 : i32
    %swap3A_369 = arith.index_cast %swap3A_368 : i32 to index
    %swap3A_370 = arith.constant 160 : index
    %swap3A_371 = tpu.vector_load %arg6[%swap3A_369, %swap3A_370] {strides = array<i32>} : memref<16x256xf32, #tpu.memory_space<vmem>>, vector<16xf32>,
    tpu.vector_store %arg6[%swap3A_369, %swap3A_370], %broadcast_in_dim3A_8 {strides = array<i32>} : memref<16x256xf32, #tpu.memory_space<vmem>>, vector<16xf32>,
    %swap3A_372 = arith.constant 5 : i32
    %swap3A_373 = arith.index_cast %swap3A_372 : i32 to index
    %swap3A_374 = arith.constant 176 : index
    %swap3A_375 = tpu.vector_load %arg6[%swap3A_373, %swap3A_374] {strides = array<i32>} : memref<16x256xf32, #tpu.memory_space<vmem>>, vector<16xf32>,
    tpu.vector_store %arg6[%swap3A_373, %swap3A_374], %broadcast_in_dim3A_8 {strides = array<i32>} : memref<16x256xf32, #tpu.memory_space<vmem>>, vector<16xf32>,
    %swap3A_376 = arith.constant 5 : i32
    %swap3A_377 = arith.index_cast %swap3A_376 : i32 to index
    %swap3A_378 = arith.constant 192 : index
    %swap3A_379 = tpu.vector_load %arg6[%swap3A_377, %swap3A_378] {strides = array<i32>} : memref<16x256xf32, #tpu.memory_space<vmem>>, vector<16xf32>,
    tpu.vector_store %arg6[%swap3A_377, %swap3A_378], %broadcast_in_dim3A_8 {strides = array<i32>} : memref<16x256xf32, #tpu.memory_space<vmem>>, vector<16xf32>,
    %swap3A_380 = arith.constant 5 : i32
    %swap3A_381 = arith.index_cast %swap3A_380 : i32 to index
    %swap3A_382 = arith.constant 208 : index
    %swap3A_383 = tpu.vector_load %arg6[%swap3A_381, %swap3A_382] {strides = array<i32>} : memref<16x256xf32, #tpu.memory_space<vmem>>, vector<16xf32>,
    tpu.vector_store %arg6[%swap3A_381, %swap3A_382], %broadcast_in_dim3A_8 {strides = array<i32>} : memref<16x256xf32, #tpu.memory_space<vmem>>, vector<16xf32>,
    %swap3A_384 = arith.constant 5 : i32
    %swap3A_385 = arith.index_cast %swap3A_384 : i32 to index
    %swap3A_386 = arith.constant 224 : index
    %swap3A_387 = tpu.vector_load %arg6[%swap3A_385, %swap3A_386] {strides = array<i32>} : memref<16x256xf32, #tpu.memory_space<vmem>>, vector<16xf32>,
    tpu.vector_store %arg6[%swap3A_385, %swap3A_386], %broadcast_in_dim3A_8 {strides = array<i32>} : memref<16x256xf32, #tpu.memory_space<vmem>>, vector<16xf32>,
    %swap3A_388 = arith.constant 5 : i32
    %swap3A_389 = arith.index_cast %swap3A_388 : i32 to index
    %swap3A_390 = arith.constant 240 : index
    %swap3A_391 = tpu.vector_load %arg6[%swap3A_389, %swap3A_390] {strides = array<i32>} : memref<16x256xf32, #tpu.memory_space<vmem>>, vector<16xf32>,
    tpu.vector_store %arg6[%swap3A_389, %swap3A_390], %broadcast_in_dim3A_8 {strides = array<i32>} : memref<16x256xf32, #tpu.memory_space<vmem>>, vector<16xf32>,
    %swap3A_392 = arith.constant 6 : i32
    %swap3A_393 = arith.index_cast %swap3A_392 : i32 to index
    %swap3A_394 = arith.constant 0 : index
    %swap3A_395 = tpu.vector_load %arg6[%swap3A_393, %swap3A_394] {strides = array<i32>} : memref<16x256xf32, #tpu.memory_space<vmem>>, vector<16xf32>,
    tpu.vector_store %arg6[%swap3A_393, %swap3A_394], %broadcast_in_dim3A_8 {strides = array<i32>} : memref<16x256xf32, #tpu.memory_space<vmem>>, vector<16xf32>,
    %swap3A_396 = arith.constant 6 : i32
    %swap3A_397 = arith.index_cast %swap3A_396 : i32 to index
    %swap3A_398 = arith.constant 16 : index
    %swap3A_399 = tpu.vector_load %arg6[%swap3A_397, %swap3A_398] {strides = array<i32>} : memref<16x256xf32, #tpu.memory_space<vmem>>, vector<16xf32>,
    tpu.vector_store %arg6[%swap3A_397, %swap3A_398], %broadcast_in_dim3A_8 {strides = array<i32>} : memref<16x256xf32, #tpu.memory_space<vmem>>, vector<16xf32>,
    %swap3A_400 = arith.constant 6 : i32
    %swap3A_401 = arith.index_cast %swap3A_400 : i32 to index
    %swap3A_402 = arith.constant 32 : index
    %swap3A_403 = tpu.vector_load %arg6[%swap3A_401, %swap3A_402] {strides = array<i32>} : memref<16x256xf32, #tpu.memory_space<vmem>>, vector<16xf32>,
    tpu.vector_store %arg6[%swap3A_401, %swap3A_402], %broadcast_in_dim3A_8 {strides = array<i32>} : memref<16x256xf32, #tpu.memory_space<vmem>>, vector<16xf32>,
    %swap3A_404 = arith.constant 6 : i32
    %swap3A_405 = arith.index_cast %swap3A_404 : i32 to index
    %swap3A_406 = arith.constant 48 : index
    %swap3A_407 = tpu.vector_load %arg6[%swap3A_405, %swap3A_406] {strides = array<i32>} : memref<16x256xf32, #tpu.memory_space<vmem>>, vector<16xf32>,
    tpu.vector_store %arg6[%swap3A_405, %swap3A_406], %broadcast_in_dim3A_8 {strides = array<i32>} : memref<16x256xf32, #tpu.memory_space<vmem>>, vector<16xf32>,
    %swap3A_408 = arith.constant 6 : i32
    %swap3A_409 = arith.index_cast %swap3A_408 : i32 to index
    %swap3A_410 = arith.constant 64 : index
    %swap3A_411 = tpu.vector_load %arg6[%swap3A_409, %swap3A_410] {strides = array<i32>} : memref<16x256xf32, #tpu.memory_space<vmem>>, vector<16xf32>,
    tpu.vector_store %arg6[%swap3A_409, %swap3A_410], %broadcast_in_dim3A_8 {strides = array<i32>} : memref<16x256xf32, #tpu.memory_space<vmem>>, vector<16xf32>,
    %swap3A_412 = arith.constant 6 : i32
    %swap3A_413 = arith.index_cast %swap3A_412 : i32 to index
    %swap3A_414 = arith.constant 80 : index
    %swap3A_415 = tpu.vector_load %arg6[%swap3A_413, %swap3A_414] {strides = array<i32>} : memref<16x256xf32, #tpu.memory_space<vmem>>, vector<16xf32>,
    tpu.vector_store %arg6[%swap3A_413, %swap3A_414], %broadcast_in_dim3A_8 {strides = array<i32>} : memref<16x256xf32, #tpu.memory_space<vmem>>, vector<16xf32>,
    %swap3A_416 = arith.constant 6 : i32
    %swap3A_417 = arith.index_cast %swap3A_416 : i32 to index
    %swap3A_418 = arith.constant 96 : index
    %swap3A_419 = tpu.vector_load %arg6[%swap3A_417, %swap3A_418] {strides = array<i32>} : memref<16x256xf32, #tpu.memory_space<vmem>>, vector<16xf32>,
    tpu.vector_store %arg6[%swap3A_417, %swap3A_418], %broadcast_in_dim3A_8 {strides = array<i32>} : memref<16x256xf32, #tpu.memory_space<vmem>>, vector<16xf32>,
    %swap3A_420 = arith.constant 6 : i32
    %swap3A_421 = arith.index_cast %swap3A_420 : i32 to index
    %swap3A_422 = arith.constant 112 : index
    %swap3A_423 = tpu.vector_load %arg6[%swap3A_421, %swap3A_422] {strides = array<i32>} : memref<16x256xf32, #tpu.memory_space<vmem>>, vector<16xf32>,
    tpu.vector_store %arg6[%swap3A_421, %swap3A_422], %broadcast_in_dim3A_8 {strides = array<i32>} : memref<16x256xf32, #tpu.memory_space<vmem>>, vector<16xf32>,
    %swap3A_424 = arith.constant 6 : i32
    %swap3A_425 = arith.index_cast %swap3A_424 : i32 to index
    %swap3A_426 = arith.constant 128 : index
    %swap3A_427 = tpu.vector_load %arg6[%swap3A_425, %swap3A_426] {strides = array<i32>} : memref<16x256xf32, #tpu.memory_space<vmem>>, vector<16xf32>,
    tpu.vector_store %arg6[%swap3A_425, %swap3A_426], %broadcast_in_dim3A_8 {strides = array<i32>} : memref<16x256xf32, #tpu.memory_space<vmem>>, vector<16xf32>,
    %swap3A_428 = arith.constant 6 : i32
    %swap3A_429 = arith.index_cast %swap3A_428 : i32 to index
    %swap3A_430 = arith.constant 144 : index
    %swap3A_431 = tpu.vector_load %arg6[%swap3A_429, %swap3A_430] {strides = array<i32>} : memref<16x256xf32, #tpu.memory_space<vmem>>, vector<16xf32>,
    tpu.vector_store %arg6[%swap3A_429, %swap3A_430], %broadcast_in_dim3A_8 {strides = array<i32>} : memref<16x256xf32, #tpu.memory_space<vmem>>, vector<16xf32>,
    %swap3A_432 = arith.constant 6 : i32
    %swap3A_433 = arith.index_cast %swap3A_432 : i32 to index
    %swap3A_434 = arith.constant 160 : index
    %swap3A_435 = tpu.vector_load %arg6[%swap3A_433, %swap3A_434] {strides = array<i32>} : memref<16x256xf32, #tpu.memory_space<vmem>>, vector<16xf32>,
    tpu.vector_store %arg6[%swap3A_433, %swap3A_434], %broadcast_in_dim3A_8 {strides = array<i32>} : memref<16x256xf32, #tpu.memory_space<vmem>>, vector<16xf32>,
    %swap3A_436 = arith.constant 6 : i32
    %swap3A_437 = arith.index_cast %swap3A_436 : i32 to index
    %swap3A_438 = arith.constant 176 : index
    %swap3A_439 = tpu.vector_load %arg6[%swap3A_437, %swap3A_438] {strides = array<i32>} : memref<16x256xf32, #tpu.memory_space<vmem>>, vector<16xf32>,
    tpu.vector_store %arg6[%swap3A_437, %swap3A_438], %broadcast_in_dim3A_8 {strides = array<i32>} : memref<16x256xf32, #tpu.memory_space<vmem>>, vector<16xf32>,
    %swap3A_440 = arith.constant 6 : i32
    %swap3A_441 = arith.index_cast %swap3A_440 : i32 to index
    %swap3A_442 = arith.constant 192 : index
    %swap3A_443 = tpu.vector_load %arg6[%swap3A_441, %swap3A_442] {strides = array<i32>} : memref<16x256xf32, #tpu.memory_space<vmem>>, vector<16xf32>,
    tpu.vector_store %arg6[%swap3A_441, %swap3A_442], %broadcast_in_dim3A_8 {strides = array<i32>} : memref<16x256xf32, #tpu.memory_space<vmem>>, vector<16xf32>,
    %swap3A_444 = arith.constant 6 : i32
    %swap3A_445 = arith.index_cast %swap3A_444 : i32 to index
    %swap3A_446 = arith.constant 208 : index
    %swap3A_447 = tpu.vector_load %arg6[%swap3A_445, %swap3A_446] {strides = array<i32>} : memref<16x256xf32, #tpu.memory_space<vmem>>, vector<16xf32>,
    tpu.vector_store %arg6[%swap3A_445, %swap3A_446], %broadcast_in_dim3A_8 {strides = array<i32>} : memref<16x256xf32, #tpu.memory_space<vmem>>, vector<16xf32>,
    %swap3A_448 = arith.constant 6 : i32
    %swap3A_449 = arith.index_cast %swap3A_448 : i32 to index
    %swap3A_450 = arith.constant 224 : index
    %swap3A_451 = tpu.vector_load %arg6[%swap3A_449, %swap3A_450] {strides = array<i32>} : memref<16x256xf32, #tpu.memory_space<vmem>>, vector<16xf32>,
    tpu.vector_store %arg6[%swap3A_449, %swap3A_450], %broadcast_in_dim3A_8 {strides = array<i32>} : memref<16x256xf32, #tpu.memory_space<vmem>>, vector<16xf32>,
    %swap3A_452 = arith.constant 6 : i32
    %swap3A_453 = arith.index_cast %swap3A_452 : i32 to index
    %swap3A_454 = arith.constant 240 : index
    %swap3A_455 = tpu.vector_load %arg6[%swap3A_453, %swap3A_454] {strides = array<i32>} : memref<16x256xf32, #tpu.memory_space<vmem>>, vector<16xf32>,
    tpu.vector_store %arg6[%swap3A_453, %swap3A_454], %broadcast_in_dim3A_8 {strides = array<i32>} : memref<16x256xf32, #tpu.memory_space<vmem>>, vector<16xf32>,
    %swap3A_456 = arith.constant 7 : i32
    %swap3A_457 = arith.index_cast %swap3A_456 : i32 to index
    %swap3A_458 = arith.constant 0 : index
    %swap3A_459 = tpu.vector_load %arg6[%swap3A_457, %swap3A_458] {strides = array<i32>} : memref<16x256xf32, #tpu.memory_space<vmem>>, vector<16xf32>,
    tpu.vector_store %arg6[%swap3A_457, %swap3A_458], %broadcast_in_dim3A_8 {strides = array<i32>} : memref<16x256xf32, #tpu.memory_space<vmem>>, vector<16xf32>,
    %swap3A_460 = arith.constant 7 : i32
    %swap3A_461 = arith.index_cast %swap3A_460 : i32 to index
    %swap3A_462 = arith.constant 16 : index
    %swap3A_463 = tpu.vector_load %arg6[%swap3A_461, %swap3A_462] {strides = array<i32>} : memref<16x256xf32, #tpu.memory_space<vmem>>, vector<16xf32>,
    tpu.vector_store %arg6[%swap3A_461, %swap3A_462], %broadcast_in_dim3A_8 {strides = array<i32>} : memref<16x256xf32, #tpu.memory_space<vmem>>, vector<16xf32>,
    %swap3A_464 = arith.constant 7 : i32
    %swap3A_465 = arith.index_cast %swap3A_464 : i32 to index
    %swap3A_466 = arith.constant 32 : index
    %swap3A_467 = tpu.vector_load %arg6[%swap3A_465, %swap3A_466] {strides = array<i32>} : memref<16x256xf32, #tpu.memory_space<vmem>>, vector<16xf32>,
    tpu.vector_store %arg6[%swap3A_465, %swap3A_466], %broadcast_in_dim3A_8 {strides = array<i32>} : memref<16x256xf32, #tpu.memory_space<vmem>>, vector<16xf32>,
    %swap3A_468 = arith.constant 7 : i32
    %swap3A_469 = arith.index_cast %swap3A_468 : i32 to index
    %swap3A_470 = arith.constant 48 : index
    %swap3A_471 = tpu.vector_load %arg6[%swap3A_469, %swap3A_470] {strides = array<i32>} : memref<16x256xf32, #tpu.memory_space<vmem>>, vector<16xf32>,
    tpu.vector_store %arg6[%swap3A_469, %swap3A_470], %broadcast_in_dim3A_8 {strides = array<i32>} : memref<16x256xf32, #tpu.memory_space<vmem>>, vector<16xf32>,
    %swap3A_472 = arith.constant 7 : i32
    %swap3A_473 = arith.index_cast %swap3A_472 : i32 to index
    %swap3A_474 = arith.constant 64 : index
    %swap3A_475 = tpu.vector_load %arg6[%swap3A_473, %swap3A_474] {strides = array<i32>} : memref<16x256xf32, #tpu.memory_space<vmem>>, vector<16xf32>,
    tpu.vector_store %arg6[%swap3A_473, %swap3A_474], %broadcast_in_dim3A_8 {strides = array<i32>} : memref<16x256xf32, #tpu.memory_space<vmem>>, vector<16xf32>,
    %swap3A_476 = arith.constant 7 : i32
    %swap3A_477 = arith.index_cast %swap3A_476 : i32 to index
    %swap3A_478 = arith.constant 80 : index
    %swap3A_479 = tpu.vector_load %arg6[%swap3A_477, %swap3A_478] {strides = array<i32>} : memref<16x256xf32, #tpu.memory_space<vmem>>, vector<16xf32>,
    tpu.vector_store %arg6[%swap3A_477, %swap3A_478], %broadcast_in_dim3A_8 {strides = array<i32>} : memref<16x256xf32, #tpu.memory_space<vmem>>, vector<16xf32>,
    %swap3A_480 = arith.constant 7 : i32
    %swap3A_481 = arith.index_cast %swap3A_480 : i32 to index
    %swap3A_482 = arith.constant 96 : index
    %swap3A_483 = tpu.vector_load %arg6[%swap3A_481, %swap3A_482] {strides = array<i32>} : memref<16x256xf32, #tpu.memory_space<vmem>>, vector<16xf32>,
    tpu.vector_store %arg6[%swap3A_481, %swap3A_482], %broadcast_in_dim3A_8 {strides = array<i32>} : memref<16x256xf32, #tpu.memory_space<vmem>>, vector<16xf32>,
    %swap3A_484 = arith.constant 7 : i32
    %swap3A_485 = arith.index_cast %swap3A_484 : i32 to index
    %swap3A_486 = arith.constant 112 : index
    %swap3A_487 = tpu.vector_load %arg6[%swap3A_485, %swap3A_486] {strides = array<i32>} : memref<16x256xf32, #tpu.memory_space<vmem>>, vector<16xf32>,
    tpu.vector_store %arg6[%swap3A_485, %swap3A_486], %broadcast_in_dim3A_8 {strides = array<i32>} : memref<16x256xf32, #tpu.memory_space<vmem>>, vector<16xf32>,
    %swap3A_488 = arith.constant 7 : i32
    %swap3A_489 = arith.index_cast %swap3A_488 : i32 to index
    %swap3A_490 = arith.constant 128 : index
    %swap3A_491 = tpu.vector_load %arg6[%swap3A_489, %swap3A_490] {strides = array<i32>} : memref<16x256xf32, #tpu.memory_space<vmem>>, vector<16xf32>,
    tpu.vector_store %arg6[%swap3A_489, %swap3A_490], %broadcast_in_dim3A_8 {strides = array<i32>} : memref<16x256xf32, #tpu.memory_space<vmem>>, vector<16xf32>,
    %swap3A_492 = arith.constant 7 : i32
    %swap3A_493 = arith.index_cast %swap3A_492 : i32 to index
    %swap3A_494 = arith.constant 144 : index
    %swap3A_495 = tpu.vector_load %arg6[%swap3A_493, %swap3A_494] {strides = array<i32>} : memref<16x256xf32, #tpu.memory_space<vmem>>, vector<16xf32>,
    tpu.vector_store %arg6[%swap3A_493, %swap3A_494], %broadcast_in_dim3A_8 {strides = array<i32>} : memref<16x256xf32, #tpu.memory_space<vmem>>, vector<16xf32>,
    %swap3A_496 = arith.constant 7 : i32
    %swap3A_497 = arith.index_cast %swap3A_496 : i32 to index
    %swap3A_498 = arith.constant 160 : index
    %swap3A_499 = tpu.vector_load %arg6[%swap3A_497, %swap3A_498] {strides = array<i32>} : memref<16x256xf32, #tpu.memory_space<vmem>>, vector<16xf32>,
    tpu.vector_store %arg6[%swap3A_497, %swap3A_498], %broadcast_in_dim3A_8 {strides = array<i32>} : memref<16x256xf32, #tpu.memory_space<vmem>>, vector<16xf32>,
    %swap3A_500 = arith.constant 7 : i32
    %swap3A_501 = arith.index_cast %swap3A_500 : i32 to index
    %swap3A_502 = arith.constant 176 : index
    %swap3A_503 = tpu.vector_load %arg6[%swap3A_501, %swap3A_502] {strides = array<i32>} : memref<16x256xf32, #tpu.memory_space<vmem>>, vector<16xf32>,
    tpu.vector_store %arg6[%swap3A_501, %swap3A_502], %broadcast_in_dim3A_8 {strides = array<i32>} : memref<16x256xf32, #tpu.memory_space<vmem>>, vector<16xf32>,
    %swap3A_504 = arith.constant 7 : i32
    %swap3A_505 = arith.index_cast %swap3A_504 : i32 to index
    %swap3A_506 = arith.constant 192 : index
    %swap3A_507 = tpu.vector_load %arg6[%swap3A_505, %swap3A_506] {strides = array<i32>} : memref<16x256xf32, #tpu.memory_space<vmem>>, vector<16xf32>,
    tpu.vector_store %arg6[%swap3A_505, %swap3A_506], %broadcast_in_dim3A_8 {strides = array<i32>} : memref<16x256xf32, #tpu.memory_space<vmem>>, vector<16xf32>,
    %swap3A_508 = arith.constant 7 : i32
    %swap3A_509 = arith.index_cast %swap3A_508 : i32 to index
    %swap3A_510 = arith.constant 208 : index
    %swap3A_511 = tpu.vector_load %arg6[%swap3A_509, %swap3A_510] {strides = array<i32>} : memref<16x256xf32, #tpu.memory_space<vmem>>, vector<16xf32>,
    tpu.vector_store %arg6[%swap3A_509, %swap3A_510], %broadcast_in_dim3A_8 {strides = array<i32>} : memref<16x256xf32, #tpu.memory_space<vmem>>, vector<16xf32>,
    %swap3A_512 = arith.constant 7 : i32
    %swap3A_513 = arith.index_cast %swap3A_512 : i32 to index
    %swap3A_514 = arith.constant 224 : index
    %swap3A_515 = tpu.vector_load %arg6[%swap3A_513, %swap3A_514] {strides = array<i32>} : memref<16x256xf32, #tpu.memory_space<vmem>>, vector<16xf32>,
    tpu.vector_store %arg6[%swap3A_513, %swap3A_514], %broadcast_in_dim3A_8 {strides = array<i32>} : memref<16x256xf32, #tpu.memory_space<vmem>>, vector<16xf32>,
    %swap3A_516 = arith.constant 7 : i32
    %swap3A_517 = arith.index_cast %swap3A_516 : i32 to index
    %swap3A_518 = arith.constant 240 : index
    %swap3A_519 = tpu.vector_load %arg6[%swap3A_517, %swap3A_518] {strides = array<i32>} : memref<16x256xf32, #tpu.memory_space<vmem>>, vector<16xf32>,
    tpu.vector_store %arg6[%swap3A_517, %swap3A_518], %broadcast_in_dim3A_8 {strides = array<i32>} : memref<16x256xf32, #tpu.memory_space<vmem>>, vector<16xf32>,
    %swap3A_520 = arith.constant 8 : i32
    %swap3A_521 = arith.index_cast %swap3A_520 : i32 to index
    %swap3A_522 = arith.constant 0 : index
    %swap3A_523 = tpu.vector_load %arg6[%swap3A_521, %swap3A_522] {strides = array<i32>} : memref<16x256xf32, #tpu.memory_space<vmem>>, vector<16xf32>,
    tpu.vector_store %arg6[%swap3A_521, %swap3A_522], %broadcast_in_dim3A_8 {strides = array<i32>} : memref<16x256xf32, #tpu.memory_space<vmem>>, vector<16xf32>,
    %swap3A_524 = arith.constant 8 : i32
    %swap3A_525 = arith.index_cast %swap3A_524 : i32 to index
    %swap3A_526 = arith.constant 16 : index
    %swap3A_527 = tpu.vector_load %arg6[%swap3A_525, %swap3A_526] {strides = array<i32>} : memref<16x256xf32, #tpu.memory_space<vmem>>, vector<16xf32>,
    tpu.vector_store %arg6[%swap3A_525, %swap3A_526], %broadcast_in_dim3A_8 {strides = array<i32>} : memref<16x256xf32, #tpu.memory_space<vmem>>, vector<16xf32>,
    %swap3A_528 = arith.constant 8 : i32
    %swap3A_529 = arith.index_cast %swap3A_528 : i32 to index
    %swap3A_530 = arith.constant 32 : index
    %swap3A_531 = tpu.vector_load %arg6[%swap3A_529, %swap3A_530] {strides = array<i32>} : memref<16x256xf32, #tpu.memory_space<vmem>>, vector<16xf32>,
    tpu.vector_store %arg6[%swap3A_529, %swap3A_530], %broadcast_in_dim3A_8 {strides = array<i32>} : memref<16x256xf32, #tpu.memory_space<vmem>>, vector<16xf32>,
    %swap3A_532 = arith.constant 8 : i32
    %swap3A_533 = arith.index_cast %swap3A_532 : i32 to index
    %swap3A_534 = arith.constant 48 : index
    %swap3A_535 = tpu.vector_load %arg6[%swap3A_533, %swap3A_534] {strides = array<i32>} : memref<16x256xf32, #tpu.memory_space<vmem>>, vector<16xf32>,
    tpu.vector_store %arg6[%swap3A_533, %swap3A_534], %broadcast_in_dim3A_8 {strides = array<i32>} : memref<16x256xf32, #tpu.memory_space<vmem>>, vector<16xf32>,
    %swap3A_536 = arith.constant 8 : i32
    %swap3A_537 = arith.index_cast %swap3A_536 : i32 to index
    %swap3A_538 = arith.constant 64 : index
    %swap3A_539 = tpu.vector_load %arg6[%swap3A_537, %swap3A_538] {strides = array<i32>} : memref<16x256xf32, #tpu.memory_space<vmem>>, vector<16xf32>,
    tpu.vector_store %arg6[%swap3A_537, %swap3A_538], %broadcast_in_dim3A_8 {strides = array<i32>} : memref<16x256xf32, #tpu.memory_space<vmem>>, vector<16xf32>,
    %swap3A_540 = arith.constant 8 : i32
    %swap3A_541 = arith.index_cast %swap3A_540 : i32 to index
    %swap3A_542 = arith.constant 80 : index
    %swap3A_543 = tpu.vector_load %arg6[%swap3A_541, %swap3A_542] {strides = array<i32>} : memref<16x256xf32, #tpu.memory_space<vmem>>, vector<16xf32>,
    tpu.vector_store %arg6[%swap3A_541, %swap3A_542], %broadcast_in_dim3A_8 {strides = array<i32>} : memref<16x256xf32, #tpu.memory_space<vmem>>, vector<16xf32>,
    %swap3A_544 = arith.constant 8 : i32
    %swap3A_545 = arith.index_cast %swap3A_544 : i32 to index
    %swap3A_546 = arith.constant 96 : index
    %swap3A_547 = tpu.vector_load %arg6[%swap3A_545, %swap3A_546] {strides = array<i32>} : memref<16x256xf32, #tpu.memory_space<vmem>>, vector<16xf32>,
    tpu.vector_store %arg6[%swap3A_545, %swap3A_546], %broadcast_in_dim3A_8 {strides = array<i32>} : memref<16x256xf32, #tpu.memory_space<vmem>>, vector<16xf32>,
    %swap3A_548 = arith.constant 8 : i32
    %swap3A_549 = arith.index_cast %swap3A_548 : i32 to index
    %swap3A_550 = arith.constant 112 : index
    %swap3A_551 = tpu.vector_load %arg6[%swap3A_549, %swap3A_550] {strides = array<i32>} : memref<16x256xf32, #tpu.memory_space<vmem>>, vector<16xf32>,
    tpu.vector_store %arg6[%swap3A_549, %swap3A_550], %broadcast_in_dim3A_8 {strides = array<i32>} : memref<16x256xf32, #tpu.memory_space<vmem>>, vector<16xf32>,
    %swap3A_552 = arith.constant 8 : i32
    %swap3A_553 = arith.index_cast %swap3A_552 : i32 to index
    %swap3A_554 = arith.constant 128 : index
    %swap3A_555 = tpu.vector_load %arg6[%swap3A_553, %swap3A_554] {strides = array<i32>} : memref<16x256xf32, #tpu.memory_space<vmem>>, vector<16xf32>,
    tpu.vector_store %arg6[%swap3A_553, %swap3A_554], %broadcast_in_dim3A_8 {strides = array<i32>} : memref<16x256xf32, #tpu.memory_space<vmem>>, vector<16xf32>,
    %swap3A_556 = arith.constant 8 : i32
    %swap3A_557 = arith.index_cast %swap3A_556 : i32 to index
    %swap3A_558 = arith.constant 144 : index
    %swap3A_559 = tpu.vector_load %arg6[%swap3A_557, %swap3A_558] {strides = array<i32>} : memref<16x256xf32, #tpu.memory_space<vmem>>, vector<16xf32>,
    tpu.vector_store %arg6[%swap3A_557, %swap3A_558], %broadcast_in_dim3A_8 {strides = array<i32>} : memref<16x256xf32, #tpu.memory_space<vmem>>, vector<16xf32>,
    %swap3A_560 = arith.constant 8 : i32
    %swap3A_561 = arith.index_cast %swap3A_560 : i32 to index
    %swap3A_562 = arith.constant 160 : index
    %swap3A_563 = tpu.vector_load %arg6[%swap3A_561, %swap3A_562] {strides = array<i32>} : memref<16x256xf32, #tpu.memory_space<vmem>>, vector<16xf32>,
    tpu.vector_store %arg6[%swap3A_561, %swap3A_562], %broadcast_in_dim3A_8 {strides = array<i32>} : memref<16x256xf32, #tpu.memory_space<vmem>>, vector<16xf32>,
    %swap3A_564 = arith.constant 8 : i32
    %swap3A_565 = arith.index_cast %swap3A_564 : i32 to index
    %swap3A_566 = arith.constant 176 : index
    %swap3A_567 = tpu.vector_load %arg6[%swap3A_565, %swap3A_566] {strides = array<i32>} : memref<16x256xf32, #tpu.memory_space<vmem>>, vector<16xf32>,
    tpu.vector_store %arg6[%swap3A_565, %swap3A_566], %broadcast_in_dim3A_8 {strides = array<i32>} : memref<16x256xf32, #tpu.memory_space<vmem>>, vector<16xf32>,
    %swap3A_568 = arith.constant 8 : i32
    %swap3A_569 = arith.index_cast %swap3A_568 : i32 to index
    %swap3A_570 = arith.constant 192 : index
    %swap3A_571 = tpu.vector_load %arg6[%swap3A_569, %swap3A_570] {strides = array<i32>} : memref<16x256xf32, #tpu.memory_space<vmem>>, vector<16xf32>,
    tpu.vector_store %arg6[%swap3A_569, %swap3A_570], %broadcast_in_dim3A_8 {strides = array<i32>} : memref<16x256xf32, #tpu.memory_space<vmem>>, vector<16xf32>,
    %swap3A_572 = arith.constant 8 : i32
    %swap3A_573 = arith.index_cast %swap3A_572 : i32 to index
    %swap3A_574 = arith.constant 208 : index
    %swap3A_575 = tpu.vector_load %arg6[%swap3A_573, %swap3A_574] {strides = array<i32>} : memref<16x256xf32, #tpu.memory_space<vmem>>, vector<16xf32>,
    tpu.vector_store %arg6[%swap3A_573, %swap3A_574], %broadcast_in_dim3A_8 {strides = array<i32>} : memref<16x256xf32, #tpu.memory_space<vmem>>, vector<16xf32>,
    %swap3A_576 = arith.constant 8 : i32
    %swap3A_577 = arith.index_cast %swap3A_576 : i32 to index
    %swap3A_578 = arith.constant 224 : index
    %swap3A_579 = tpu.vector_load %arg6[%swap3A_577, %swap3A_578] {strides = array<i32>} : memref<16x256xf32, #tpu.memory_space<vmem>>, vector<16xf32>,
    tpu.vector_store %arg6[%swap3A_577, %swap3A_578], %broadcast_in_dim3A_8 {strides = array<i32>} : memref<16x256xf32, #tpu.memory_space<vmem>>, vector<16xf32>,
    %swap3A_580 = arith.constant 8 : i32
    %swap3A_581 = arith.index_cast %swap3A_580 : i32 to index
    %swap3A_582 = arith.constant 240 : index
    %swap3A_583 = tpu.vector_load %arg6[%swap3A_581, %swap3A_582] {strides = array<i32>} : memref<16x256xf32, #tpu.memory_space<vmem>>, vector<16xf32>,
    tpu.vector_store %arg6[%swap3A_581, %swap3A_582], %broadcast_in_dim3A_8 {strides = array<i32>} : memref<16x256xf32, #tpu.memory_space<vmem>>, vector<16xf32>,
    %swap3A_584 = arith.constant 9 : i32
    %swap3A_585 = arith.index_cast %swap3A_584 : i32 to index
    %swap3A_586 = arith.constant 0 : index
    %swap3A_587 = tpu.vector_load %arg6[%swap3A_585, %swap3A_586] {strides = array<i32>} : memref<16x256xf32, #tpu.memory_space<vmem>>, vector<16xf32>,
    tpu.vector_store %arg6[%swap3A_585, %swap3A_586], %broadcast_in_dim3A_8 {strides = array<i32>} : memref<16x256xf32, #tpu.memory_space<vmem>>, vector<16xf32>,
    %swap3A_588 = arith.constant 9 : i32
    %swap3A_589 = arith.index_cast %swap3A_588 : i32 to index
    %swap3A_590 = arith.constant 16 : index
    %swap3A_591 = tpu.vector_load %arg6[%swap3A_589, %swap3A_590] {strides = array<i32>} : memref<16x256xf32, #tpu.memory_space<vmem>>, vector<16xf32>,
    tpu.vector_store %arg6[%swap3A_589, %swap3A_590], %broadcast_in_dim3A_8 {strides = array<i32>} : memref<16x256xf32, #tpu.memory_space<vmem>>, vector<16xf32>,
    %swap3A_592 = arith.constant 9 : i32
    %swap3A_593 = arith.index_cast %swap3A_592 : i32 to index
    %swap3A_594 = arith.constant 32 : index
    %swap3A_595 = tpu.vector_load %arg6[%swap3A_593, %swap3A_594] {strides = array<i32>} : memref<16x256xf32, #tpu.memory_space<vmem>>, vector<16xf32>,
    tpu.vector_store %arg6[%swap3A_593, %swap3A_594], %broadcast_in_dim3A_8 {strides = array<i32>} : memref<16x256xf32, #tpu.memory_space<vmem>>, vector<16xf32>,
    %swap3A_596 = arith.constant 9 : i32
    %swap3A_597 = arith.index_cast %swap3A_596 : i32 to index
    %swap3A_598 = arith.constant 48 : index
    %swap3A_599 = tpu.vector_load %arg6[%swap3A_597, %swap3A_598] {strides = array<i32>} : memref<16x256xf32, #tpu.memory_space<vmem>>, vector<16xf32>,
    tpu.vector_store %arg6[%swap3A_597, %swap3A_598], %broadcast_in_dim3A_8 {strides = array<i32>} : memref<16x256xf32, #tpu.memory_space<vmem>>, vector<16xf32>,
    %swap3A_600 = arith.constant 9 : i32
    %swap3A_601 = arith.index_cast %swap3A_600 : i32 to index
    %swap3A_602 = arith.constant 64 : index
    %swap3A_603 = tpu.vector_load %arg6[%swap3A_601, %swap3A_602] {strides = array<i32>} : memref<16x256xf32, #tpu.memory_space<vmem>>, vector<16xf32>,
    tpu.vector_store %arg6[%swap3A_601, %swap3A_602], %broadcast_in_dim3A_8 {strides = array<i32>} : memref<16x256xf32, #tpu.memory_space<vmem>>, vector<16xf32>,
    %swap3A_604 = arith.constant 9 : i32
    %swap3A_605 = arith.index_cast %swap3A_604 : i32 to index
    %swap3A_606 = arith.constant 80 : index
    %swap3A_607 = tpu.vector_load %arg6[%swap3A_605, %swap3A_606] {strides = array<i32>} : memref<16x256xf32, #tpu.memory_space<vmem>>, vector<16xf32>,
    tpu.vector_store %arg6[%swap3A_605, %swap3A_606], %broadcast_in_dim3A_8 {strides = array<i32>} : memref<16x256xf32, #tpu.memory_space<vmem>>, vector<16xf32>,
    %swap3A_608 = arith.constant 9 : i32
    %swap3A_609 = arith.index_cast %swap3A_608 : i32 to index
    %swap3A_610 = arith.constant 96 : index
    %swap3A_611 = tpu.vector_load %arg6[%swap3A_609, %swap3A_610] {strides = array<i32>} : memref<16x256xf32, #tpu.memory_space<vmem>>, vector<16xf32>,
    tpu.vector_store %arg6[%swap3A_609, %swap3A_610], %broadcast_in_dim3A_8 {strides = array<i32>} : memref<16x256xf32, #tpu.memory_space<vmem>>, vector<16xf32>,
    %swap3A_612 = arith.constant 9 : i32
    %swap3A_613 = arith.index_cast %swap3A_612 : i32 to index
    %swap3A_614 = arith.constant 112 : index
    %swap3A_615 = tpu.vector_load %arg6[%swap3A_613, %swap3A_614] {strides = array<i32>} : memref<16x256xf32, #tpu.memory_space<vmem>>, vector<16xf32>,
    tpu.vector_store %arg6[%swap3A_613, %swap3A_614], %broadcast_in_dim3A_8 {strides = array<i32>} : memref<16x256xf32, #tpu.memory_space<vmem>>, vector<16xf32>,
    %swap3A_616 = arith.constant 9 : i32
    %swap3A_617 = arith.index_cast %swap3A_616 : i32 to index
    %swap3A_618 = arith.constant 128 : index
    %swap3A_619 = tpu.vector_load %arg6[%swap3A_617, %swap3A_618] {strides = array<i32>} : memref<16x256xf32, #tpu.memory_space<vmem>>, vector<16xf32>,
    tpu.vector_store %arg6[%swap3A_617, %swap3A_618], %broadcast_in_dim3A_8 {strides = array<i32>} : memref<16x256xf32, #tpu.memory_space<vmem>>, vector<16xf32>,
    %swap3A_620 = arith.constant 9 : i32
    %swap3A_621 = arith.index_cast %swap3A_620 : i32 to index
    %swap3A_622 = arith.constant 144 : index
    %swap3A_623 = tpu.vector_load %arg6[%swap3A_621, %swap3A_622] {strides = array<i32>} : memref<16x256xf32, #tpu.memory_space<vmem>>, vector<16xf32>,
    tpu.vector_store %arg6[%swap3A_621, %swap3A_622], %broadcast_in_dim3A_8 {strides = array<i32>} : memref<16x256xf32, #tpu.memory_space<vmem>>, vector<16xf32>,
    %swap3A_624 = arith.constant 9 : i32
    %swap3A_625 = arith.index_cast %swap3A_624 : i32 to index
    %swap3A_626 = arith.constant 160 : index
    %swap3A_627 = tpu.vector_load %arg6[%swap3A_625, %swap3A_626] {strides = array<i32>} : memref<16x256xf32, #tpu.memory_space<vmem>>, vector<16xf32>,
    tpu.vector_store %arg6[%swap3A_625, %swap3A_626], %broadcast_in_dim3A_8 {strides = array<i32>} : memref<16x256xf32, #tpu.memory_space<vmem>>, vector<16xf32>,
    %swap3A_628 = arith.constant 9 : i32
    %swap3A_629 = arith.index_cast %swap3A_628 : i32 to index
    %swap3A_630 = arith.constant 176 : index
    %swap3A_631 = tpu.vector_load %arg6[%swap3A_629, %swap3A_630] {strides = array<i32>} : memref<16x256xf32, #tpu.memory_space<vmem>>, vector<16xf32>,
    tpu.vector_store %arg6[%swap3A_629, %swap3A_630], %broadcast_in_dim3A_8 {strides = array<i32>} : memref<16x256xf32, #tpu.memory_space<vmem>>, vector<16xf32>,
    %swap3A_632 = arith.constant 9 : i32
    %swap3A_633 = arith.index_cast %swap3A_632 : i32 to index
    %swap3A_634 = arith.constant 192 : index
    %swap3A_635 = tpu.vector_load %arg6[%swap3A_633, %swap3A_634] {strides = array<i32>} : memref<16x256xf32, #tpu.memory_space<vmem>>, vector<16xf32>,
    tpu.vector_store %arg6[%swap3A_633, %swap3A_634], %broadcast_in_dim3A_8 {strides = array<i32>} : memref<16x256xf32, #tpu.memory_space<vmem>>, vector<16xf32>,
    %swap3A_636 = arith.constant 9 : i32
    %swap3A_637 = arith.index_cast %swap3A_636 : i32 to index
    %swap3A_638 = arith.constant 208 : index
    %swap3A_639 = tpu.vector_load %arg6[%swap3A_637, %swap3A_638] {strides = array<i32>} : memref<16x256xf32, #tpu.memory_space<vmem>>, vector<16xf32>,
    tpu.vector_store %arg6[%swap3A_637, %swap3A_638], %broadcast_in_dim3A_8 {strides = array<i32>} : memref<16x256xf32, #tpu.memory_space<vmem>>, vector<16xf32>,
    %swap3A_640 = arith.constant 9 : i32
    %swap3A_641 = arith.index_cast %swap3A_640 : i32 to index
    %swap3A_642 = arith.constant 224 : index
    %swap3A_643 = tpu.vector_load %arg6[%swap3A_641, %swap3A_642] {strides = array<i32>} : memref<16x256xf32, #tpu.memory_space<vmem>>, vector<16xf32>,
    tpu.vector_store %arg6[%swap3A_641, %swap3A_642], %broadcast_in_dim3A_8 {strides = array<i32>} : memref<16x256xf32, #tpu.memory_space<vmem>>, vector<16xf32>,
    %swap3A_644 = arith.constant 9 : i32
    %swap3A_645 = arith.index_cast %swap3A_644 : i32 to index
    %swap3A_646 = arith.constant 240 : index
    %swap3A_647 = tpu.vector_load %arg6[%swap3A_645, %swap3A_646] {strides = array<i32>} : memref<16x256xf32, #tpu.memory_space<vmem>>, vector<16xf32>,
    tpu.vector_store %arg6[%swap3A_645, %swap3A_646], %broadcast_in_dim3A_8 {strides = array<i32>} : memref<16x256xf32, #tpu.memory_space<vmem>>, vector<16xf32>,
    %swap3A_648 = arith.constant 10 : i32
    %swap3A_649 = arith.index_cast %swap3A_648 : i32 to index
    %swap3A_650 = arith.constant 0 : index
    %swap3A_651 = tpu.vector_load %arg6[%swap3A_649, %swap3A_650] {strides = array<i32>} : memref<16x256xf32, #tpu.memory_space<vmem>>, vector<16xf32>,
    tpu.vector_store %arg6[%swap3A_649, %swap3A_650], %broadcast_in_dim3A_8 {strides = array<i32>} : memref<16x256xf32, #tpu.memory_space<vmem>>, vector<16xf32>,
    %swap3A_652 = arith.constant 10 : i32
    %swap3A_653 = arith.index_cast %swap3A_652 : i32 to index
    %swap3A_654 = arith.constant 16 : index
    %swap3A_655 = tpu.vector_load %arg6[%swap3A_653, %swap3A_654] {strides = array<i32>} : memref<16x256xf32, #tpu.memory_space<vmem>>, vector<16xf32>,
    tpu.vector_store %arg6[%swap3A_653, %swap3A_654], %broadcast_in_dim3A_8 {strides = array<i32>} : memref<16x256xf32, #tpu.memory_space<vmem>>, vector<16xf32>,
    %swap3A_656 = arith.constant 10 : i32
    %swap3A_657 = arith.index_cast %swap3A_656 : i32 to index
    %swap3A_658 = arith.constant 32 : index
    %swap3A_659 = tpu.vector_load %arg6[%swap3A_657, %swap3A_658] {strides = array<i32>} : memref<16x256xf32, #tpu.memory_space<vmem>>, vector<16xf32>,
    tpu.vector_store %arg6[%swap3A_657, %swap3A_658], %broadcast_in_dim3A_8 {strides = array<i32>} : memref<16x256xf32, #tpu.memory_space<vmem>>, vector<16xf32>,
    %swap3A_660 = arith.constant 10 : i32
    %swap3A_661 = arith.index_cast %swap3A_660 : i32 to index
    %swap3A_662 = arith.constant 48 : index
    %swap3A_663 = tpu.vector_load %arg6[%swap3A_661, %swap3A_662] {strides = array<i32>} : memref<16x256xf32, #tpu.memory_space<vmem>>, vector<16xf32>,
    tpu.vector_store %arg6[%swap3A_661, %swap3A_662], %broadcast_in_dim3A_8 {strides = array<i32>} : memref<16x256xf32, #tpu.memory_space<vmem>>, vector<16xf32>,
    %swap3A_664 = arith.constant 10 : i32
    %swap3A_665 = arith.index_cast %swap3A_664 : i32 to index
    %swap3A_666 = arith.constant 64 : index
    %swap3A_667 = tpu.vector_load %arg6[%swap3A_665, %swap3A_666] {strides = array<i32>} : memref<16x256xf32, #tpu.memory_space<vmem>>, vector<16xf32>,
    tpu.vector_store %arg6[%swap3A_665, %swap3A_666], %broadcast_in_dim3A_8 {strides = array<i32>} : memref<16x256xf32, #tpu.memory_space<vmem>>, vector<16xf32>,
    %swap3A_668 = arith.constant 10 : i32
    %swap3A_669 = arith.index_cast %swap3A_668 : i32 to index
    %swap3A_670 = arith.constant 80 : index
    %swap3A_671 = tpu.vector_load %arg6[%swap3A_669, %swap3A_670] {strides = array<i32>} : memref<16x256xf32, #tpu.memory_space<vmem>>, vector<16xf32>,
    tpu.vector_store %arg6[%swap3A_669, %swap3A_670], %broadcast_in_dim3A_8 {strides = array<i32>} : memref<16x256xf32, #tpu.memory_space<vmem>>, vector<16xf32>,
    %swap3A_672 = arith.constant 10 : i32
    %swap3A_673 = arith.index_cast %swap3A_672 : i32 to index
    %swap3A_674 = arith.constant 96 : index
    %swap3A_675 = tpu.vector_load %arg6[%swap3A_673, %swap3A_674] {strides = array<i32>} : memref<16x256xf32, #tpu.memory_space<vmem>>, vector<16xf32>,
    tpu.vector_store %arg6[%swap3A_673, %swap3A_674], %broadcast_in_dim3A_8 {strides = array<i32>} : memref<16x256xf32, #tpu.memory_space<vmem>>, vector<16xf32>,
    %swap3A_676 = arith.constant 10 : i32
    %swap3A_677 = arith.index_cast %swap3A_676 : i32 to index
    %swap3A_678 = arith.constant 112 : index
    %swap3A_679 = tpu.vector_load %arg6[%swap3A_677, %swap3A_678] {strides = array<i32>} : memref<16x256xf32, #tpu.memory_space<vmem>>, vector<16xf32>,
    tpu.vector_store %arg6[%swap3A_677, %swap3A_678], %broadcast_in_dim3A_8 {strides = array<i32>} : memref<16x256xf32, #tpu.memory_space<vmem>>, vector<16xf32>,
    %swap3A_680 = arith.constant 10 : i32
    %swap3A_681 = arith.index_cast %swap3A_680 : i32 to index
    %swap3A_682 = arith.constant 128 : index
    %swap3A_683 = tpu.vector_load %arg6[%swap3A_681, %swap3A_682] {strides = array<i32>} : memref<16x256xf32, #tpu.memory_space<vmem>>, vector<16xf32>,
    tpu.vector_store %arg6[%swap3A_681, %swap3A_682], %broadcast_in_dim3A_8 {strides = array<i32>} : memref<16x256xf32, #tpu.memory_space<vmem>>, vector<16xf32>,
    %swap3A_684 = arith.constant 10 : i32
    %swap3A_685 = arith.index_cast %swap3A_684 : i32 to index
    %swap3A_686 = arith.constant 144 : index
    %swap3A_687 = tpu.vector_load %arg6[%swap3A_685, %swap3A_686] {strides = array<i32>} : memref<16x256xf32, #tpu.memory_space<vmem>>, vector<16xf32>,
    tpu.vector_store %arg6[%swap3A_685, %swap3A_686], %broadcast_in_dim3A_8 {strides = array<i32>} : memref<16x256xf32, #tpu.memory_space<vmem>>, vector<16xf32>,
    %swap3A_688 = arith.constant 10 : i32
    %swap3A_689 = arith.index_cast %swap3A_688 : i32 to index
    %swap3A_690 = arith.constant 160 : index
    %swap3A_691 = tpu.vector_load %arg6[%swap3A_689, %swap3A_690] {strides = array<i32>} : memref<16x256xf32, #tpu.memory_space<vmem>>, vector<16xf32>,
    tpu.vector_store %arg6[%swap3A_689, %swap3A_690], %broadcast_in_dim3A_8 {strides = array<i32>} : memref<16x256xf32, #tpu.memory_space<vmem>>, vector<16xf32>,
    %swap3A_692 = arith.constant 10 : i32
    %swap3A_693 = arith.index_cast %swap3A_692 : i32 to index
    %swap3A_694 = arith.constant 176 : index
    %swap3A_695 = tpu.vector_load %arg6[%swap3A_693, %swap3A_694] {strides = array<i32>} : memref<16x256xf32, #tpu.memory_space<vmem>>, vector<16xf32>,
    tpu.vector_store %arg6[%swap3A_693, %swap3A_694], %broadcast_in_dim3A_8 {strides = array<i32>} : memref<16x256xf32, #tpu.memory_space<vmem>>, vector<16xf32>,
    %swap3A_696 = arith.constant 10 : i32
    %swap3A_697 = arith.index_cast %swap3A_696 : i32 to index
    %swap3A_698 = arith.constant 192 : index
    %swap3A_699 = tpu.vector_load %arg6[%swap3A_697, %swap3A_698] {strides = array<i32>} : memref<16x256xf32, #tpu.memory_space<vmem>>, vector<16xf32>,
    tpu.vector_store %arg6[%swap3A_697, %swap3A_698], %broadcast_in_dim3A_8 {strides = array<i32>} : memref<16x256xf32, #tpu.memory_space<vmem>>, vector<16xf32>,
    %swap3A_700 = arith.constant 10 : i32
    %swap3A_701 = arith.index_cast %swap3A_700 : i32 to index
    %swap3A_702 = arith.constant 208 : index
    %swap3A_703 = tpu.vector_load %arg6[%swap3A_701, %swap3A_702] {strides = array<i32>} : memref<16x256xf32, #tpu.memory_space<vmem>>, vector<16xf32>,
    tpu.vector_store %arg6[%swap3A_701, %swap3A_702], %broadcast_in_dim3A_8 {strides = array<i32>} : memref<16x256xf32, #tpu.memory_space<vmem>>, vector<16xf32>,
    %swap3A_704 = arith.constant 10 : i32
    %swap3A_705 = arith.index_cast %swap3A_704 : i32 to index
    %swap3A_706 = arith.constant 224 : index
    %swap3A_707 = tpu.vector_load %arg6[%swap3A_705, %swap3A_706] {strides = array<i32>} : memref<16x256xf32, #tpu.memory_space<vmem>>, vector<16xf32>,
    tpu.vector_store %arg6[%swap3A_705, %swap3A_706], %broadcast_in_dim3A_8 {strides = array<i32>} : memref<16x256xf32, #tpu.memory_space<vmem>>, vector<16xf32>,
    %swap3A_708 = arith.constant 10 : i32
    %swap3A_709 = arith.index_cast %swap3A_708 : i32 to index
    %swap3A_710 = arith.constant 240 : index
    %swap3A_711 = tpu.vector_load %arg6[%swap3A_709, %swap3A_710] {strides = array<i32>} : memref<16x256xf32, #tpu.memory_space<vmem>>, vector<16xf32>,
    tpu.vector_store %arg6[%swap3A_709, %swap3A_710], %broadcast_in_dim3A_8 {strides = array<i32>} : memref<16x256xf32, #tpu.memory_space<vmem>>, vector<16xf32>,
    %swap3A_712 = arith.constant 11 : i32
    %swap3A_713 = arith.index_cast %swap3A_712 : i32 to index
    %swap3A_714 = arith.constant 0 : index
    %swap3A_715 = tpu.vector_load %arg6[%swap3A_713, %swap3A_714] {strides = array<i32>} : memref<16x256xf32, #tpu.memory_space<vmem>>, vector<16xf32>,
    tpu.vector_store %arg6[%swap3A_713, %swap3A_714], %broadcast_in_dim3A_8 {strides = array<i32>} : memref<16x256xf32, #tpu.memory_space<vmem>>, vector<16xf32>,
    %swap3A_716 = arith.constant 11 : i32
    %swap3A_717 = arith.index_cast %swap3A_716 : i32 to index
    %swap3A_718 = arith.constant 16 : index
    %swap3A_719 = tpu.vector_load %arg6[%swap3A_717, %swap3A_718] {strides = array<i32>} : memref<16x256xf32, #tpu.memory_space<vmem>>, vector<16xf32>,
    tpu.vector_store %arg6[%swap3A_717, %swap3A_718], %broadcast_in_dim3A_8 {strides = array<i32>} : memref<16x256xf32, #tpu.memory_space<vmem>>, vector<16xf32>,
    %swap3A_720 = arith.constant 11 : i32
    %swap3A_721 = arith.index_cast %swap3A_720 : i32 to index
    %swap3A_722 = arith.constant 32 : index
    %swap3A_723 = tpu.vector_load %arg6[%swap3A_721, %swap3A_722] {strides = array<i32>} : memref<16x256xf32, #tpu.memory_space<vmem>>, vector<16xf32>,
    tpu.vector_store %arg6[%swap3A_721, %swap3A_722], %broadcast_in_dim3A_8 {strides = array<i32>} : memref<16x256xf32, #tpu.memory_space<vmem>>, vector<16xf32>,
    %swap3A_724 = arith.constant 11 : i32
    %swap3A_725 = arith.index_cast %swap3A_724 : i32 to index
    %swap3A_726 = arith.constant 48 : index
    %swap3A_727 = tpu.vector_load %arg6[%swap3A_725, %swap3A_726] {strides = array<i32>} : memref<16x256xf32, #tpu.memory_space<vmem>>, vector<16xf32>,
    tpu.vector_store %arg6[%swap3A_725, %swap3A_726], %broadcast_in_dim3A_8 {strides = array<i32>} : memref<16x256xf32, #tpu.memory_space<vmem>>, vector<16xf32>,
    %swap3A_728 = arith.constant 11 : i32
    %swap3A_729 = arith.index_cast %swap3A_728 : i32 to index
    %swap3A_730 = arith.constant 64 : index
    %swap3A_731 = tpu.vector_load %arg6[%swap3A_729, %swap3A_730] {strides = array<i32>} : memref<16x256xf32, #tpu.memory_space<vmem>>, vector<16xf32>,
    tpu.vector_store %arg6[%swap3A_729, %swap3A_730], %broadcast_in_dim3A_8 {strides = array<i32>} : memref<16x256xf32, #tpu.memory_space<vmem>>, vector<16xf32>,
    %swap3A_732 = arith.constant 11 : i32
    %swap3A_733 = arith.index_cast %swap3A_732 : i32 to index
    %swap3A_734 = arith.constant 80 : index
    %swap3A_735 = tpu.vector_load %arg6[%swap3A_733, %swap3A_734] {strides = array<i32>} : memref<16x256xf32, #tpu.memory_space<vmem>>, vector<16xf32>,
    tpu.vector_store %arg6[%swap3A_733, %swap3A_734], %broadcast_in_dim3A_8 {strides = array<i32>} : memref<16x256xf32, #tpu.memory_space<vmem>>, vector<16xf32>,
    %swap3A_736 = arith.constant 11 : i32
    %swap3A_737 = arith.index_cast %swap3A_736 : i32 to index
    %swap3A_738 = arith.constant 96 : index
    %swap3A_739 = tpu.vector_load %arg6[%swap3A_737, %swap3A_738] {strides = array<i32>} : memref<16x256xf32, #tpu.memory_space<vmem>>, vector<16xf32>,
    tpu.vector_store %arg6[%swap3A_737, %swap3A_738], %broadcast_in_dim3A_8 {strides = array<i32>} : memref<16x256xf32, #tpu.memory_space<vmem>>, vector<16xf32>,
    %swap3A_740 = arith.constant 11 : i32
    %swap3A_741 = arith.index_cast %swap3A_740 : i32 to index
    %swap3A_742 = arith.constant 112 : index
    %swap3A_743 = tpu.vector_load %arg6[%swap3A_741, %swap3A_742] {strides = array<i32>} : memref<16x256xf32, #tpu.memory_space<vmem>>, vector<16xf32>,
    tpu.vector_store %arg6[%swap3A_741, %swap3A_742], %broadcast_in_dim3A_8 {strides = array<i32>} : memref<16x256xf32, #tpu.memory_space<vmem>>, vector<16xf32>,
    %swap3A_744 = arith.constant 11 : i32
    %swap3A_745 = arith.index_cast %swap3A_744 : i32 to index
    %swap3A_746 = arith.constant 128 : index
    %swap3A_747 = tpu.vector_load %arg6[%swap3A_745, %swap3A_746] {strides = array<i32>} : memref<16x256xf32, #tpu.memory_space<vmem>>, vector<16xf32>,
    tpu.vector_store %arg6[%swap3A_745, %swap3A_746], %broadcast_in_dim3A_8 {strides = array<i32>} : memref<16x256xf32, #tpu.memory_space<vmem>>, vector<16xf32>,
    %swap3A_748 = arith.constant 11 : i32
    %swap3A_749 = arith.index_cast %swap3A_748 : i32 to index
    %swap3A_750 = arith.constant 144 : index
    %swap3A_751 = tpu.vector_load %arg6[%swap3A_749, %swap3A_750] {strides = array<i32>} : memref<16x256xf32, #tpu.memory_space<vmem>>, vector<16xf32>,
    tpu.vector_store %arg6[%swap3A_749, %swap3A_750], %broadcast_in_dim3A_8 {strides = array<i32>} : memref<16x256xf32, #tpu.memory_space<vmem>>, vector<16xf32>,
    %swap3A_752 = arith.constant 11 : i32
    %swap3A_753 = arith.index_cast %swap3A_752 : i32 to index
    %swap3A_754 = arith.constant 160 : index
    %swap3A_755 = tpu.vector_load %arg6[%swap3A_753, %swap3A_754] {strides = array<i32>} : memref<16x256xf32, #tpu.memory_space<vmem>>, vector<16xf32>,
    tpu.vector_store %arg6[%swap3A_753, %swap3A_754], %broadcast_in_dim3A_8 {strides = array<i32>} : memref<16x256xf32, #tpu.memory_space<vmem>>, vector<16xf32>,
    %swap3A_756 = arith.constant 11 : i32
    %swap3A_757 = arith.index_cast %swap3A_756 : i32 to index
    %swap3A_758 = arith.constant 176 : index
    %swap3A_759 = tpu.vector_load %arg6[%swap3A_757, %swap3A_758] {strides = array<i32>} : memref<16x256xf32, #tpu.memory_space<vmem>>, vector<16xf32>,
    tpu.vector_store %arg6[%swap3A_757, %swap3A_758], %broadcast_in_dim3A_8 {strides = array<i32>} : memref<16x256xf32, #tpu.memory_space<vmem>>, vector<16xf32>,
    %swap3A_760 = arith.constant 11 : i32
    %swap3A_761 = arith.index_cast %swap3A_760 : i32 to index
    %swap3A_762 = arith.constant 192 : index
    %swap3A_763 = tpu.vector_load %arg6[%swap3A_761, %swap3A_762] {strides = array<i32>} : memref<16x256xf32, #tpu.memory_space<vmem>>, vector<16xf32>,
    tpu.vector_store %arg6[%swap3A_761, %swap3A_762], %broadcast_in_dim3A_8 {strides = array<i32>} : memref<16x256xf32, #tpu.memory_space<vmem>>, vector<16xf32>,
    %swap3A_764 = arith.constant 11 : i32
    %swap3A_765 = arith.index_cast %swap3A_764 : i32 to index
    %swap3A_766 = arith.constant 208 : index
    %swap3A_767 = tpu.vector_load %arg6[%swap3A_765, %swap3A_766] {strides = array<i32>} : memref<16x256xf32, #tpu.memory_space<vmem>>, vector<16xf32>,
    tpu.vector_store %arg6[%swap3A_765, %swap3A_766], %broadcast_in_dim3A_8 {strides = array<i32>} : memref<16x256xf32, #tpu.memory_space<vmem>>, vector<16xf32>,
    %swap3A_768 = arith.constant 11 : i32
    %swap3A_769 = arith.index_cast %swap3A_768 : i32 to index
    %swap3A_770 = arith.constant 224 : index
    %swap3A_771 = tpu.vector_load %arg6[%swap3A_769, %swap3A_770] {strides = array<i32>} : memref<16x256xf32, #tpu.memory_space<vmem>>, vector<16xf32>,
    tpu.vector_store %arg6[%swap3A_769, %swap3A_770], %broadcast_in_dim3A_8 {strides = array<i32>} : memref<16x256xf32, #tpu.memory_space<vmem>>, vector<16xf32>,
    %swap3A_772 = arith.constant 11 : i32
    %swap3A_773 = arith.index_cast %swap3A_772 : i32 to index
    %swap3A_774 = arith.constant 240 : index
    %swap3A_775 = tpu.vector_load %arg6[%swap3A_773, %swap3A_774] {strides = array<i32>} : memref<16x256xf32, #tpu.memory_space<vmem>>, vector<16xf32>,
    tpu.vector_store %arg6[%swap3A_773, %swap3A_774], %broadcast_in_dim3A_8 {strides = array<i32>} : memref<16x256xf32, #tpu.memory_space<vmem>>, vector<16xf32>,
    %swap3A_776 = arith.constant 12 : i32
    %swap3A_777 = arith.index_cast %swap3A_776 : i32 to index
    %swap3A_778 = arith.constant 0 : index
    %swap3A_779 = tpu.vector_load %arg6[%swap3A_777, %swap3A_778] {strides = array<i32>} : memref<16x256xf32, #tpu.memory_space<vmem>>, vector<16xf32>,
    tpu.vector_store %arg6[%swap3A_777, %swap3A_778], %broadcast_in_dim3A_8 {strides = array<i32>} : memref<16x256xf32, #tpu.memory_space<vmem>>, vector<16xf32>,
    %swap3A_780 = arith.constant 12 : i32
    %swap3A_781 = arith.index_cast %swap3A_780 : i32 to index
    %swap3A_782 = arith.constant 16 : index
    %swap3A_783 = tpu.vector_load %arg6[%swap3A_781, %swap3A_782] {strides = array<i32>} : memref<16x256xf32, #tpu.memory_space<vmem>>, vector<16xf32>,
    tpu.vector_store %arg6[%swap3A_781, %swap3A_782], %broadcast_in_dim3A_8 {strides = array<i32>} : memref<16x256xf32, #tpu.memory_space<vmem>>, vector<16xf32>,
    %swap3A_784 = arith.constant 12 : i32
    %swap3A_785 = arith.index_cast %swap3A_784 : i32 to index
    %swap3A_786 = arith.constant 32 : index
    %swap3A_787 = tpu.vector_load %arg6[%swap3A_785, %swap3A_786] {strides = array<i32>} : memref<16x256xf32, #tpu.memory_space<vmem>>, vector<16xf32>,
    tpu.vector_store %arg6[%swap3A_785, %swap3A_786], %broadcast_in_dim3A_8 {strides = array<i32>} : memref<16x256xf32, #tpu.memory_space<vmem>>, vector<16xf32>,
    %swap3A_788 = arith.constant 12 : i32
    %swap3A_789 = arith.index_cast %swap3A_788 : i32 to index
    %swap3A_790 = arith.constant 48 : index
    %swap3A_791 = tpu.vector_load %arg6[%swap3A_789, %swap3A_790] {strides = array<i32>} : memref<16x256xf32, #tpu.memory_space<vmem>>, vector<16xf32>,
    tpu.vector_store %arg6[%swap3A_789, %swap3A_790], %broadcast_in_dim3A_8 {strides = array<i32>} : memref<16x256xf32, #tpu.memory_space<vmem>>, vector<16xf32>,
    %swap3A_792 = arith.constant 12 : i32
    %swap3A_793 = arith.index_cast %swap3A_792 : i32 to index
    %swap3A_794 = arith.constant 64 : index
    %swap3A_795 = tpu.vector_load %arg6[%swap3A_793, %swap3A_794] {strides = array<i32>} : memref<16x256xf32, #tpu.memory_space<vmem>>, vector<16xf32>,
    tpu.vector_store %arg6[%swap3A_793, %swap3A_794], %broadcast_in_dim3A_8 {strides = array<i32>} : memref<16x256xf32, #tpu.memory_space<vmem>>, vector<16xf32>,
    %swap3A_796 = arith.constant 12 : i32
    %swap3A_797 = arith.index_cast %swap3A_796 : i32 to index
    %swap3A_798 = arith.constant 80 : index
    %swap3A_799 = tpu.vector_load %arg6[%swap3A_797, %swap3A_798] {strides = array<i32>} : memref<16x256xf32, #tpu.memory_space<vmem>>, vector<16xf32>,
    tpu.vector_store %arg6[%swap3A_797, %swap3A_798], %broadcast_in_dim3A_8 {strides = array<i32>} : memref<16x256xf32, #tpu.memory_space<vmem>>, vector<16xf32>,
    %swap3A_800 = arith.constant 12 : i32
    %swap3A_801 = arith.index_cast %swap3A_800 : i32 to index
    %swap3A_802 = arith.constant 96 : index
    %swap3A_803 = tpu.vector_load %arg6[%swap3A_801, %swap3A_802] {strides = array<i32>} : memref<16x256xf32, #tpu.memory_space<vmem>>, vector<16xf32>,
    tpu.vector_store %arg6[%swap3A_801, %swap3A_802], %broadcast_in_dim3A_8 {strides = array<i32>} : memref<16x256xf32, #tpu.memory_space<vmem>>, vector<16xf32>,
    %swap3A_804 = arith.constant 12 : i32
    %swap3A_805 = arith.index_cast %swap3A_804 : i32 to index
    %swap3A_806 = arith.constant 112 : index
    %swap3A_807 = tpu.vector_load %arg6[%swap3A_805, %swap3A_806] {strides = array<i32>} : memref<16x256xf32, #tpu.memory_space<vmem>>, vector<16xf32>,
    tpu.vector_store %arg6[%swap3A_805, %swap3A_806], %broadcast_in_dim3A_8 {strides = array<i32>} : memref<16x256xf32, #tpu.memory_space<vmem>>, vector<16xf32>,
    %swap3A_808 = arith.constant 12 : i32
    %swap3A_809 = arith.index_cast %swap3A_808 : i32 to index
    %swap3A_810 = arith.constant 128 : index
    %swap3A_811 = tpu.vector_load %arg6[%swap3A_809, %swap3A_810] {strides = array<i32>} : memref<16x256xf32, #tpu.memory_space<vmem>>, vector<16xf32>,
    tpu.vector_store %arg6[%swap3A_809, %swap3A_810], %broadcast_in_dim3A_8 {strides = array<i32>} : memref<16x256xf32, #tpu.memory_space<vmem>>, vector<16xf32>,
    %swap3A_812 = arith.constant 12 : i32
    %swap3A_813 = arith.index_cast %swap3A_812 : i32 to index
    %swap3A_814 = arith.constant 144 : index
    %swap3A_815 = tpu.vector_load %arg6[%swap3A_813, %swap3A_814] {strides = array<i32>} : memref<16x256xf32, #tpu.memory_space<vmem>>, vector<16xf32>,
    tpu.vector_store %arg6[%swap3A_813, %swap3A_814], %broadcast_in_dim3A_8 {strides = array<i32>} : memref<16x256xf32, #tpu.memory_space<vmem>>, vector<16xf32>,
    %swap3A_816 = arith.constant 12 : i32
    %swap3A_817 = arith.index_cast %swap3A_816 : i32 to index
    %swap3A_818 = arith.constant 160 : index
    %swap3A_819 = tpu.vector_load %arg6[%swap3A_817, %swap3A_818] {strides = array<i32>} : memref<16x256xf32, #tpu.memory_space<vmem>>, vector<16xf32>,
    tpu.vector_store %arg6[%swap3A_817, %swap3A_818], %broadcast_in_dim3A_8 {strides = array<i32>} : memref<16x256xf32, #tpu.memory_space<vmem>>, vector<16xf32>,
    %swap3A_820 = arith.constant 12 : i32
    %swap3A_821 = arith.index_cast %swap3A_820 : i32 to index
    %swap3A_822 = arith.constant 176 : index
    %swap3A_823 = tpu.vector_load %arg6[%swap3A_821, %swap3A_822] {strides = array<i32>} : memref<16x256xf32, #tpu.memory_space<vmem>>, vector<16xf32>,
    tpu.vector_store %arg6[%swap3A_821, %swap3A_822], %broadcast_in_dim3A_8 {strides = array<i32>} : memref<16x256xf32, #tpu.memory_space<vmem>>, vector<16xf32>,
    %swap3A_824 = arith.constant 12 : i32
    %swap3A_825 = arith.index_cast %swap3A_824 : i32 to index
    %swap3A_826 = arith.constant 192 : index
    %swap3A_827 = tpu.vector_load %arg6[%swap3A_825, %swap3A_826] {strides = array<i32>} : memref<16x256xf32, #tpu.memory_space<vmem>>, vector<16xf32>,
    tpu.vector_store %arg6[%swap3A_825, %swap3A_826], %broadcast_in_dim3A_8 {strides = array<i32>} : memref<16x256xf32, #tpu.memory_space<vmem>>, vector<16xf32>,
    %swap3A_828 = arith.constant 12 : i32
    %swap3A_829 = arith.index_cast %swap3A_828 : i32 to index
    %swap3A_830 = arith.constant 208 : index
    %swap3A_831 = tpu.vector_load %arg6[%swap3A_829, %swap3A_830] {strides = array<i32>} : memref<16x256xf32, #tpu.memory_space<vmem>>, vector<16xf32>,
    tpu.vector_store %arg6[%swap3A_829, %swap3A_830], %broadcast_in_dim3A_8 {strides = array<i32>} : memref<16x256xf32, #tpu.memory_space<vmem>>, vector<16xf32>,
    %swap3A_832 = arith.constant 12 : i32
    %swap3A_833 = arith.index_cast %swap3A_832 : i32 to index
    %swap3A_834 = arith.constant 224 : index
    %swap3A_835 = tpu.vector_load %arg6[%swap3A_833, %swap3A_834] {strides = array<i32>} : memref<16x256xf32, #tpu.memory_space<vmem>>, vector<16xf32>,
    tpu.vector_store %arg6[%swap3A_833, %swap3A_834], %broadcast_in_dim3A_8 {strides = array<i32>} : memref<16x256xf32, #tpu.memory_space<vmem>>, vector<16xf32>,
    %swap3A_836 = arith.constant 12 : i32
    %swap3A_837 = arith.index_cast %swap3A_836 : i32 to index
    %swap3A_838 = arith.constant 240 : index
    %swap3A_839 = tpu.vector_load %arg6[%swap3A_837, %swap3A_838] {strides = array<i32>} : memref<16x256xf32, #tpu.memory_space<vmem>>, vector<16xf32>,
    tpu.vector_store %arg6[%swap3A_837, %swap3A_838], %broadcast_in_dim3A_8 {strides = array<i32>} : memref<16x256xf32, #tpu.memory_space<vmem>>, vector<16xf32>,
    %swap3A_840 = arith.constant 13 : i32
    %swap3A_841 = arith.index_cast %swap3A_840 : i32 to index
    %swap3A_842 = arith.constant 0 : index
    %swap3A_843 = tpu.vector_load %arg6[%swap3A_841, %swap3A_842] {strides = array<i32>} : memref<16x256xf32, #tpu.memory_space<vmem>>, vector<16xf32>,
    tpu.vector_store %arg6[%swap3A_841, %swap3A_842], %broadcast_in_dim3A_8 {strides = array<i32>} : memref<16x256xf32, #tpu.memory_space<vmem>>, vector<16xf32>,
    %swap3A_844 = arith.constant 13 : i32
    %swap3A_845 = arith.index_cast %swap3A_844 : i32 to index
    %swap3A_846 = arith.constant 16 : index
    %swap3A_847 = tpu.vector_load %arg6[%swap3A_845, %swap3A_846] {strides = array<i32>} : memref<16x256xf32, #tpu.memory_space<vmem>>, vector<16xf32>,
    tpu.vector_store %arg6[%swap3A_845, %swap3A_846], %broadcast_in_dim3A_8 {strides = array<i32>} : memref<16x256xf32, #tpu.memory_space<vmem>>, vector<16xf32>,
    %swap3A_848 = arith.constant 13 : i32
    %swap3A_849 = arith.index_cast %swap3A_848 : i32 to index
    %swap3A_850 = arith.constant 32 : index
    %swap3A_851 = tpu.vector_load %arg6[%swap3A_849, %swap3A_850] {strides = array<i32>} : memref<16x256xf32, #tpu.memory_space<vmem>>, vector<16xf32>,
    tpu.vector_store %arg6[%swap3A_849, %swap3A_850], %broadcast_in_dim3A_8 {strides = array<i32>} : memref<16x256xf32, #tpu.memory_space<vmem>>, vector<16xf32>,
    %swap3A_852 = arith.constant 13 : i32
    %swap3A_853 = arith.index_cast %swap3A_852 : i32 to index
    %swap3A_854 = arith.constant 48 : index
    %swap3A_855 = tpu.vector_load %arg6[%swap3A_853, %swap3A_854] {strides = array<i32>} : memref<16x256xf32, #tpu.memory_space<vmem>>, vector<16xf32>,
    tpu.vector_store %arg6[%swap3A_853, %swap3A_854], %broadcast_in_dim3A_8 {strides = array<i32>} : memref<16x256xf32, #tpu.memory_space<vmem>>, vector<16xf32>,
    %swap3A_856 = arith.constant 13 : i32
    %swap3A_857 = arith.index_cast %swap3A_856 : i32 to index
    %swap3A_858 = arith.constant 64 : index
    %swap3A_859 = tpu.vector_load %arg6[%swap3A_857, %swap3A_858] {strides = array<i32>} : memref<16x256xf32, #tpu.memory_space<vmem>>, vector<16xf32>,
    tpu.vector_store %arg6[%swap3A_857, %swap3A_858], %broadcast_in_dim3A_8 {strides = array<i32>} : memref<16x256xf32, #tpu.memory_space<vmem>>, vector<16xf32>,
    %swap3A_860 = arith.constant 13 : i32
    %swap3A_861 = arith.index_cast %swap3A_860 : i32 to index
    %swap3A_862 = arith.constant 80 : index
    %swap3A_863 = tpu.vector_load %arg6[%swap3A_861, %swap3A_862] {strides = array<i32>} : memref<16x256xf32, #tpu.memory_space<vmem>>, vector<16xf32>,
    tpu.vector_store %arg6[%swap3A_861, %swap3A_862], %broadcast_in_dim3A_8 {strides = array<i32>} : memref<16x256xf32, #tpu.memory_space<vmem>>, vector<16xf32>,
    %swap3A_864 = arith.constant 13 : i32
    %swap3A_865 = arith.index_cast %swap3A_864 : i32 to index
    %swap3A_866 = arith.constant 96 : index
    %swap3A_867 = tpu.vector_load %arg6[%swap3A_865, %swap3A_866] {strides = array<i32>} : memref<16x256xf32, #tpu.memory_space<vmem>>, vector<16xf32>,
    tpu.vector_store %arg6[%swap3A_865, %swap3A_866], %broadcast_in_dim3A_8 {strides = array<i32>} : memref<16x256xf32, #tpu.memory_space<vmem>>, vector<16xf32>,
    %swap3A_868 = arith.constant 13 : i32
    %swap3A_869 = arith.index_cast %swap3A_868 : i32 to index
    %swap3A_870 = arith.constant 112 : index
    %swap3A_871 = tpu.vector_load %arg6[%swap3A_869, %swap3A_870] {strides = array<i32>} : memref<16x256xf32, #tpu.memory_space<vmem>>, vector<16xf32>,
    tpu.vector_store %arg6[%swap3A_869, %swap3A_870], %broadcast_in_dim3A_8 {strides = array<i32>} : memref<16x256xf32, #tpu.memory_space<vmem>>, vector<16xf32>,
    %swap3A_872 = arith.constant 13 : i32
    %swap3A_873 = arith.index_cast %swap3A_872 : i32 to index
    %swap3A_874 = arith.constant 128 : index
    %swap3A_875 = tpu.vector_load %arg6[%swap3A_873, %swap3A_874] {strides = array<i32>} : memref<16x256xf32, #tpu.memory_space<vmem>>, vector<16xf32>,
    tpu.vector_store %arg6[%swap3A_873, %swap3A_874], %broadcast_in_dim3A_8 {strides = array<i32>} : memref<16x256xf32, #tpu.memory_space<vmem>>, vector<16xf32>,
    %swap3A_876 = arith.constant 13 : i32
    %swap3A_877 = arith.index_cast %swap3A_876 : i32 to index
    %swap3A_878 = arith.constant 144 : index
    %swap3A_879 = tpu.vector_load %arg6[%swap3A_877, %swap3A_878] {strides = array<i32>} : memref<16x256xf32, #tpu.memory_space<vmem>>, vector<16xf32>,
    tpu.vector_store %arg6[%swap3A_877, %swap3A_878], %broadcast_in_dim3A_8 {strides = array<i32>} : memref<16x256xf32, #tpu.memory_space<vmem>>, vector<16xf32>,
    %swap3A_880 = arith.constant 13 : i32
    %swap3A_881 = arith.index_cast %swap3A_880 : i32 to index
    %swap3A_882 = arith.constant 160 : index
    %swap3A_883 = tpu.vector_load %arg6[%swap3A_881, %swap3A_882] {strides = array<i32>} : memref<16x256xf32, #tpu.memory_space<vmem>>, vector<16xf32>,
    tpu.vector_store %arg6[%swap3A_881, %swap3A_882], %broadcast_in_dim3A_8 {strides = array<i32>} : memref<16x256xf32, #tpu.memory_space<vmem>>, vector<16xf32>,
    %swap3A_884 = arith.constant 13 : i32
    %swap3A_885 = arith.index_cast %swap3A_884 : i32 to index
    %swap3A_886 = arith.constant 176 : index
    %swap3A_887 = tpu.vector_load %arg6[%swap3A_885, %swap3A_886] {strides = array<i32>} : memref<16x256xf32, #tpu.memory_space<vmem>>, vector<16xf32>,
    tpu.vector_store %arg6[%swap3A_885, %swap3A_886], %broadcast_in_dim3A_8 {strides = array<i32>} : memref<16x256xf32, #tpu.memory_space<vmem>>, vector<16xf32>,
    %swap3A_888 = arith.constant 13 : i32
    %swap3A_889 = arith.index_cast %swap3A_888 : i32 to index
    %swap3A_890 = arith.constant 192 : index
    %swap3A_891 = tpu.vector_load %arg6[%swap3A_889, %swap3A_890] {strides = array<i32>} : memref<16x256xf32, #tpu.memory_space<vmem>>, vector<16xf32>,
    tpu.vector_store %arg6[%swap3A_889, %swap3A_890], %broadcast_in_dim3A_8 {strides = array<i32>} : memref<16x256xf32, #tpu.memory_space<vmem>>, vector<16xf32>,
    %swap3A_892 = arith.constant 13 : i32
    %swap3A_893 = arith.index_cast %swap3A_892 : i32 to index
    %swap3A_894 = arith.constant 208 : index
    %swap3A_895 = tpu.vector_load %arg6[%swap3A_893, %swap3A_894] {strides = array<i32>} : memref<16x256xf32, #tpu.memory_space<vmem>>, vector<16xf32>,
    tpu.vector_store %arg6[%swap3A_893, %swap3A_894], %broadcast_in_dim3A_8 {strides = array<i32>} : memref<16x256xf32, #tpu.memory_space<vmem>>, vector<16xf32>,
    %swap3A_896 = arith.constant 13 : i32
    %swap3A_897 = arith.index_cast %swap3A_896 : i32 to index
    %swap3A_898 = arith.constant 224 : index
    %swap3A_899 = tpu.vector_load %arg6[%swap3A_897, %swap3A_898] {strides = array<i32>} : memref<16x256xf32, #tpu.memory_space<vmem>>, vector<16xf32>,
    tpu.vector_store %arg6[%swap3A_897, %swap3A_898], %broadcast_in_dim3A_8 {strides = array<i32>} : memref<16x256xf32, #tpu.memory_space<vmem>>, vector<16xf32>,
    %swap3A_900 = arith.constant 13 : i32
    %swap3A_901 = arith.index_cast %swap3A_900 : i32 to index
    %swap3A_902 = arith.constant 240 : index
    %swap3A_903 = tpu.vector_load %arg6[%swap3A_901, %swap3A_902] {strides = array<i32>} : memref<16x256xf32, #tpu.memory_space<vmem>>, vector<16xf32>,
    tpu.vector_store %arg6[%swap3A_901, %swap3A_902], %broadcast_in_dim3A_8 {strides = array<i32>} : memref<16x256xf32, #tpu.memory_space<vmem>>, vector<16xf32>,
    %swap3A_904 = arith.constant 14 : i32
    %swap3A_905 = arith.index_cast %swap3A_904 : i32 to index
    %swap3A_906 = arith.constant 0 : index
    %swap3A_907 = tpu.vector_load %arg6[%swap3A_905, %swap3A_906] {strides = array<i32>} : memref<16x256xf32, #tpu.memory_space<vmem>>, vector<16xf32>,
    tpu.vector_store %arg6[%swap3A_905, %swap3A_906], %broadcast_in_dim3A_8 {strides = array<i32>} : memref<16x256xf32, #tpu.memory_space<vmem>>, vector<16xf32>,
    %swap3A_908 = arith.constant 14 : i32
    %swap3A_909 = arith.index_cast %swap3A_908 : i32 to index
    %swap3A_910 = arith.constant 16 : index
    %swap3A_911 = tpu.vector_load %arg6[%swap3A_909, %swap3A_910] {strides = array<i32>} : memref<16x256xf32, #tpu.memory_space<vmem>>, vector<16xf32>,
    tpu.vector_store %arg6[%swap3A_909, %swap3A_910], %broadcast_in_dim3A_8 {strides = array<i32>} : memref<16x256xf32, #tpu.memory_space<vmem>>, vector<16xf32>,
    %swap3A_912 = arith.constant 14 : i32
    %swap3A_913 = arith.index_cast %swap3A_912 : i32 to index
    %swap3A_914 = arith.constant 32 : index
    %swap3A_915 = tpu.vector_load %arg6[%swap3A_913, %swap3A_914] {strides = array<i32>} : memref<16x256xf32, #tpu.memory_space<vmem>>, vector<16xf32>,
    tpu.vector_store %arg6[%swap3A_913, %swap3A_914], %broadcast_in_dim3A_8 {strides = array<i32>} : memref<16x256xf32, #tpu.memory_space<vmem>>, vector<16xf32>,
    %swap3A_916 = arith.constant 14 : i32
    %swap3A_917 = arith.index_cast %swap3A_916 : i32 to index
    %swap3A_918 = arith.constant 48 : index
    %swap3A_919 = tpu.vector_load %arg6[%swap3A_917, %swap3A_918] {strides = array<i32>} : memref<16x256xf32, #tpu.memory_space<vmem>>, vector<16xf32>,
    tpu.vector_store %arg6[%swap3A_917, %swap3A_918], %broadcast_in_dim3A_8 {strides = array<i32>} : memref<16x256xf32, #tpu.memory_space<vmem>>, vector<16xf32>,
    %swap3A_920 = arith.constant 14 : i32
    %swap3A_921 = arith.index_cast %swap3A_920 : i32 to index
    %swap3A_922 = arith.constant 64 : index
    %swap3A_923 = tpu.vector_load %arg6[%swap3A_921, %swap3A_922] {strides = array<i32>} : memref<16x256xf32, #tpu.memory_space<vmem>>, vector<16xf32>,
    tpu.vector_store %arg6[%swap3A_921, %swap3A_922], %broadcast_in_dim3A_8 {strides = array<i32>} : memref<16x256xf32, #tpu.memory_space<vmem>>, vector<16xf32>,
    %swap3A_924 = arith.constant 14 : i32
    %swap3A_925 = arith.index_cast %swap3A_924 : i32 to index
    %swap3A_926 = arith.constant 80 : index
    %swap3A_927 = tpu.vector_load %arg6[%swap3A_925, %swap3A_926] {strides = array<i32>} : memref<16x256xf32, #tpu.memory_space<vmem>>, vector<16xf32>,
    tpu.vector_store %arg6[%swap3A_925, %swap3A_926], %broadcast_in_dim3A_8 {strides = array<i32>} : memref<16x256xf32, #tpu.memory_space<vmem>>, vector<16xf32>,
    %swap3A_928 = arith.constant 14 : i32
    %swap3A_929 = arith.index_cast %swap3A_928 : i32 to index
    %swap3A_930 = arith.constant 96 : index
    %swap3A_931 = tpu.vector_load %arg6[%swap3A_929, %swap3A_930] {strides = array<i32>} : memref<16x256xf32, #tpu.memory_space<vmem>>, vector<16xf32>,
    tpu.vector_store %arg6[%swap3A_929, %swap3A_930], %broadcast_in_dim3A_8 {strides = array<i32>} : memref<16x256xf32, #tpu.memory_space<vmem>>, vector<16xf32>,
    %swap3A_932 = arith.constant 14 : i32
    %swap3A_933 = arith.index_cast %swap3A_932 : i32 to index
    %swap3A_934 = arith.constant 112 : index
    %swap3A_935 = tpu.vector_load %arg6[%swap3A_933, %swap3A_934] {strides = array<i32>} : memref<16x256xf32, #tpu.memory_space<vmem>>, vector<16xf32>,
    tpu.vector_store %arg6[%swap3A_933, %swap3A_934], %broadcast_in_dim3A_8 {strides = array<i32>} : memref<16x256xf32, #tpu.memory_space<vmem>>, vector<16xf32>,
    %swap3A_936 = arith.constant 14 : i32
    %swap3A_937 = arith.index_cast %swap3A_936 : i32 to index
    %swap3A_938 = arith.constant 128 : index
    %swap3A_939 = tpu.vector_load %arg6[%swap3A_937, %swap3A_938] {strides = array<i32>} : memref<16x256xf32, #tpu.memory_space<vmem>>, vector<16xf32>,
    tpu.vector_store %arg6[%swap3A_937, %swap3A_938], %broadcast_in_dim3A_8 {strides = array<i32>} : memref<16x256xf32, #tpu.memory_space<vmem>>, vector<16xf32>,
    %swap3A_940 = arith.constant 14 : i32
    %swap3A_941 = arith.index_cast %swap3A_940 : i32 to index
    %swap3A_942 = arith.constant 144 : index
    %swap3A_943 = tpu.vector_load %arg6[%swap3A_941, %swap3A_942] {strides = array<i32>} : memref<16x256xf32, #tpu.memory_space<vmem>>, vector<16xf32>,
    tpu.vector_store %arg6[%swap3A_941, %swap3A_942], %broadcast_in_dim3A_8 {strides = array<i32>} : memref<16x256xf32, #tpu.memory_space<vmem>>, vector<16xf32>,
    %swap3A_944 = arith.constant 14 : i32
    %swap3A_945 = arith.index_cast %swap3A_944 : i32 to index
    %swap3A_946 = arith.constant 160 : index
    %swap3A_947 = tpu.vector_load %arg6[%swap3A_945, %swap3A_946] {strides = array<i32>} : memref<16x256xf32, #tpu.memory_space<vmem>>, vector<16xf32>,
    tpu.vector_store %arg6[%swap3A_945, %swap3A_946], %broadcast_in_dim3A_8 {strides = array<i32>} : memref<16x256xf32, #tpu.memory_space<vmem>>, vector<16xf32>,
    %swap3A_948 = arith.constant 14 : i32
    %swap3A_949 = arith.index_cast %swap3A_948 : i32 to index
    %swap3A_950 = arith.constant 176 : index
    %swap3A_951 = tpu.vector_load %arg6[%swap3A_949, %swap3A_950] {strides = array<i32>} : memref<16x256xf32, #tpu.memory_space<vmem>>, vector<16xf32>,
    tpu.vector_store %arg6[%swap3A_949, %swap3A_950], %broadcast_in_dim3A_8 {strides = array<i32>} : memref<16x256xf32, #tpu.memory_space<vmem>>, vector<16xf32>,
    %swap3A_952 = arith.constant 14 : i32
    %swap3A_953 = arith.index_cast %swap3A_952 : i32 to index
    %swap3A_954 = arith.constant 192 : index
    %swap3A_955 = tpu.vector_load %arg6[%swap3A_953, %swap3A_954] {strides = array<i32>} : memref<16x256xf32, #tpu.memory_space<vmem>>, vector<16xf32>,
    tpu.vector_store %arg6[%swap3A_953, %swap3A_954], %broadcast_in_dim3A_8 {strides = array<i32>} : memref<16x256xf32, #tpu.memory_space<vmem>>, vector<16xf32>,
    %swap3A_956 = arith.constant 14 : i32
    %swap3A_957 = arith.index_cast %swap3A_956 : i32 to index
    %swap3A_958 = arith.constant 208 : index
    %swap3A_959 = tpu.vector_load %arg6[%swap3A_957, %swap3A_958] {strides = array<i32>} : memref<16x256xf32, #tpu.memory_space<vmem>>, vector<16xf32>,
    tpu.vector_store %arg6[%swap3A_957, %swap3A_958], %broadcast_in_dim3A_8 {strides = array<i32>} : memref<16x256xf32, #tpu.memory_space<vmem>>, vector<16xf32>,
    %swap3A_960 = arith.constant 14 : i32
    %swap3A_961 = arith.index_cast %swap3A_960 : i32 to index
    %swap3A_962 = arith.constant 224 : index
    %swap3A_963 = tpu.vector_load %arg6[%swap3A_961, %swap3A_962] {strides = array<i32>} : memref<16x256xf32, #tpu.memory_space<vmem>>, vector<16xf32>,
    tpu.vector_store %arg6[%swap3A_961, %swap3A_962], %broadcast_in_dim3A_8 {strides = array<i32>} : memref<16x256xf32, #tpu.memory_space<vmem>>, vector<16xf32>,
    %swap3A_964 = arith.constant 14 : i32
    %swap3A_965 = arith.index_cast %swap3A_964 : i32 to index
    %swap3A_966 = arith.constant 240 : index
    %swap3A_967 = tpu.vector_load %arg6[%swap3A_965, %swap3A_966] {strides = array<i32>} : memref<16x256xf32, #tpu.memory_space<vmem>>, vector<16xf32>,
    tpu.vector_store %arg6[%swap3A_965, %swap3A_966], %broadcast_in_dim3A_8 {strides = array<i32>} : memref<16x256xf32, #tpu.memory_space<vmem>>, vector<16xf32>,
    %swap3A_968 = arith.constant 15 : i32
    %swap3A_969 = arith.index_cast %swap3A_968 : i32 to index
    %swap3A_970 = arith.constant 0 : index
    %swap3A_971 = tpu.vector_load %arg6[%swap3A_969, %swap3A_970] {strides = array<i32>} : memref<16x256xf32, #tpu.memory_space<vmem>>, vector<16xf32>,
    tpu.vector_store %arg6[%swap3A_969, %swap3A_970], %broadcast_in_dim3A_8 {strides = array<i32>} : memref<16x256xf32, #tpu.memory_space<vmem>>, vector<16xf32>,
    %swap3A_972 = arith.constant 15 : i32
    %swap3A_973 = arith.index_cast %swap3A_972 : i32 to index
    %swap3A_974 = arith.constant 16 : index
    %swap3A_975 = tpu.vector_load %arg6[%swap3A_973, %swap3A_974] {strides = array<i32>} : memref<16x256xf32, #tpu.memory_space<vmem>>, vector<16xf32>,
    tpu.vector_store %arg6[%swap3A_973, %swap3A_974], %broadcast_in_dim3A_8 {strides = array<i32>} : memref<16x256xf32, #tpu.memory_space<vmem>>, vector<16xf32>,
    %swap3A_976 = arith.constant 15 : i32
    %swap3A_977 = arith.index_cast %swap3A_976 : i32 to index
    %swap3A_978 = arith.constant 32 : index
    %swap3A_979 = tpu.vector_load %arg6[%swap3A_977, %swap3A_978] {strides = array<i32>} : memref<16x256xf32, #tpu.memory_space<vmem>>, vector<16xf32>,
    tpu.vector_store %arg6[%swap3A_977, %swap3A_978], %broadcast_in_dim3A_8 {strides = array<i32>} : memref<16x256xf32, #tpu.memory_space<vmem>>, vector<16xf32>,
    %swap3A_980 = arith.constant 15 : i32
    %swap3A_981 = arith.index_cast %swap3A_980 : i32 to index
    %swap3A_982 = arith.constant 48 : index
    %swap3A_983 = tpu.vector_load %arg6[%swap3A_981, %swap3A_982] {strides = array<i32>} : memref<16x256xf32, #tpu.memory_space<vmem>>, vector<16xf32>,
    tpu.vector_store %arg6[%swap3A_981, %swap3A_982], %broadcast_in_dim3A_8 {strides = array<i32>} : memref<16x256xf32, #tpu.memory_space<vmem>>, vector<16xf32>,
    %swap3A_984 = arith.constant 15 : i32
    %swap3A_985 = arith.index_cast %swap3A_984 : i32 to index
    %swap3A_986 = arith.constant 64 : index
    %swap3A_987 = tpu.vector_load %arg6[%swap3A_985, %swap3A_986] {strides = array<i32>} : memref<16x256xf32, #tpu.memory_space<vmem>>, vector<16xf32>,
    tpu.vector_store %arg6[%swap3A_985, %swap3A_986], %broadcast_in_dim3A_8 {strides = array<i32>} : memref<16x256xf32, #tpu.memory_space<vmem>>, vector<16xf32>,
    %swap3A_988 = arith.constant 15 : i32
    %swap3A_989 = arith.index_cast %swap3A_988 : i32 to index
    %swap3A_990 = arith.constant 80 : index
    %swap3A_991 = tpu.vector_load %arg6[%swap3A_989, %swap3A_990] {strides = array<i32>} : memref<16x256xf32, #tpu.memory_space<vmem>>, vector<16xf32>,
    tpu.vector_store %arg6[%swap3A_989, %swap3A_990], %broadcast_in_dim3A_8 {strides = array<i32>} : memref<16x256xf32, #tpu.memory_space<vmem>>, vector<16xf32>,
    %swap3A_992 = arith.constant 15 : i32
    %swap3A_993 = arith.index_cast %swap3A_992 : i32 to index
    %swap3A_994 = arith.constant 96 : index
    %swap3A_995 = tpu.vector_load %arg6[%swap3A_993, %swap3A_994] {strides = array<i32>} : memref<16x256xf32, #tpu.memory_space<vmem>>, vector<16xf32>,
    tpu.vector_store %arg6[%swap3A_993, %swap3A_994], %broadcast_in_dim3A_8 {strides = array<i32>} : memref<16x256xf32, #tpu.memory_space<vmem>>, vector<16xf32>,
    %swap3A_996 = arith.constant 15 : i32
    %swap3A_997 = arith.index_cast %swap3A_996 : i32 to index
    %swap3A_998 = arith.constant 112 : index
    %swap3A_999 = tpu.vector_load %arg6[%swap3A_997, %swap3A_998] {strides = array<i32>} : memref<16x256xf32, #tpu.memory_space<vmem>>, vector<16xf32>,
    tpu.vector_store %arg6[%swap3A_997, %swap3A_998], %broadcast_in_dim3A_8 {strides = array<i32>} : memref<16x256xf32, #tpu.memory_space<vmem>>, vector<16xf32>,
    %swap3A_1000 = arith.constant 15 : i32
    %swap3A_1001 = arith.index_cast %swap3A_1000 : i32 to index
    %swap3A_1002 = arith.constant 128 : index
    %swap3A_1003 = tpu.vector_load %arg6[%swap3A_1001, %swap3A_1002] {strides = array<i32>} : memref<16x256xf32, #tpu.memory_space<vmem>>, vector<16xf32>,
    tpu.vector_store %arg6[%swap3A_1001, %swap3A_1002], %broadcast_in_dim3A_8 {strides = array<i32>} : memref<16x256xf32, #tpu.memory_space<vmem>>, vector<16xf32>,
    %swap3A_1004 = arith.constant 15 : i32
    %swap3A_1005 = arith.index_cast %swap3A_1004 : i32 to index
    %swap3A_1006 = arith.constant 144 : index
    %swap3A_1007 = tpu.vector_load %arg6[%swap3A_1005, %swap3A_1006] {strides = array<i32>} : memref<16x256xf32, #tpu.memory_space<vmem>>, vector<16xf32>,
    tpu.vector_store %arg6[%swap3A_1005, %swap3A_1006], %broadcast_in_dim3A_8 {strides = array<i32>} : memref<16x256xf32, #tpu.memory_space<vmem>>, vector<16xf32>,
    %swap3A_1008 = arith.constant 15 : i32
    %swap3A_1009 = arith.index_cast %swap3A_1008 : i32 to index
    %swap3A_1010 = arith.constant 160 : index
    %swap3A_1011 = tpu.vector_load %arg6[%swap3A_1009, %swap3A_1010] {strides = array<i32>} : memref<16x256xf32, #tpu.memory_space<vmem>>, vector<16xf32>,
    tpu.vector_store %arg6[%swap3A_1009, %swap3A_1010], %broadcast_in_dim3A_8 {strides = array<i32>} : memref<16x256xf32, #tpu.memory_space<vmem>>, vector<16xf32>,
    %swap3A_1012 = arith.constant 15 : i32
    %swap3A_1013 = arith.index_cast %swap3A_1012 : i32 to index
    %swap3A_1014 = arith.constant 176 : index
    %swap3A_1015 = tpu.vector_load %arg6[%swap3A_1013, %swap3A_1014] {strides = array<i32>} : memref<16x256xf32, #tpu.memory_space<vmem>>, vector<16xf32>,
    tpu.vector_store %arg6[%swap3A_1013, %swap3A_1014], %broadcast_in_dim3A_8 {strides = array<i32>} : memref<16x256xf32, #tpu.memory_space<vmem>>, vector<16xf32>,
    %swap3A_1016 = arith.constant 15 : i32
    %swap3A_1017 = arith.index_cast %swap3A_1016 : i32 to index
    %swap3A_1018 = arith.constant 192 : index
    %swap3A_1019 = tpu.vector_load %arg6[%swap3A_1017, %swap3A_1018] {strides = array<i32>} : memref<16x256xf32, #tpu.memory_space<vmem>>, vector<16xf32>,
    tpu.vector_store %arg6[%swap3A_1017, %swap3A_1018], %broadcast_in_dim3A_8 {strides = array<i32>} : memref<16x256xf32, #tpu.memory_space<vmem>>, vector<16xf32>,
    %swap3A_1020 = arith.constant 15 : i32
    %swap3A_1021 = arith.index_cast %swap3A_1020 : i32 to index
    %swap3A_1022 = arith.constant 208 : index
    %swap3A_1023 = tpu.vector_load %arg6[%swap3A_1021, %swap3A_1022] {strides = array<i32>} : memref<16x256xf32, #tpu.memory_space<vmem>>, vector<16xf32>,
    tpu.vector_store %arg6[%swap3A_1021, %swap3A_1022], %broadcast_in_dim3A_8 {strides = array<i32>} : memref<16x256xf32, #tpu.memory_space<vmem>>, vector<16xf32>,
    %swap3A_1024 = arith.constant 15 : i32
    %swap3A_1025 = arith.index_cast %swap3A_1024 : i32 to index
    %swap3A_1026 = arith.constant 224 : index
    %swap3A_1027 = tpu.vector_load %arg6[%swap3A_1025, %swap3A_1026] {strides = array<i32>} : memref<16x256xf32, #tpu.memory_space<vmem>>, vector<16xf32>,
    tpu.vector_store %arg6[%swap3A_1025, %swap3A_1026], %broadcast_in_dim3A_8 {strides = array<i32>} : memref<16x256xf32, #tpu.memory_space<vmem>>, vector<16xf32>,
    %swap3A_1028 = arith.constant 15 : i32
    %swap3A_1029 = arith.index_cast %swap3A_1028 : i32 to index
    %swap3A_1030 = arith.constant 240 : index
    %swap3A_1031 = tpu.vector_load %arg6[%swap3A_1029, %swap3A_1030] {strides = array<i32>} : memref<16x256xf32, #tpu.memory_space<vmem>>, vector<16xf32>,
    tpu.vector_store %arg6[%swap3A_1029, %swap3A_1030], %broadcast_in_dim3A_8 {strides = array<i32>} : memref<16x256xf32, #tpu.memory_space<vmem>>, vector<16xf32>,
    %sub3A = arith.subi %squeeze3A_7, %squeeze3A : i32
    %add3A_1032 = arith.constant 127 : i32
    %add3A_1033 = arith.addi %sub3A, %add3A_1032 : i32
    %div3A = arith.constant 128 : i32
    %div3A_1034 = arith.divsi %add3A_1033, %div3A : i32
    %while3A = arith.constant 0 : i32
    %while3A_1035 = arith.constant 0 : i32
    %while3A_1036 = arith.subi %div3A_1034, %while3A : i32
    %while3A_1037 = arith.addi %while3A, %while3A_1036 : i32
    %while3A_1038 = arith.constant 1 : i32
    %while3A_1039 = arith.divsi %while3A_1036, %while3A_1038 : i32
    %while3A_1040 = arith.muli %while3A_1039, %while3A_1038 : i32
    %while3A_1041 = arith.addi %while3A, %while3A_1040 : i32
    %while3A_1042 = arith.constant 1 : i32
    %while3A_1043 = scf.for %while3A_1046 = %while3A to %while3A_1041 step %while3A_1042 iter_args(%while3A_1047 = %while3A_1035) -> (i32)  : i32 {
      %mul3A_1048 = arith.constant 128 : i32
      %mul3A_1049 = arith.muli %while3A_1046, %mul3A_1048 : i32
      %add3A_1050 = arith.addi %squeeze3A, %mul3A_1049 : i32
      %min3A = arith.constant 9856 : i32
      %min3A_1051 = arith.minsi %add3A_1050, %min3A : i32
      %jit3A = arith.constant 8 : i32
      %div3A_1052 = arith.divsi %min3A_1051, %jit3A : i32
      %sign3A = arith.constant 0 : i32
      %sign3A_1053 = arith.cmpi sgt, %min3A_1051, %sign3A : i32
      %sign3A_1054 = arith.extui %sign3A_1053 : i1 to i32
      %sign3A_1055 = arith.constant 0 : i32
      %sign3A_1056 = arith.cmpi slt, %min3A_1051, %sign3A_1055 : i32
      %sign3A_1057 = arith.extui %sign3A_1056 : i1 to i32
      %sign3A_1058 = arith.subi %sign3A_1054, %sign3A_1057 : i32
      %sign3A_1059 = arith.constant 0 : i32
      %sign3A_1060 = arith.cmpi sgt, %jit3A, %sign3A_1059 : i32
      %sign3A_1061 = arith.extui %sign3A_1060 : i1 to i32
      %sign3A_1062 = arith.constant 0 : i32
      %sign3A_1063 = arith.cmpi slt, %jit3A, %sign3A_1062 : i32
      %sign3A_1064 = arith.extui %sign3A_1063 : i1 to i32
      %sign3A_1065 = arith.subi %sign3A_1061, %sign3A_1064 : i32
      %ne3A = arith.cmpi ne, %sign3A_1058, %sign3A_1065 : i32
      %rem3A = arith.remsi %min3A_1051, %jit3A : i32
      %ne3A_1066 = arith.constant 0 : i32
      %ne3A_1067 = arith.cmpi ne, %rem3A, %ne3A_1066 : i32
      %and3A = arith.andi %ne3A, %ne3A_1067 : i1
      %sub3A_1068 = arith.constant 1 : i32
      %sub3A_1069 = arith.subi %div3A_1052, %sub3A_1068 : i32
      %select_n3A = arith.select %and3A, %sub3A_1069, %div3A_1052 : i32
      %mul3A_1070 = arith.constant 8 : i32
      %mul3A_1071 = arith.muli %select_n3A, %mul3A_1070 : i32
      "tpu.region"() ({
        %run_scoped3A = tpu.sem_alloc : memref<!tpu.dma_semaphore, #tpu.memory_space<semaphore_mem>>
        %dma_start3A = arith.constant 0 : i32
        %dma_start3A_1114 = tpu.memref_slice %arg2[%mul3A_1071, %dma_start3A] : memref<10000x256xf32, #tpu.memory_space<hbm>> -> memref<144x256xf32, #tpu.memory_space<hbm>>
        %dma_start3A_1115 = arith.constant 0 : i32
        %dma_start3A_1116 = tpu.memref_slice %arg2[%mul3A_1071, %dma_start3A_1115] : memref<10000x256xf32, #tpu.memory_space<hbm>> -> memref<144x256xf32, #tpu.memory_space<hbm>>
        tpu.enqueue_dma source(%dma_start3A_1116 : memref<144x256xf32, #tpu.memory_space<hbm>>) target(%arg5 : memref<144x256xf32, #tpu.memory_space<vmem>>) target_semaphore(%run_scoped3A : memref<!tpu.dma_semaphore, #tpu.memory_space<semaphore_mem>>)
        %dma_wait3A = arith.constant 0 : i32
        %dma_wait3A_1117 = tpu.memref_slice %arg2[%mul3A_1071, %dma_wait3A] : memref<10000x256xf32, #tpu.memory_space<hbm>> -> memref<144x256xf32, #tpu.memory_space<hbm>>
        %dma_wait3A_1118 = arith.constant 0 : i32
        %dma_wait3A_1119 = tpu.memref_slice %arg2[%mul3A_1071, %dma_wait3A_1118] : memref<10000x256xf32, #tpu.memory_space<hbm>> -> memref<144x256xf32, #tpu.memory_space<hbm>>
        tpu.wait_dma2 semaphore(%run_scoped3A : memref<!tpu.dma_semaphore, #tpu.memory_space<semaphore_mem>>) src(%dma_wait3A_1119 : memref<144x256xf32, #tpu.memory_space<hbm>>) dst(%arg5 : memref<144x256xf32, #tpu.memory_space<vmem>>)
        tpu.yield
      }) : () -> ()
      %mul3A_1072 = arith.constant 128 : i32
      %mul3A_1073 = arith.muli %while3A_1046, %mul3A_1072 : i32
      %add3A_1074 = arith.addi %squeeze3A, %mul3A_1073 : i32
      %min3A_1075 = arith.constant 9856 : i32
      %min3A_1076 = arith.minsi %add3A_1074, %min3A_1075 : i32
      %jit3A_1077 = arith.constant 8 : i32
      %div3A_1078 = arith.divsi %min3A_1076, %jit3A_1077 : i32
      %sign3A_1079 = arith.constant 0 : i32
      %sign3A_1080 = arith.cmpi sgt, %min3A_1076, %sign3A_1079 : i32
      %sign3A_1081 = arith.extui %sign3A_1080 : i1 to i32
      %sign3A_1082 = arith.constant 0 : i32
      %sign3A_1083 = arith.cmpi slt, %min3A_1076, %sign3A_1082 : i32
      %sign3A_1084 = arith.extui %sign3A_1083 : i1 to i32
      %sign3A_1085 = arith.subi %sign3A_1081, %sign3A_1084 : i32
      %sign3A_1086 = arith.constant 0 : i32
      %sign3A_1087 = arith.cmpi sgt, %jit3A_1077, %sign3A_1086 : i32
      %sign3A_1088 = arith.extui %sign3A_1087 : i1 to i32
      %sign3A_1089 = arith.constant 0 : i32
      %sign3A_1090 = arith.cmpi slt, %jit3A_1077, %sign3A_1089 : i32
      %sign3A_1091 = arith.extui %sign3A_1090 : i1 to i32
      %sign3A_1092 = arith.subi %sign3A_1088, %sign3A_1091 : i32
      %ne3A_1093 = arith.cmpi ne, %sign3A_1085, %sign3A_1092 : i32
      %rem3A_1094 = arith.remsi %min3A_1076, %jit3A_1077 : i32
      %ne3A_1095 = arith.constant 0 : i32
      %ne3A_1096 = arith.cmpi ne, %rem3A_1094, %ne3A_1095 : i32
      %and3A_1097 = arith.andi %ne3A_1093, %ne3A_1096 : i1
      %sub3A_1098 = arith.constant 1 : i32
      %sub3A_1099 = arith.subi %div3A_1078, %sub3A_1098 : i32
      %select_n3A_1100 = arith.select %and3A_1097, %sub3A_1099, %div3A_1078 : i32
      %mul3A_1101 = arith.constant 8 : i32
      %mul3A_1102 = arith.muli %select_n3A_1100, %mul3A_1101 : i32
      %sub3A_1103 = arith.subi %squeeze3A_7, %add3A_1074 : i32
      %min3A_1104 = arith.constant 128 : i32
      %min3A_1105 = arith.minsi %sub3A_1103, %min3A_1104 : i32
      %add3A_1106 = arith.addi %add3A_1074, %min3A_1105 : i32
      %scan3A = arith.constant 0 : i32
      %scan3A_1107 = arith.constant 0 : i32
      %scan3A_1108 = arith.constant 16 : i32
      %scan3A_1109 = arith.addi %scan3A_1107, %scan3A_1108 : i32
      %scan3A_1110 = arith.constant 1 : i32
      %scan3A_1111 = scf.for %scan3A_1114 = %scan3A_1107 to %scan3A_1109 step %scan3A_1110 iter_args(%scan3A_1115 = %scan3A) -> (i32)  : i32 {
        %broadcast_in_dim3A_1116 = vector.broadcast %scan3A_1114 : i32 to vector<16xi32>
        %gather3A = tpu.vector_load_idx %arg7[%broadcast_in_dim3A_1116] : memref<24xi32, #tpu.memory_space<vmem>>[vector<16xi32>], vector<16xi32>,
        %slice3A_1117 = vector.extract_strided_slice %gather3A {offsets = [0], sizes = [1], strides = [1]} : vector<16xi32> to vector<1xi32>
        %squeeze3A_1118 = vector.extract %slice3A_1117[0] : i32 from vector<1xi32>
        %add3A_1119 = arith.constant 1 : i32
        %add3A_1120 = arith.addi %scan3A_1114, %add3A_1119 : i32
        %broadcast_in_dim3A_1121 = vector.broadcast %add3A_1120 : i32 to vector<16xi32>
        %gather3A_1122 = tpu.vector_load_idx %arg7[%broadcast_in_dim3A_1121] : memref<24xi32, #tpu.memory_space<vmem>>[vector<16xi32>], vector<16xi32>,
        %slice3A_1123 = vector.extract_strided_slice %gather3A_1122 {offsets = [0], sizes = [1], strides = [1]} : vector<16xi32> to vector<1xi32>
        %squeeze3A_1124 = vector.extract %slice3A_1123[0] : i32 from vector<1xi32>
        %lt3A = arith.cmpi slt, %squeeze3A_1118, %add3A_1106 : i32
        %gt3A = arith.cmpi sgt, %squeeze3A_1124, %add3A_1074 : i32
        %and3A_1125 = arith.andi %lt3A, %gt3A : i1
        %convert_element_type3A = arith.extui %and3A_1125 : i1 to i32
        %cond3A = arith.constant 0 : i32
        %cond3A_1126 = arith.cmpi ne, %convert_element_type3A, %cond3A : i32
        scf.if %cond3A_1126 {
          %max3A = arith.maxsi %squeeze3A_1118, %add3A_1074 : i32
          %sub3A_1128 = arith.subi %max3A, %mul3A_1102 : i32
          %min3A_1129 = arith.minsi %squeeze3A_1124, %add3A_1106 : i32
          %sub3A_1130 = arith.subi %min3A_1129, %mul3A_1102 : i32
          %while3A_1131 = arith.subi %sub3A_1130, %sub3A_1128 : i32
          %while3A_1132 = arith.addi %sub3A_1128, %while3A_1131 : i32
          %while3A_1133 = arith.constant 1 : i32
          %while3A_1134 = arith.divsi %while3A_1131, %while3A_1133 : i32
          %while3A_1135 = arith.muli %while3A_1134, %while3A_1133 : i32
          %while3A_1136 = arith.addi %sub3A_1128, %while3A_1135 : i32
          %while3A_1137 = arith.constant 1 : i32
          %while3A_1138:16 = scf.for %while3A_1189 = %sub3A_1128 to %while3A_1136 step %while3A_1137 iter_args(%while3A_1190 = %broadcast_in_dim3A_8, %while3A_1191 = %broadcast_in_dim3A_8, %while3A_1192 = %broadcast_in_dim3A_8, %while3A_1193 = %broadcast_in_dim3A_8, %while3A_1194 = %broadcast_in_dim3A_8, %while3A_1195 = %broadcast_in_dim3A_8, %while3A_1196 = %broadcast_in_dim3A_8, %while3A_1197 = %broadcast_in_dim3A_8, %while3A_1198 = %broadcast_in_dim3A_8, %while3A_1199 = %broadcast_in_dim3A_8, %while3A_1200 = %broadcast_in_dim3A_8, %while3A_1201 = %broadcast_in_dim3A_8, %while3A_1202 = %broadcast_in_dim3A_8, %while3A_1203 = %broadcast_in_dim3A_8, %while3A_1204 = %broadcast_in_dim3A_8, %while3A_1205 = %broadcast_in_dim3A_8) -> (vector<16xf32>, vector<16xf32>, vector<16xf32>, vector<16xf32>, vector<16xf32>, vector<16xf32>, vector<16xf32>, vector<16xf32>, vector<16xf32>, vector<16xf32>, vector<16xf32>, vector<16xf32>, vector<16xf32>, vector<16xf32>, vector<16xf32>, vector<16xf32>)  : i32 {
            %get3A_1206 = arith.index_cast %while3A_1189 : i32 to index
            %get3A_1207 = arith.constant 0 : index
            %get3A_1208 = tpu.vector_load %arg5[%get3A_1206, %get3A_1207] {strides = array<i32>} : memref<144x256xf32, #tpu.memory_space<vmem>>, vector<16xf32>,
            %add3A_1209 = arith.addf %while3A_1190, %get3A_1208 : vector<16xf32>
            %get3A_1210 = arith.index_cast %while3A_1189 : i32 to index
            %get3A_1211 = arith.constant 16 : index
            %get3A_1212 = tpu.vector_load %arg5[%get3A_1210, %get3A_1211] {strides = array<i32>} : memref<144x256xf32, #tpu.memory_space<vmem>>, vector<16xf32>,
            %add3A_1213 = arith.addf %while3A_1191, %get3A_1212 : vector<16xf32>
            %get3A_1214 = arith.index_cast %while3A_1189 : i32 to index
            %get3A_1215 = arith.constant 32 : index
            %get3A_1216 = tpu.vector_load %arg5[%get3A_1214, %get3A_1215] {strides = array<i32>} : memref<144x256xf32, #tpu.memory_space<vmem>>, vector<16xf32>,
            %add3A_1217 = arith.addf %while3A_1192, %get3A_1216 : vector<16xf32>
            %get3A_1218 = arith.index_cast %while3A_1189 : i32 to index
            %get3A_1219 = arith.constant 48 : index
            %get3A_1220 = tpu.vector_load %arg5[%get3A_1218, %get3A_1219] {strides = array<i32>} : memref<144x256xf32, #tpu.memory_space<vmem>>, vector<16xf32>,
            %add3A_1221 = arith.addf %while3A_1193, %get3A_1220 : vector<16xf32>
            %get3A_1222 = arith.index_cast %while3A_1189 : i32 to index
            %get3A_1223 = arith.constant 64 : index
            %get3A_1224 = tpu.vector_load %arg5[%get3A_1222, %get3A_1223] {strides = array<i32>} : memref<144x256xf32, #tpu.memory_space<vmem>>, vector<16xf32>,
            %add3A_1225 = arith.addf %while3A_1194, %get3A_1224 : vector<16xf32>
            %get3A_1226 = arith.index_cast %while3A_1189 : i32 to index
            %get3A_1227 = arith.constant 80 : index
            %get3A_1228 = tpu.vector_load %arg5[%get3A_1226, %get3A_1227] {strides = array<i32>} : memref<144x256xf32, #tpu.memory_space<vmem>>, vector<16xf32>,
            %add3A_1229 = arith.addf %while3A_1195, %get3A_1228 : vector<16xf32>
            %get3A_1230 = arith.index_cast %while3A_1189 : i32 to index
            %get3A_1231 = arith.constant 96 : index
            %get3A_1232 = tpu.vector_load %arg5[%get3A_1230, %get3A_1231] {strides = array<i32>} : memref<144x256xf32, #tpu.memory_space<vmem>>, vector<16xf32>,
            %add3A_1233 = arith.addf %while3A_1196, %get3A_1232 : vector<16xf32>
            %get3A_1234 = arith.index_cast %while3A_1189 : i32 to index
            %get3A_1235 = arith.constant 112 : index
            %get3A_1236 = tpu.vector_load %arg5[%get3A_1234, %get3A_1235] {strides = array<i32>} : memref<144x256xf32, #tpu.memory_space<vmem>>, vector<16xf32>,
            %add3A_1237 = arith.addf %while3A_1197, %get3A_1236 : vector<16xf32>
            %get3A_1238 = arith.index_cast %while3A_1189 : i32 to index
            %get3A_1239 = arith.constant 128 : index
            %get3A_1240 = tpu.vector_load %arg5[%get3A_1238, %get3A_1239] {strides = array<i32>} : memref<144x256xf32, #tpu.memory_space<vmem>>, vector<16xf32>,
            %add3A_1241 = arith.addf %while3A_1198, %get3A_1240 : vector<16xf32>
            %get3A_1242 = arith.index_cast %while3A_1189 : i32 to index
            %get3A_1243 = arith.constant 144 : index
            %get3A_1244 = tpu.vector_load %arg5[%get3A_1242, %get3A_1243] {strides = array<i32>} : memref<144x256xf32, #tpu.memory_space<vmem>>, vector<16xf32>,
            %add3A_1245 = arith.addf %while3A_1199, %get3A_1244 : vector<16xf32>
            %get3A_1246 = arith.index_cast %while3A_1189 : i32 to index
            %get3A_1247 = arith.constant 160 : index
            %get3A_1248 = tpu.vector_load %arg5[%get3A_1246, %get3A_1247] {strides = array<i32>} : memref<144x256xf32, #tpu.memory_space<vmem>>, vector<16xf32>,
            %add3A_1249 = arith.addf %while3A_1200, %get3A_1248 : vector<16xf32>
            %get3A_1250 = arith.index_cast %while3A_1189 : i32 to index
            %get3A_1251 = arith.constant 176 : index
            %get3A_1252 = tpu.vector_load %arg5[%get3A_1250, %get3A_1251] {strides = array<i32>} : memref<144x256xf32, #tpu.memory_space<vmem>>, vector<16xf32>,
            %add3A_1253 = arith.addf %while3A_1201, %get3A_1252 : vector<16xf32>
            %get3A_1254 = arith.index_cast %while3A_1189 : i32 to index
            %get3A_1255 = arith.constant 192 : index
            %get3A_1256 = tpu.vector_load %arg5[%get3A_1254, %get3A_1255] {strides = array<i32>} : memref<144x256xf32, #tpu.memory_space<vmem>>, vector<16xf32>,
            %add3A_1257 = arith.addf %while3A_1202, %get3A_1256 : vector<16xf32>
            %get3A_1258 = arith.index_cast %while3A_1189 : i32 to index
            %get3A_1259 = arith.constant 208 : index
            %get3A_1260 = tpu.vector_load %arg5[%get3A_1258, %get3A_1259] {strides = array<i32>} : memref<144x256xf32, #tpu.memory_space<vmem>>, vector<16xf32>,
            %add3A_1261 = arith.addf %while3A_1203, %get3A_1260 : vector<16xf32>
            %get3A_1262 = arith.index_cast %while3A_1189 : i32 to index
            %get3A_1263 = arith.constant 224 : index
            %get3A_1264 = tpu.vector_load %arg5[%get3A_1262, %get3A_1263] {strides = array<i32>} : memref<144x256xf32, #tpu.memory_space<vmem>>, vector<16xf32>,
            %add3A_1265 = arith.addf %while3A_1204, %get3A_1264 : vector<16xf32>
            %get3A_1266 = arith.index_cast %while3A_1189 : i32 to index
            %get3A_1267 = arith.constant 240 : index
            %get3A_1268 = tpu.vector_load %arg5[%get3A_1266, %get3A_1267] {strides = array<i32>} : memref<144x256xf32, #tpu.memory_space<vmem>>, vector<16xf32>,
            %add3A_1269 = arith.addf %while3A_1205, %get3A_1268 : vector<16xf32>
            scf.yield %add3A_1209, %add3A_1213, %add3A_1217, %add3A_1221, %add3A_1225, %add3A_1229, %add3A_1233, %add3A_1237, %add3A_1241, %add3A_1245, %add3A_1249, %add3A_1253, %add3A_1257, %add3A_1261, %add3A_1265, %add3A_1269 : vector<16xf32>, vector<16xf32>, vector<16xf32>, vector<16xf32>, vector<16xf32>, vector<16xf32>, vector<16xf32>, vector<16xf32>, vector<16xf32>, vector<16xf32>, vector<16xf32>, vector<16xf32>, vector<16xf32>, vector<16xf32>, vector<16xf32>, vector<16xf32>
          }
          %while3A_1139 = arith.constant 1 : i32
          %while3A_1140:16 = scf.for %while3A_1189 = %while3A_1136 to %while3A_1132 step %while3A_1139 iter_args(%while3A_1190 = %while3A_1138#0, %while3A_1191 = %while3A_1138#1, %while3A_1192 = %while3A_1138#2, %while3A_1193 = %while3A_1138#3, %while3A_1194 = %while3A_1138#4, %while3A_1195 = %while3A_1138#5, %while3A_1196 = %while3A_1138#6, %while3A_1197 = %while3A_1138#7, %while3A_1198 = %while3A_1138#8, %while3A_1199 = %while3A_1138#9, %while3A_1200 = %while3A_1138#10, %while3A_1201 = %while3A_1138#11, %while3A_1202 = %while3A_1138#12, %while3A_1203 = %while3A_1138#13, %while3A_1204 = %while3A_1138#14, %while3A_1205 = %while3A_1138#15) -> (vector<16xf32>, vector<16xf32>, vector<16xf32>, vector<16xf32>, vector<16xf32>, vector<16xf32>, vector<16xf32>, vector<16xf32>, vector<16xf32>, vector<16xf32>, vector<16xf32>, vector<16xf32>, vector<16xf32>, vector<16xf32>, vector<16xf32>, vector<16xf32>)  : i32 {
            %get3A_1206 = arith.index_cast %while3A_1189 : i32 to index
            %get3A_1207 = arith.constant 0 : index
            %get3A_1208 = tpu.vector_load %arg5[%get3A_1206, %get3A_1207] {strides = array<i32>} : memref<144x256xf32, #tpu.memory_space<vmem>>, vector<16xf32>,
            %add3A_1209 = arith.addf %while3A_1190, %get3A_1208 : vector<16xf32>
            %get3A_1210 = arith.index_cast %while3A_1189 : i32 to index
            %get3A_1211 = arith.constant 16 : index
            %get3A_1212 = tpu.vector_load %arg5[%get3A_1210, %get3A_1211] {strides = array<i32>} : memref<144x256xf32, #tpu.memory_space<vmem>>, vector<16xf32>,
            %add3A_1213 = arith.addf %while3A_1191, %get3A_1212 : vector<16xf32>
            %get3A_1214 = arith.index_cast %while3A_1189 : i32 to index
            %get3A_1215 = arith.constant 32 : index
            %get3A_1216 = tpu.vector_load %arg5[%get3A_1214, %get3A_1215] {strides = array<i32>} : memref<144x256xf32, #tpu.memory_space<vmem>>, vector<16xf32>,
            %add3A_1217 = arith.addf %while3A_1192, %get3A_1216 : vector<16xf32>
            %get3A_1218 = arith.index_cast %while3A_1189 : i32 to index
            %get3A_1219 = arith.constant 48 : index
            %get3A_1220 = tpu.vector_load %arg5[%get3A_1218, %get3A_1219] {strides = array<i32>} : memref<144x256xf32, #tpu.memory_space<vmem>>, vector<16xf32>,
            %add3A_1221 = arith.addf %while3A_1193, %get3A_1220 : vector<16xf32>
            %get3A_1222 = arith.index_cast %while3A_1189 : i32 to index
            %get3A_1223 = arith.constant 64 : index
            %get3A_1224 = tpu.vector_load %arg5[%get3A_1222, %get3A_1223] {strides = array<i32>} : memref<144x256xf32, #tpu.memory_space<vmem>>, vector<16xf32>,
            %add3A_1225 = arith.addf %while3A_1194, %get3A_1224 : vector<16xf32>
            %get3A_1226 = arith.index_cast %while3A_1189 : i32 to index
            %get3A_1227 = arith.constant 80 : index
            %get3A_1228 = tpu.vector_load %arg5[%get3A_1226, %get3A_1227] {strides = array<i32>} : memref<144x256xf32, #tpu.memory_space<vmem>>, vector<16xf32>,
            %add3A_1229 = arith.addf %while3A_1195, %get3A_1228 : vector<16xf32>
            %get3A_1230 = arith.index_cast %while3A_1189 : i32 to index
            %get3A_1231 = arith.constant 96 : index
            %get3A_1232 = tpu.vector_load %arg5[%get3A_1230, %get3A_1231] {strides = array<i32>} : memref<144x256xf32, #tpu.memory_space<vmem>>, vector<16xf32>,
            %add3A_1233 = arith.addf %while3A_1196, %get3A_1232 : vector<16xf32>
            %get3A_1234 = arith.index_cast %while3A_1189 : i32 to index
            %get3A_1235 = arith.constant 112 : index
            %get3A_1236 = tpu.vector_load %arg5[%get3A_1234, %get3A_1235] {strides = array<i32>} : memref<144x256xf32, #tpu.memory_space<vmem>>, vector<16xf32>,
            %add3A_1237 = arith.addf %while3A_1197, %get3A_1236 : vector<16xf32>
            %get3A_1238 = arith.index_cast %while3A_1189 : i32 to index
            %get3A_1239 = arith.constant 128 : index
            %get3A_1240 = tpu.vector_load %arg5[%get3A_1238, %get3A_1239] {strides = array<i32>} : memref<144x256xf32, #tpu.memory_space<vmem>>, vector<16xf32>,
            %add3A_1241 = arith.addf %while3A_1198, %get3A_1240 : vector<16xf32>
            %get3A_1242 = arith.index_cast %while3A_1189 : i32 to index
            %get3A_1243 = arith.constant 144 : index
            %get3A_1244 = tpu.vector_load %arg5[%get3A_1242, %get3A_1243] {strides = array<i32>} : memref<144x256xf32, #tpu.memory_space<vmem>>, vector<16xf32>,
            %add3A_1245 = arith.addf %while3A_1199, %get3A_1244 : vector<16xf32>
            %get3A_1246 = arith.index_cast %while3A_1189 : i32 to index
            %get3A_1247 = arith.constant 160 : index
            %get3A_1248 = tpu.vector_load %arg5[%get3A_1246, %get3A_1247] {strides = array<i32>} : memref<144x256xf32, #tpu.memory_space<vmem>>, vector<16xf32>,
            %add3A_1249 = arith.addf %while3A_1200, %get3A_1248 : vector<16xf32>
            %get3A_1250 = arith.index_cast %while3A_1189 : i32 to index
            %get3A_1251 = arith.constant 176 : index
            %get3A_1252 = tpu.vector_load %arg5[%get3A_1250, %get3A_1251] {strides = array<i32>} : memref<144x256xf32, #tpu.memory_space<vmem>>, vector<16xf32>,
            %add3A_1253 = arith.addf %while3A_1201, %get3A_1252 : vector<16xf32>
            %get3A_1254 = arith.index_cast %while3A_1189 : i32 to index
            %get3A_1255 = arith.constant 192 : index
            %get3A_1256 = tpu.vector_load %arg5[%get3A_1254, %get3A_1255] {strides = array<i32>} : memref<144x256xf32, #tpu.memory_space<vmem>>, vector<16xf32>,
            %add3A_1257 = arith.addf %while3A_1202, %get3A_1256 : vector<16xf32>
            %get3A_1258 = arith.index_cast %while3A_1189 : i32 to index
            %get3A_1259 = arith.constant 208 : index
            %get3A_1260 = tpu.vector_load %arg5[%get3A_1258, %get3A_1259] {strides = array<i32>} : memref<144x256xf32, #tpu.memory_space<vmem>>, vector<16xf32>,
            %add3A_1261 = arith.addf %while3A_1203, %get3A_1260 : vector<16xf32>
            %get3A_1262 = arith.index_cast %while3A_1189 : i32 to index
            %get3A_1263 = arith.constant 224 : index
            %get3A_1264 = tpu.vector_load %arg5[%get3A_1262, %get3A_1263] {strides = array<i32>} : memref<144x256xf32, #tpu.memory_space<vmem>>, vector<16xf32>,
            %add3A_1265 = arith.addf %while3A_1204, %get3A_1264 : vector<16xf32>
            %get3A_1266 = arith.index_cast %while3A_1189 : i32 to index
            %get3A_1267 = arith.constant 240 : index
            %get3A_1268 = tpu.vector_load %arg5[%get3A_1266, %get3A_1267] {strides = array<i32>} : memref<144x256xf32, #tpu.memory_space<vmem>>, vector<16xf32>,
            %add3A_1269 = arith.addf %while3A_1205, %get3A_1268 : vector<16xf32>
            scf.yield %add3A_1209, %add3A_1213, %add3A_1217, %add3A_1221, %add3A_1225, %add3A_1229, %add3A_1233, %add3A_1237, %add3A_1241, %add3A_1245, %add3A_1249, %add3A_1253, %add3A_1257, %add3A_1261, %add3A_1265, %add3A_1269 : vector<16xf32>, vector<16xf32>, vector<16xf32>, vector<16xf32>, vector<16xf32>, vector<16xf32>, vector<16xf32>, vector<16xf32>, vector<16xf32>, vector<16xf32>, vector<16xf32>, vector<16xf32>, vector<16xf32>, vector<16xf32>, vector<16xf32>, vector<16xf32>
          }
          %swap3A_1141 = arith.index_cast %scan3A_1114 : i32 to index
          %swap3A_1142 = arith.constant 0 : index
          %swap3A_1143 = tpu.vector_load %arg6[%swap3A_1141, %swap3A_1142] {strides = array<i32>} : memref<16x256xf32, #tpu.memory_space<vmem>>, vector<16xf32>,
          tpu.vector_store %arg6[%swap3A_1141, %swap3A_1142], %while3A_1140#0 {add = true, strides = array<i32>} : memref<16x256xf32, #tpu.memory_space<vmem>>, vector<16xf32>,
          %swap3A_1144 = arith.index_cast %scan3A_1114 : i32 to index
          %swap3A_1145 = arith.constant 16 : index
          %swap3A_1146 = tpu.vector_load %arg6[%swap3A_1144, %swap3A_1145] {strides = array<i32>} : memref<16x256xf32, #tpu.memory_space<vmem>>, vector<16xf32>,
          tpu.vector_store %arg6[%swap3A_1144, %swap3A_1145], %while3A_1140#1 {add = true, strides = array<i32>} : memref<16x256xf32, #tpu.memory_space<vmem>>, vector<16xf32>,
          %swap3A_1147 = arith.index_cast %scan3A_1114 : i32 to index
          %swap3A_1148 = arith.constant 32 : index
          %swap3A_1149 = tpu.vector_load %arg6[%swap3A_1147, %swap3A_1148] {strides = array<i32>} : memref<16x256xf32, #tpu.memory_space<vmem>>, vector<16xf32>,
          tpu.vector_store %arg6[%swap3A_1147, %swap3A_1148], %while3A_1140#2 {add = true, strides = array<i32>} : memref<16x256xf32, #tpu.memory_space<vmem>>, vector<16xf32>,
          %swap3A_1150 = arith.index_cast %scan3A_1114 : i32 to index
          %swap3A_1151 = arith.constant 48 : index
          %swap3A_1152 = tpu.vector_load %arg6[%swap3A_1150, %swap3A_1151] {strides = array<i32>} : memref<16x256xf32, #tpu.memory_space<vmem>>, vector<16xf32>,
          tpu.vector_store %arg6[%swap3A_1150, %swap3A_1151], %while3A_1140#3 {add = true, strides = array<i32>} : memref<16x256xf32, #tpu.memory_space<vmem>>, vector<16xf32>,
          %swap3A_1153 = arith.index_cast %scan3A_1114 : i32 to index
          %swap3A_1154 = arith.constant 64 : index
          %swap3A_1155 = tpu.vector_load %arg6[%swap3A_1153, %swap3A_1154] {strides = array<i32>} : memref<16x256xf32, #tpu.memory_space<vmem>>, vector<16xf32>,
          tpu.vector_store %arg6[%swap3A_1153, %swap3A_1154], %while3A_1140#4 {add = true, strides = array<i32>} : memref<16x256xf32, #tpu.memory_space<vmem>>, vector<16xf32>,
          %swap3A_1156 = arith.index_cast %scan3A_1114 : i32 to index
          %swap3A_1157 = arith.constant 80 : index
          %swap3A_1158 = tpu.vector_load %arg6[%swap3A_1156, %swap3A_1157] {strides = array<i32>} : memref<16x256xf32, #tpu.memory_space<vmem>>, vector<16xf32>,
          tpu.vector_store %arg6[%swap3A_1156, %swap3A_1157], %while3A_1140#5 {add = true, strides = array<i32>} : memref<16x256xf32, #tpu.memory_space<vmem>>, vector<16xf32>,
          %swap3A_1159 = arith.index_cast %scan3A_1114 : i32 to index
          %swap3A_1160 = arith.constant 96 : index
          %swap3A_1161 = tpu.vector_load %arg6[%swap3A_1159, %swap3A_1160] {strides = array<i32>} : memref<16x256xf32, #tpu.memory_space<vmem>>, vector<16xf32>,
          tpu.vector_store %arg6[%swap3A_1159, %swap3A_1160], %while3A_1140#6 {add = true, strides = array<i32>} : memref<16x256xf32, #tpu.memory_space<vmem>>, vector<16xf32>,
          %swap3A_1162 = arith.index_cast %scan3A_1114 : i32 to index
          %swap3A_1163 = arith.constant 112 : index
          %swap3A_1164 = tpu.vector_load %arg6[%swap3A_1162, %swap3A_1163] {strides = array<i32>} : memref<16x256xf32, #tpu.memory_space<vmem>>, vector<16xf32>,
          tpu.vector_store %arg6[%swap3A_1162, %swap3A_1163], %while3A_1140#7 {add = true, strides = array<i32>} : memref<16x256xf32, #tpu.memory_space<vmem>>, vector<16xf32>,
          %swap3A_1165 = arith.index_cast %scan3A_1114 : i32 to index
          %swap3A_1166 = arith.constant 128 : index
          %swap3A_1167 = tpu.vector_load %arg6[%swap3A_1165, %swap3A_1166] {strides = array<i32>} : memref<16x256xf32, #tpu.memory_space<vmem>>, vector<16xf32>,
          tpu.vector_store %arg6[%swap3A_1165, %swap3A_1166], %while3A_1140#8 {add = true, strides = array<i32>} : memref<16x256xf32, #tpu.memory_space<vmem>>, vector<16xf32>,
          %swap3A_1168 = arith.index_cast %scan3A_1114 : i32 to index
          %swap3A_1169 = arith.constant 144 : index
          %swap3A_1170 = tpu.vector_load %arg6[%swap3A_1168, %swap3A_1169] {strides = array<i32>} : memref<16x256xf32, #tpu.memory_space<vmem>>, vector<16xf32>,
          tpu.vector_store %arg6[%swap3A_1168, %swap3A_1169], %while3A_1140#9 {add = true, strides = array<i32>} : memref<16x256xf32, #tpu.memory_space<vmem>>, vector<16xf32>,
          %swap3A_1171 = arith.index_cast %scan3A_1114 : i32 to index
          %swap3A_1172 = arith.constant 160 : index
          %swap3A_1173 = tpu.vector_load %arg6[%swap3A_1171, %swap3A_1172] {strides = array<i32>} : memref<16x256xf32, #tpu.memory_space<vmem>>, vector<16xf32>,
          tpu.vector_store %arg6[%swap3A_1171, %swap3A_1172], %while3A_1140#10 {add = true, strides = array<i32>} : memref<16x256xf32, #tpu.memory_space<vmem>>, vector<16xf32>,
          %swap3A_1174 = arith.index_cast %scan3A_1114 : i32 to index
          %swap3A_1175 = arith.constant 176 : index
          %swap3A_1176 = tpu.vector_load %arg6[%swap3A_1174, %swap3A_1175] {strides = array<i32>} : memref<16x256xf32, #tpu.memory_space<vmem>>, vector<16xf32>,
          tpu.vector_store %arg6[%swap3A_1174, %swap3A_1175], %while3A_1140#11 {add = true, strides = array<i32>} : memref<16x256xf32, #tpu.memory_space<vmem>>, vector<16xf32>,
          %swap3A_1177 = arith.index_cast %scan3A_1114 : i32 to index
          %swap3A_1178 = arith.constant 192 : index
          %swap3A_1179 = tpu.vector_load %arg6[%swap3A_1177, %swap3A_1178] {strides = array<i32>} : memref<16x256xf32, #tpu.memory_space<vmem>>, vector<16xf32>,
          tpu.vector_store %arg6[%swap3A_1177, %swap3A_1178], %while3A_1140#12 {add = true, strides = array<i32>} : memref<16x256xf32, #tpu.memory_space<vmem>>, vector<16xf32>,
          %swap3A_1180 = arith.index_cast %scan3A_1114 : i32 to index
          %swap3A_1181 = arith.constant 208 : index
          %swap3A_1182 = tpu.vector_load %arg6[%swap3A_1180, %swap3A_1181] {strides = array<i32>} : memref<16x256xf32, #tpu.memory_space<vmem>>, vector<16xf32>,
          tpu.vector_store %arg6[%swap3A_1180, %swap3A_1181], %while3A_1140#13 {add = true, strides = array<i32>} : memref<16x256xf32, #tpu.memory_space<vmem>>, vector<16xf32>,
          %swap3A_1183 = arith.index_cast %scan3A_1114 : i32 to index
          %swap3A_1184 = arith.constant 224 : index
          %swap3A_1185 = tpu.vector_load %arg6[%swap3A_1183, %swap3A_1184] {strides = array<i32>} : memref<16x256xf32, #tpu.memory_space<vmem>>, vector<16xf32>,
          tpu.vector_store %arg6[%swap3A_1183, %swap3A_1184], %while3A_1140#14 {add = true, strides = array<i32>} : memref<16x256xf32, #tpu.memory_space<vmem>>, vector<16xf32>,
          %swap3A_1186 = arith.index_cast %scan3A_1114 : i32 to index
          %swap3A_1187 = arith.constant 240 : index
          %swap3A_1188 = tpu.vector_load %arg6[%swap3A_1186, %swap3A_1187] {strides = array<i32>} : memref<16x256xf32, #tpu.memory_space<vmem>>, vector<16xf32>,
          tpu.vector_store %arg6[%swap3A_1186, %swap3A_1187], %while3A_1140#15 {add = true, strides = array<i32>} : memref<16x256xf32, #tpu.memory_space<vmem>>, vector<16xf32>,
        } else {
        }
        %scan3A_1127 = arith.constant 0 : i32
        scf.yield %scan3A_1127 : i32
      }
      %scan3A_1112 = arith.constant 16 : i32
      %while3A_1113 = arith.constant 0 : i32
      scf.yield %while3A_1113 : i32
    }
    %while3A_1044 = arith.constant 1 : i32
    %while3A_1045 = scf.for %while3A_1046 = %while3A_1041 to %while3A_1037 step %while3A_1044 iter_args(%while3A_1047 = %while3A_1043) -> (i32)  : i32 {
      %mul3A_1048 = arith.constant 128 : i32
      %mul3A_1049 = arith.muli %while3A_1046, %mul3A_1048 : i32
      %add3A_1050 = arith.addi %squeeze3A, %mul3A_1049 : i32
      %min3A = arith.constant 9856 : i32
      %min3A_1051 = arith.minsi %add3A_1050, %min3A : i32
      %jit3A = arith.constant 8 : i32
      %div3A_1052 = arith.divsi %min3A_1051, %jit3A : i32
      %sign3A = arith.constant 0 : i32
      %sign3A_1053 = arith.cmpi sgt, %min3A_1051, %sign3A : i32
      %sign3A_1054 = arith.extui %sign3A_1053 : i1 to i32
      %sign3A_1055 = arith.constant 0 : i32
      %sign3A_1056 = arith.cmpi slt, %min3A_1051, %sign3A_1055 : i32
      %sign3A_1057 = arith.extui %sign3A_1056 : i1 to i32
      %sign3A_1058 = arith.subi %sign3A_1054, %sign3A_1057 : i32
      %sign3A_1059 = arith.constant 0 : i32
      %sign3A_1060 = arith.cmpi sgt, %jit3A, %sign3A_1059 : i32
      %sign3A_1061 = arith.extui %sign3A_1060 : i1 to i32
      %sign3A_1062 = arith.constant 0 : i32
      %sign3A_1063 = arith.cmpi slt, %jit3A, %sign3A_1062 : i32
      %sign3A_1064 = arith.extui %sign3A_1063 : i1 to i32
      %sign3A_1065 = arith.subi %sign3A_1061, %sign3A_1064 : i32
      %ne3A = arith.cmpi ne, %sign3A_1058, %sign3A_1065 : i32
      %rem3A = arith.remsi %min3A_1051, %jit3A : i32
      %ne3A_1066 = arith.constant 0 : i32
      %ne3A_1067 = arith.cmpi ne, %rem3A, %ne3A_1066 : i32
      %and3A = arith.andi %ne3A, %ne3A_1067 : i1
      %sub3A_1068 = arith.constant 1 : i32
      %sub3A_1069 = arith.subi %div3A_1052, %sub3A_1068 : i32
      %select_n3A = arith.select %and3A, %sub3A_1069, %div3A_1052 : i32
      %mul3A_1070 = arith.constant 8 : i32
      %mul3A_1071 = arith.muli %select_n3A, %mul3A_1070 : i32
      "tpu.region"() ({
        %run_scoped3A = tpu.sem_alloc : memref<!tpu.dma_semaphore, #tpu.memory_space<semaphore_mem>>
        %dma_start3A = arith.constant 0 : i32
        %dma_start3A_1114 = tpu.memref_slice %arg2[%mul3A_1071, %dma_start3A] : memref<10000x256xf32, #tpu.memory_space<hbm>> -> memref<144x256xf32, #tpu.memory_space<hbm>>
        %dma_start3A_1115 = arith.constant 0 : i32
        %dma_start3A_1116 = tpu.memref_slice %arg2[%mul3A_1071, %dma_start3A_1115] : memref<10000x256xf32, #tpu.memory_space<hbm>> -> memref<144x256xf32, #tpu.memory_space<hbm>>
        tpu.enqueue_dma source(%dma_start3A_1116 : memref<144x256xf32, #tpu.memory_space<hbm>>) target(%arg5 : memref<144x256xf32, #tpu.memory_space<vmem>>) target_semaphore(%run_scoped3A : memref<!tpu.dma_semaphore, #tpu.memory_space<semaphore_mem>>)
        %dma_wait3A = arith.constant 0 : i32
        %dma_wait3A_1117 = tpu.memref_slice %arg2[%mul3A_1071, %dma_wait3A] : memref<10000x256xf32, #tpu.memory_space<hbm>> -> memref<144x256xf32, #tpu.memory_space<hbm>>
        %dma_wait3A_1118 = arith.constant 0 : i32
        %dma_wait3A_1119 = tpu.memref_slice %arg2[%mul3A_1071, %dma_wait3A_1118] : memref<10000x256xf32, #tpu.memory_space<hbm>> -> memref<144x256xf32, #tpu.memory_space<hbm>>
        tpu.wait_dma2 semaphore(%run_scoped3A : memref<!tpu.dma_semaphore, #tpu.memory_space<semaphore_mem>>) src(%dma_wait3A_1119 : memref<144x256xf32, #tpu.memory_space<hbm>>) dst(%arg5 : memref<144x256xf32, #tpu.memory_space<vmem>>)
        tpu.yield
      }) : () -> ()
      %mul3A_1072 = arith.constant 128 : i32
      %mul3A_1073 = arith.muli %while3A_1046, %mul3A_1072 : i32
      %add3A_1074 = arith.addi %squeeze3A, %mul3A_1073 : i32
      %min3A_1075 = arith.constant 9856 : i32
      %min3A_1076 = arith.minsi %add3A_1074, %min3A_1075 : i32
      %jit3A_1077 = arith.constant 8 : i32
      %div3A_1078 = arith.divsi %min3A_1076, %jit3A_1077 : i32
      %sign3A_1079 = arith.constant 0 : i32
      %sign3A_1080 = arith.cmpi sgt, %min3A_1076, %sign3A_1079 : i32
      %sign3A_1081 = arith.extui %sign3A_1080 : i1 to i32
      %sign3A_1082 = arith.constant 0 : i32
      %sign3A_1083 = arith.cmpi slt, %min3A_1076, %sign3A_1082 : i32
      %sign3A_1084 = arith.extui %sign3A_1083 : i1 to i32
      %sign3A_1085 = arith.subi %sign3A_1081, %sign3A_1084 : i32
      %sign3A_1086 = arith.constant 0 : i32
      %sign3A_1087 = arith.cmpi sgt, %jit3A_1077, %sign3A_1086 : i32
      %sign3A_1088 = arith.extui %sign3A_1087 : i1 to i32
      %sign3A_1089 = arith.constant 0 : i32
      %sign3A_1090 = arith.cmpi slt, %jit3A_1077, %sign3A_1089 : i32
      %sign3A_1091 = arith.extui %sign3A_1090 : i1 to i32
      %sign3A_1092 = arith.subi %sign3A_1088, %sign3A_1091 : i32
      %ne3A_1093 = arith.cmpi ne, %sign3A_1085, %sign3A_1092 : i32
      %rem3A_1094 = arith.remsi %min3A_1076, %jit3A_1077 : i32
      %ne3A_1095 = arith.constant 0 : i32
      %ne3A_1096 = arith.cmpi ne, %rem3A_1094, %ne3A_1095 : i32
      %and3A_1097 = arith.andi %ne3A_1093, %ne3A_1096 : i1
      %sub3A_1098 = arith.constant 1 : i32
      %sub3A_1099 = arith.subi %div3A_1078, %sub3A_1098 : i32
      %select_n3A_1100 = arith.select %and3A_1097, %sub3A_1099, %div3A_1078 : i32
      %mul3A_1101 = arith.constant 8 : i32
      %mul3A_1102 = arith.muli %select_n3A_1100, %mul3A_1101 : i32
      %sub3A_1103 = arith.subi %squeeze3A_7, %add3A_1074 : i32
      %min3A_1104 = arith.constant 128 : i32
      %min3A_1105 = arith.minsi %sub3A_1103, %min3A_1104 : i32
      %add3A_1106 = arith.addi %add3A_1074, %min3A_1105 : i32
      %scan3A = arith.constant 0 : i32
      %scan3A_1107 = arith.constant 0 : i32
      %scan3A_1108 = arith.constant 16 : i32
      %scan3A_1109 = arith.addi %scan3A_1107, %scan3A_1108 : i32
      %scan3A_1110 = arith.constant 1 : i32
      %scan3A_1111 = scf.for %scan3A_1114 = %scan3A_1107 to %scan3A_1109 step %scan3A_1110 iter_args(%scan3A_1115 = %scan3A) -> (i32)  : i32 {
        %broadcast_in_dim3A_1116 = vector.broadcast %scan3A_1114 : i32 to vector<16xi32>
        %gather3A = tpu.vector_load_idx %arg7[%broadcast_in_dim3A_1116] : memref<24xi32, #tpu.memory_space<vmem>>[vector<16xi32>], vector<16xi32>,
        %slice3A_1117 = vector.extract_strided_slice %gather3A {offsets = [0], sizes = [1], strides = [1]} : vector<16xi32> to vector<1xi32>
        %squeeze3A_1118 = vector.extract %slice3A_1117[0] : i32 from vector<1xi32>
        %add3A_1119 = arith.constant 1 : i32
        %add3A_1120 = arith.addi %scan3A_1114, %add3A_1119 : i32
        %broadcast_in_dim3A_1121 = vector.broadcast %add3A_1120 : i32 to vector<16xi32>
        %gather3A_1122 = tpu.vector_load_idx %arg7[%broadcast_in_dim3A_1121] : memref<24xi32, #tpu.memory_space<vmem>>[vector<16xi32>], vector<16xi32>,
        %slice3A_1123 = vector.extract_strided_slice %gather3A_1122 {offsets = [0], sizes = [1], strides = [1]} : vector<16xi32> to vector<1xi32>
        %squeeze3A_1124 = vector.extract %slice3A_1123[0] : i32 from vector<1xi32>
        %lt3A = arith.cmpi slt, %squeeze3A_1118, %add3A_1106 : i32
        %gt3A = arith.cmpi sgt, %squeeze3A_1124, %add3A_1074 : i32
        %and3A_1125 = arith.andi %lt3A, %gt3A : i1
        %convert_element_type3A = arith.extui %and3A_1125 : i1 to i32
        %cond3A = arith.constant 0 : i32
        %cond3A_1126 = arith.cmpi ne, %convert_element_type3A, %cond3A : i32
        scf.if %cond3A_1126 {
          %max3A = arith.maxsi %squeeze3A_1118, %add3A_1074 : i32
          %sub3A_1128 = arith.subi %max3A, %mul3A_1102 : i32
          %min3A_1129 = arith.minsi %squeeze3A_1124, %add3A_1106 : i32
          %sub3A_1130 = arith.subi %min3A_1129, %mul3A_1102 : i32
          %while3A_1131 = arith.subi %sub3A_1130, %sub3A_1128 : i32
          %while3A_1132 = arith.addi %sub3A_1128, %while3A_1131 : i32
          %while3A_1133 = arith.constant 1 : i32
          %while3A_1134 = arith.divsi %while3A_1131, %while3A_1133 : i32
          %while3A_1135 = arith.muli %while3A_1134, %while3A_1133 : i32
          %while3A_1136 = arith.addi %sub3A_1128, %while3A_1135 : i32
          %while3A_1137 = arith.constant 1 : i32
          %while3A_1138:16 = scf.for %while3A_1189 = %sub3A_1128 to %while3A_1136 step %while3A_1137 iter_args(%while3A_1190 = %broadcast_in_dim3A_8, %while3A_1191 = %broadcast_in_dim3A_8, %while3A_1192 = %broadcast_in_dim3A_8, %while3A_1193 = %broadcast_in_dim3A_8, %while3A_1194 = %broadcast_in_dim3A_8, %while3A_1195 = %broadcast_in_dim3A_8, %while3A_1196 = %broadcast_in_dim3A_8, %while3A_1197 = %broadcast_in_dim3A_8, %while3A_1198 = %broadcast_in_dim3A_8, %while3A_1199 = %broadcast_in_dim3A_8, %while3A_1200 = %broadcast_in_dim3A_8, %while3A_1201 = %broadcast_in_dim3A_8, %while3A_1202 = %broadcast_in_dim3A_8, %while3A_1203 = %broadcast_in_dim3A_8, %while3A_1204 = %broadcast_in_dim3A_8, %while3A_1205 = %broadcast_in_dim3A_8) -> (vector<16xf32>, vector<16xf32>, vector<16xf32>, vector<16xf32>, vector<16xf32>, vector<16xf32>, vector<16xf32>, vector<16xf32>, vector<16xf32>, vector<16xf32>, vector<16xf32>, vector<16xf32>, vector<16xf32>, vector<16xf32>, vector<16xf32>, vector<16xf32>)  : i32 {
            %get3A_1206 = arith.index_cast %while3A_1189 : i32 to index
            %get3A_1207 = arith.constant 0 : index
            %get3A_1208 = tpu.vector_load %arg5[%get3A_1206, %get3A_1207] {strides = array<i32>} : memref<144x256xf32, #tpu.memory_space<vmem>>, vector<16xf32>,
            %add3A_1209 = arith.addf %while3A_1190, %get3A_1208 : vector<16xf32>
            %get3A_1210 = arith.index_cast %while3A_1189 : i32 to index
            %get3A_1211 = arith.constant 16 : index
            %get3A_1212 = tpu.vector_load %arg5[%get3A_1210, %get3A_1211] {strides = array<i32>} : memref<144x256xf32, #tpu.memory_space<vmem>>, vector<16xf32>,
            %add3A_1213 = arith.addf %while3A_1191, %get3A_1212 : vector<16xf32>
            %get3A_1214 = arith.index_cast %while3A_1189 : i32 to index
            %get3A_1215 = arith.constant 32 : index
            %get3A_1216 = tpu.vector_load %arg5[%get3A_1214, %get3A_1215] {strides = array<i32>} : memref<144x256xf32, #tpu.memory_space<vmem>>, vector<16xf32>,
            %add3A_1217 = arith.addf %while3A_1192, %get3A_1216 : vector<16xf32>
            %get3A_1218 = arith.index_cast %while3A_1189 : i32 to index
            %get3A_1219 = arith.constant 48 : index
            %get3A_1220 = tpu.vector_load %arg5[%get3A_1218, %get3A_1219] {strides = array<i32>} : memref<144x256xf32, #tpu.memory_space<vmem>>, vector<16xf32>,
            %add3A_1221 = arith.addf %while3A_1193, %get3A_1220 : vector<16xf32>
            %get3A_1222 = arith.index_cast %while3A_1189 : i32 to index
            %get3A_1223 = arith.constant 64 : index
            %get3A_1224 = tpu.vector_load %arg5[%get3A_1222, %get3A_1223] {strides = array<i32>} : memref<144x256xf32, #tpu.memory_space<vmem>>, vector<16xf32>,
            %add3A_1225 = arith.addf %while3A_1194, %get3A_1224 : vector<16xf32>
            %get3A_1226 = arith.index_cast %while3A_1189 : i32 to index
            %get3A_1227 = arith.constant 80 : index
            %get3A_1228 = tpu.vector_load %arg5[%get3A_1226, %get3A_1227] {strides = array<i32>} : memref<144x256xf32, #tpu.memory_space<vmem>>, vector<16xf32>,
            %add3A_1229 = arith.addf %while3A_1195, %get3A_1228 : vector<16xf32>
            %get3A_1230 = arith.index_cast %while3A_1189 : i32 to index
            %get3A_1231 = arith.constant 96 : index
            %get3A_1232 = tpu.vector_load %arg5[%get3A_1230, %get3A_1231] {strides = array<i32>} : memref<144x256xf32, #tpu.memory_space<vmem>>, vector<16xf32>,
            %add3A_1233 = arith.addf %while3A_1196, %get3A_1232 : vector<16xf32>
            %get3A_1234 = arith.index_cast %while3A_1189 : i32 to index
            %get3A_1235 = arith.constant 112 : index
            %get3A_1236 = tpu.vector_load %arg5[%get3A_1234, %get3A_1235] {strides = array<i32>} : memref<144x256xf32, #tpu.memory_space<vmem>>, vector<16xf32>,
            %add3A_1237 = arith.addf %while3A_1197, %get3A_1236 : vector<16xf32>
            %get3A_1238 = arith.index_cast %while3A_1189 : i32 to index
            %get3A_1239 = arith.constant 128 : index
            %get3A_1240 = tpu.vector_load %arg5[%get3A_1238, %get3A_1239] {strides = array<i32>} : memref<144x256xf32, #tpu.memory_space<vmem>>, vector<16xf32>,
            %add3A_1241 = arith.addf %while3A_1198, %get3A_1240 : vector<16xf32>
            %get3A_1242 = arith.index_cast %while3A_1189 : i32 to index
            %get3A_1243 = arith.constant 144 : index
            %get3A_1244 = tpu.vector_load %arg5[%get3A_1242, %get3A_1243] {strides = array<i32>} : memref<144x256xf32, #tpu.memory_space<vmem>>, vector<16xf32>,
            %add3A_1245 = arith.addf %while3A_1199, %get3A_1244 : vector<16xf32>
            %get3A_1246 = arith.index_cast %while3A_1189 : i32 to index
            %get3A_1247 = arith.constant 160 : index
            %get3A_1248 = tpu.vector_load %arg5[%get3A_1246, %get3A_1247] {strides = array<i32>} : memref<144x256xf32, #tpu.memory_space<vmem>>, vector<16xf32>,
            %add3A_1249 = arith.addf %while3A_1200, %get3A_1248 : vector<16xf32>
            %get3A_1250 = arith.index_cast %while3A_1189 : i32 to index
            %get3A_1251 = arith.constant 176 : index
            %get3A_1252 = tpu.vector_load %arg5[%get3A_1250, %get3A_1251] {strides = array<i32>} : memref<144x256xf32, #tpu.memory_space<vmem>>, vector<16xf32>,
            %add3A_1253 = arith.addf %while3A_1201, %get3A_1252 : vector<16xf32>
            %get3A_1254 = arith.index_cast %while3A_1189 : i32 to index
            %get3A_1255 = arith.constant 192 : index
            %get3A_1256 = tpu.vector_load %arg5[%get3A_1254, %get3A_1255] {strides = array<i32>} : memref<144x256xf32, #tpu.memory_space<vmem>>, vector<16xf32>,
            %add3A_1257 = arith.addf %while3A_1202, %get3A_1256 : vector<16xf32>
            %get3A_1258 = arith.index_cast %while3A_1189 : i32 to index
            %get3A_1259 = arith.constant 208 : index
            %get3A_1260 = tpu.vector_load %arg5[%get3A_1258, %get3A_1259] {strides = array<i32>} : memref<144x256xf32, #tpu.memory_space<vmem>>, vector<16xf32>,
            %add3A_1261 = arith.addf %while3A_1203, %get3A_1260 : vector<16xf32>
            %get3A_1262 = arith.index_cast %while3A_1189 : i32 to index
            %get3A_1263 = arith.constant 224 : index
            %get3A_1264 = tpu.vector_load %arg5[%get3A_1262, %get3A_1263] {strides = array<i32>} : memref<144x256xf32, #tpu.memory_space<vmem>>, vector<16xf32>,
            %add3A_1265 = arith.addf %while3A_1204, %get3A_1264 : vector<16xf32>
            %get3A_1266 = arith.index_cast %while3A_1189 : i32 to index
            %get3A_1267 = arith.constant 240 : index
            %get3A_1268 = tpu.vector_load %arg5[%get3A_1266, %get3A_1267] {strides = array<i32>} : memref<144x256xf32, #tpu.memory_space<vmem>>, vector<16xf32>,
            %add3A_1269 = arith.addf %while3A_1205, %get3A_1268 : vector<16xf32>
            scf.yield %add3A_1209, %add3A_1213, %add3A_1217, %add3A_1221, %add3A_1225, %add3A_1229, %add3A_1233, %add3A_1237, %add3A_1241, %add3A_1245, %add3A_1249, %add3A_1253, %add3A_1257, %add3A_1261, %add3A_1265, %add3A_1269 : vector<16xf32>, vector<16xf32>, vector<16xf32>, vector<16xf32>, vector<16xf32>, vector<16xf32>, vector<16xf32>, vector<16xf32>, vector<16xf32>, vector<16xf32>, vector<16xf32>, vector<16xf32>, vector<16xf32>, vector<16xf32>, vector<16xf32>, vector<16xf32>
          }
          %while3A_1139 = arith.constant 1 : i32
          %while3A_1140:16 = scf.for %while3A_1189 = %while3A_1136 to %while3A_1132 step %while3A_1139 iter_args(%while3A_1190 = %while3A_1138#0, %while3A_1191 = %while3A_1138#1, %while3A_1192 = %while3A_1138#2, %while3A_1193 = %while3A_1138#3, %while3A_1194 = %while3A_1138#4, %while3A_1195 = %while3A_1138#5, %while3A_1196 = %while3A_1138#6, %while3A_1197 = %while3A_1138#7, %while3A_1198 = %while3A_1138#8, %while3A_1199 = %while3A_1138#9, %while3A_1200 = %while3A_1138#10, %while3A_1201 = %while3A_1138#11, %while3A_1202 = %while3A_1138#12, %while3A_1203 = %while3A_1138#13, %while3A_1204 = %while3A_1138#14, %while3A_1205 = %while3A_1138#15) -> (vector<16xf32>, vector<16xf32>, vector<16xf32>, vector<16xf32>, vector<16xf32>, vector<16xf32>, vector<16xf32>, vector<16xf32>, vector<16xf32>, vector<16xf32>, vector<16xf32>, vector<16xf32>, vector<16xf32>, vector<16xf32>, vector<16xf32>, vector<16xf32>)  : i32 {
            %get3A_1206 = arith.index_cast %while3A_1189 : i32 to index
            %get3A_1207 = arith.constant 0 : index
            %get3A_1208 = tpu.vector_load %arg5[%get3A_1206, %get3A_1207] {strides = array<i32>} : memref<144x256xf32, #tpu.memory_space<vmem>>, vector<16xf32>,
            %add3A_1209 = arith.addf %while3A_1190, %get3A_1208 : vector<16xf32>
            %get3A_1210 = arith.index_cast %while3A_1189 : i32 to index
            %get3A_1211 = arith.constant 16 : index
            %get3A_1212 = tpu.vector_load %arg5[%get3A_1210, %get3A_1211] {strides = array<i32>} : memref<144x256xf32, #tpu.memory_space<vmem>>, vector<16xf32>,
            %add3A_1213 = arith.addf %while3A_1191, %get3A_1212 : vector<16xf32>
            %get3A_1214 = arith.index_cast %while3A_1189 : i32 to index
            %get3A_1215 = arith.constant 32 : index
            %get3A_1216 = tpu.vector_load %arg5[%get3A_1214, %get3A_1215] {strides = array<i32>} : memref<144x256xf32, #tpu.memory_space<vmem>>, vector<16xf32>,
            %add3A_1217 = arith.addf %while3A_1192, %get3A_1216 : vector<16xf32>
            %get3A_1218 = arith.index_cast %while3A_1189 : i32 to index
            %get3A_1219 = arith.constant 48 : index
            %get3A_1220 = tpu.vector_load %arg5[%get3A_1218, %get3A_1219] {strides = array<i32>} : memref<144x256xf32, #tpu.memory_space<vmem>>, vector<16xf32>,
            %add3A_1221 = arith.addf %while3A_1193, %get3A_1220 : vector<16xf32>
            %get3A_1222 = arith.index_cast %while3A_1189 : i32 to index
            %get3A_1223 = arith.constant 64 : index
            %get3A_1224 = tpu.vector_load %arg5[%get3A_1222, %get3A_1223] {strides = array<i32>} : memref<144x256xf32, #tpu.memory_space<vmem>>, vector<16xf32>,
            %add3A_1225 = arith.addf %while3A_1194, %get3A_1224 : vector<16xf32>
            %get3A_1226 = arith.index_cast %while3A_1189 : i32 to index
            %get3A_1227 = arith.constant 80 : index
            %get3A_1228 = tpu.vector_load %arg5[%get3A_1226, %get3A_1227] {strides = array<i32>} : memref<144x256xf32, #tpu.memory_space<vmem>>, vector<16xf32>,
            %add3A_1229 = arith.addf %while3A_1195, %get3A_1228 : vector<16xf32>
            %get3A_1230 = arith.index_cast %while3A_1189 : i32 to index
            %get3A_1231 = arith.constant 96 : index
            %get3A_1232 = tpu.vector_load %arg5[%get3A_1230, %get3A_1231] {strides = array<i32>} : memref<144x256xf32, #tpu.memory_space<vmem>>, vector<16xf32>,
            %add3A_1233 = arith.addf %while3A_1196, %get3A_1232 : vector<16xf32>
            %get3A_1234 = arith.index_cast %while3A_1189 : i32 to index
            %get3A_1235 = arith.constant 112 : index
            %get3A_1236 = tpu.vector_load %arg5[%get3A_1234, %get3A_1235] {strides = array<i32>} : memref<144x256xf32, #tpu.memory_space<vmem>>, vector<16xf32>,
            %add3A_1237 = arith.addf %while3A_1197, %get3A_1236 : vector<16xf32>
            %get3A_1238 = arith.index_cast %while3A_1189 : i32 to index
            %get3A_1239 = arith.constant 128 : index
            %get3A_1240 = tpu.vector_load %arg5[%get3A_1238, %get3A_1239] {strides = array<i32>} : memref<144x256xf32, #tpu.memory_space<vmem>>, vector<16xf32>,
            %add3A_1241 = arith.addf %while3A_1198, %get3A_1240 : vector<16xf32>
            %get3A_1242 = arith.index_cast %while3A_1189 : i32 to index
            %get3A_1243 = arith.constant 144 : index
            %get3A_1244 = tpu.vector_load %arg5[%get3A_1242, %get3A_1243] {strides = array<i32>} : memref<144x256xf32, #tpu.memory_space<vmem>>, vector<16xf32>,
            %add3A_1245 = arith.addf %while3A_1199, %get3A_1244 : vector<16xf32>
            %get3A_1246 = arith.index_cast %while3A_1189 : i32 to index
            %get3A_1247 = arith.constant 160 : index
            %get3A_1248 = tpu.vector_load %arg5[%get3A_1246, %get3A_1247] {strides = array<i32>} : memref<144x256xf32, #tpu.memory_space<vmem>>, vector<16xf32>,
            %add3A_1249 = arith.addf %while3A_1200, %get3A_1248 : vector<16xf32>
            %get3A_1250 = arith.index_cast %while3A_1189 : i32 to index
            %get3A_1251 = arith.constant 176 : index
            %get3A_1252 = tpu.vector_load %arg5[%get3A_1250, %get3A_1251] {strides = array<i32>} : memref<144x256xf32, #tpu.memory_space<vmem>>, vector<16xf32>,
            %add3A_1253 = arith.addf %while3A_1201, %get3A_1252 : vector<16xf32>
            %get3A_1254 = arith.index_cast %while3A_1189 : i32 to index
            %get3A_1255 = arith.constant 192 : index
            %get3A_1256 = tpu.vector_load %arg5[%get3A_1254, %get3A_1255] {strides = array<i32>} : memref<144x256xf32, #tpu.memory_space<vmem>>, vector<16xf32>,
            %add3A_1257 = arith.addf %while3A_1202, %get3A_1256 : vector<16xf32>
            %get3A_1258 = arith.index_cast %while3A_1189 : i32 to index
            %get3A_1259 = arith.constant 208 : index
            %get3A_1260 = tpu.vector_load %arg5[%get3A_1258, %get3A_1259] {strides = array<i32>} : memref<144x256xf32, #tpu.memory_space<vmem>>, vector<16xf32>,
            %add3A_1261 = arith.addf %while3A_1203, %get3A_1260 : vector<16xf32>
            %get3A_1262 = arith.index_cast %while3A_1189 : i32 to index
            %get3A_1263 = arith.constant 224 : index
            %get3A_1264 = tpu.vector_load %arg5[%get3A_1262, %get3A_1263] {strides = array<i32>} : memref<144x256xf32, #tpu.memory_space<vmem>>, vector<16xf32>,
            %add3A_1265 = arith.addf %while3A_1204, %get3A_1264 : vector<16xf32>
            %get3A_1266 = arith.index_cast %while3A_1189 : i32 to index
            %get3A_1267 = arith.constant 240 : index
            %get3A_1268 = tpu.vector_load %arg5[%get3A_1266, %get3A_1267] {strides = array<i32>} : memref<144x256xf32, #tpu.memory_space<vmem>>, vector<16xf32>,
            %add3A_1269 = arith.addf %while3A_1205, %get3A_1268 : vector<16xf32>
            scf.yield %add3A_1209, %add3A_1213, %add3A_1217, %add3A_1221, %add3A_1225, %add3A_1229, %add3A_1233, %add3A_1237, %add3A_1241, %add3A_1245, %add3A_1249, %add3A_1253, %add3A_1257, %add3A_1261, %add3A_1265, %add3A_1269 : vector<16xf32>, vector<16xf32>, vector<16xf32>, vector<16xf32>, vector<16xf32>, vector<16xf32>, vector<16xf32>, vector<16xf32>, vector<16xf32>, vector<16xf32>, vector<16xf32>, vector<16xf32>, vector<16xf32>, vector<16xf32>, vector<16xf32>, vector<16xf32>
          }
          %swap3A_1141 = arith.index_cast %scan3A_1114 : i32 to index
          %swap3A_1142 = arith.constant 0 : index
          %swap3A_1143 = tpu.vector_load %arg6[%swap3A_1141, %swap3A_1142] {strides = array<i32>} : memref<16x256xf32, #tpu.memory_space<vmem>>, vector<16xf32>,
          tpu.vector_store %arg6[%swap3A_1141, %swap3A_1142], %while3A_1140#0 {add = true, strides = array<i32>} : memref<16x256xf32, #tpu.memory_space<vmem>>, vector<16xf32>,
          %swap3A_1144 = arith.index_cast %scan3A_1114 : i32 to index
          %swap3A_1145 = arith.constant 16 : index
          %swap3A_1146 = tpu.vector_load %arg6[%swap3A_1144, %swap3A_1145] {strides = array<i32>} : memref<16x256xf32, #tpu.memory_space<vmem>>, vector<16xf32>,
          tpu.vector_store %arg6[%swap3A_1144, %swap3A_1145], %while3A_1140#1 {add = true, strides = array<i32>} : memref<16x256xf32, #tpu.memory_space<vmem>>, vector<16xf32>,
          %swap3A_1147 = arith.index_cast %scan3A_1114 : i32 to index
          %swap3A_1148 = arith.constant 32 : index
          %swap3A_1149 = tpu.vector_load %arg6[%swap3A_1147, %swap3A_1148] {strides = array<i32>} : memref<16x256xf32, #tpu.memory_space<vmem>>, vector<16xf32>,
          tpu.vector_store %arg6[%swap3A_1147, %swap3A_1148], %while3A_1140#2 {add = true, strides = array<i32>} : memref<16x256xf32, #tpu.memory_space<vmem>>, vector<16xf32>,
          %swap3A_1150 = arith.index_cast %scan3A_1114 : i32 to index
          %swap3A_1151 = arith.constant 48 : index
          %swap3A_1152 = tpu.vector_load %arg6[%swap3A_1150, %swap3A_1151] {strides = array<i32>} : memref<16x256xf32, #tpu.memory_space<vmem>>, vector<16xf32>,
          tpu.vector_store %arg6[%swap3A_1150, %swap3A_1151], %while3A_1140#3 {add = true, strides = array<i32>} : memref<16x256xf32, #tpu.memory_space<vmem>>, vector<16xf32>,
          %swap3A_1153 = arith.index_cast %scan3A_1114 : i32 to index
          %swap3A_1154 = arith.constant 64 : index
          %swap3A_1155 = tpu.vector_load %arg6[%swap3A_1153, %swap3A_1154] {strides = array<i32>} : memref<16x256xf32, #tpu.memory_space<vmem>>, vector<16xf32>,
          tpu.vector_store %arg6[%swap3A_1153, %swap3A_1154], %while3A_1140#4 {add = true, strides = array<i32>} : memref<16x256xf32, #tpu.memory_space<vmem>>, vector<16xf32>,
          %swap3A_1156 = arith.index_cast %scan3A_1114 : i32 to index
          %swap3A_1157 = arith.constant 80 : index
          %swap3A_1158 = tpu.vector_load %arg6[%swap3A_1156, %swap3A_1157] {strides = array<i32>} : memref<16x256xf32, #tpu.memory_space<vmem>>, vector<16xf32>,
          tpu.vector_store %arg6[%swap3A_1156, %swap3A_1157], %while3A_1140#5 {add = true, strides = array<i32>} : memref<16x256xf32, #tpu.memory_space<vmem>>, vector<16xf32>,
          %swap3A_1159 = arith.index_cast %scan3A_1114 : i32 to index
          %swap3A_1160 = arith.constant 96 : index
          %swap3A_1161 = tpu.vector_load %arg6[%swap3A_1159, %swap3A_1160] {strides = array<i32>} : memref<16x256xf32, #tpu.memory_space<vmem>>, vector<16xf32>,
          tpu.vector_store %arg6[%swap3A_1159, %swap3A_1160], %while3A_1140#6 {add = true, strides = array<i32>} : memref<16x256xf32, #tpu.memory_space<vmem>>, vector<16xf32>,
          %swap3A_1162 = arith.index_cast %scan3A_1114 : i32 to index
          %swap3A_1163 = arith.constant 112 : index
          %swap3A_1164 = tpu.vector_load %arg6[%swap3A_1162, %swap3A_1163] {strides = array<i32>} : memref<16x256xf32, #tpu.memory_space<vmem>>, vector<16xf32>,
          tpu.vector_store %arg6[%swap3A_1162, %swap3A_1163], %while3A_1140#7 {add = true, strides = array<i32>} : memref<16x256xf32, #tpu.memory_space<vmem>>, vector<16xf32>,
          %swap3A_1165 = arith.index_cast %scan3A_1114 : i32 to index
          %swap3A_1166 = arith.constant 128 : index
          %swap3A_1167 = tpu.vector_load %arg6[%swap3A_1165, %swap3A_1166] {strides = array<i32>} : memref<16x256xf32, #tpu.memory_space<vmem>>, vector<16xf32>,
          tpu.vector_store %arg6[%swap3A_1165, %swap3A_1166], %while3A_1140#8 {add = true, strides = array<i32>} : memref<16x256xf32, #tpu.memory_space<vmem>>, vector<16xf32>,
          %swap3A_1168 = arith.index_cast %scan3A_1114 : i32 to index
          %swap3A_1169 = arith.constant 144 : index
          %swap3A_1170 = tpu.vector_load %arg6[%swap3A_1168, %swap3A_1169] {strides = array<i32>} : memref<16x256xf32, #tpu.memory_space<vmem>>, vector<16xf32>,
          tpu.vector_store %arg6[%swap3A_1168, %swap3A_1169], %while3A_1140#9 {add = true, strides = array<i32>} : memref<16x256xf32, #tpu.memory_space<vmem>>, vector<16xf32>,
          %swap3A_1171 = arith.index_cast %scan3A_1114 : i32 to index
          %swap3A_1172 = arith.constant 160 : index
          %swap3A_1173 = tpu.vector_load %arg6[%swap3A_1171, %swap3A_1172] {strides = array<i32>} : memref<16x256xf32, #tpu.memory_space<vmem>>, vector<16xf32>,
          tpu.vector_store %arg6[%swap3A_1171, %swap3A_1172], %while3A_1140#10 {add = true, strides = array<i32>} : memref<16x256xf32, #tpu.memory_space<vmem>>, vector<16xf32>,
          %swap3A_1174 = arith.index_cast %scan3A_1114 : i32 to index
          %swap3A_1175 = arith.constant 176 : index
          %swap3A_1176 = tpu.vector_load %arg6[%swap3A_1174, %swap3A_1175] {strides = array<i32>} : memref<16x256xf32, #tpu.memory_space<vmem>>, vector<16xf32>,
          tpu.vector_store %arg6[%swap3A_1174, %swap3A_1175], %while3A_1140#11 {add = true, strides = array<i32>} : memref<16x256xf32, #tpu.memory_space<vmem>>, vector<16xf32>,
          %swap3A_1177 = arith.index_cast %scan3A_1114 : i32 to index
          %swap3A_1178 = arith.constant 192 : index
          %swap3A_1179 = tpu.vector_load %arg6[%swap3A_1177, %swap3A_1178] {strides = array<i32>} : memref<16x256xf32, #tpu.memory_space<vmem>>, vector<16xf32>,
          tpu.vector_store %arg6[%swap3A_1177, %swap3A_1178], %while3A_1140#12 {add = true, strides = array<i32>} : memref<16x256xf32, #tpu.memory_space<vmem>>, vector<16xf32>,
          %swap3A_1180 = arith.index_cast %scan3A_1114 : i32 to index
          %swap3A_1181 = arith.constant 208 : index
          %swap3A_1182 = tpu.vector_load %arg6[%swap3A_1180, %swap3A_1181] {strides = array<i32>} : memref<16x256xf32, #tpu.memory_space<vmem>>, vector<16xf32>,
          tpu.vector_store %arg6[%swap3A_1180, %swap3A_1181], %while3A_1140#13 {add = true, strides = array<i32>} : memref<16x256xf32, #tpu.memory_space<vmem>>, vector<16xf32>,
          %swap3A_1183 = arith.index_cast %scan3A_1114 : i32 to index
          %swap3A_1184 = arith.constant 224 : index
          %swap3A_1185 = tpu.vector_load %arg6[%swap3A_1183, %swap3A_1184] {strides = array<i32>} : memref<16x256xf32, #tpu.memory_space<vmem>>, vector<16xf32>,
          tpu.vector_store %arg6[%swap3A_1183, %swap3A_1184], %while3A_1140#14 {add = true, strides = array<i32>} : memref<16x256xf32, #tpu.memory_space<vmem>>, vector<16xf32>,
          %swap3A_1186 = arith.index_cast %scan3A_1114 : i32 to index
          %swap3A_1187 = arith.constant 240 : index
          %swap3A_1188 = tpu.vector_load %arg6[%swap3A_1186, %swap3A_1187] {strides = array<i32>} : memref<16x256xf32, #tpu.memory_space<vmem>>, vector<16xf32>,
          tpu.vector_store %arg6[%swap3A_1186, %swap3A_1187], %while3A_1140#15 {add = true, strides = array<i32>} : memref<16x256xf32, #tpu.memory_space<vmem>>, vector<16xf32>,
        } else {
        }
        %scan3A_1127 = arith.constant 0 : i32
        scf.yield %scan3A_1127 : i32
      }
      %scan3A_1112 = arith.constant 16 : i32
      %while3A_1113 = arith.constant 0 : i32
      scf.yield %while3A_1113 : i32
    }
    "tpu.region"() ({
      %run_scoped3A = tpu.sem_alloc : memref<!tpu.dma_semaphore, #tpu.memory_space<semaphore_mem>>
      %dma_start3A = arith.constant 0 : i32
      %dma_start3A_1046 = tpu.memref_slice %arg4[%mul3A_2, %dma_start3A] : memref<512x256xf32, #tpu.memory_space<hbm>> -> memref<16x256xf32, #tpu.memory_space<hbm>>
      %dma_start3A_1047 = arith.constant 0 : i32
      %dma_start3A_1048 = tpu.memref_slice %arg4[%mul3A_2, %dma_start3A_1047] : memref<512x256xf32, #tpu.memory_space<hbm>> -> memref<16x256xf32, #tpu.memory_space<hbm>>
      tpu.enqueue_dma source(%arg6 : memref<16x256xf32, #tpu.memory_space<vmem>>) target(%dma_start3A_1048 : memref<16x256xf32, #tpu.memory_space<hbm>>) target_semaphore(%run_scoped3A : memref<!tpu.dma_semaphore, #tpu.memory_space<semaphore_mem>>)
      %dma_wait3A = arith.constant 0 : i32
      %dma_wait3A_1049 = tpu.memref_slice %arg4[%mul3A_2, %dma_wait3A] : memref<512x256xf32, #tpu.memory_space<hbm>> -> memref<16x256xf32, #tpu.memory_space<hbm>>
      %dma_wait3A_1050 = arith.constant 0 : i32
      %dma_wait3A_1051 = tpu.memref_slice %arg4[%mul3A_2, %dma_wait3A_1050] : memref<512x256xf32, #tpu.memory_space<hbm>> -> memref<16x256xf32, #tpu.memory_space<hbm>>
      tpu.wait_dma2 semaphore(%run_scoped3A : memref<!tpu.dma_semaphore, #tpu.memory_space<semaphore_mem>>) src(%arg6 : memref<16x256xf32, #tpu.memory_space<vmem>>) dst(%dma_wait3A_1051 : memref<16x256xf32, #tpu.memory_space<hbm>>)
      tpu.yield
    }) : () -> ()
    return
  }
}

module attributes {stable_mosaic.version = 14 : i64} {
  func.func @_mm_body(%arg0: i32, %arg1: memref<1000x128xf32, #tpu.memory_space<vmem>>, %arg2: memref<128x256xf32, #tpu.memory_space<vmem>>, %arg3: memref<1x256xf32, #tpu.memory_space<vmem>>, %arg4: memref<1000x256xf32, #tpu.memory_space<vmem>>) attributes {dimension_semantics = [#tpu.dimension_semantics<arbitrary>], iteration_bounds = array<i64: 10>, scalar_prefetch = 0 : i64, scratch_operands = 0 : i64, tpu.core_type = #tpu.core_type<tc>, window_params = [{transform_indices = @transform_0, window_bounds = array<i64: 1000, 128>}, {pipeline_mode = #tpu.pipeline_mode<synchronous>, transform_indices = @transform_1, window_bounds = array<i64: 128, 256>}, {pipeline_mode = #tpu.pipeline_mode<synchronous>, transform_indices = @transform_2, window_bounds = array<i64: 1, 256>}, {transform_indices = @transform_3, window_bounds = array<i64: 1000, 256>}]} {
    %get3A = arith.constant 0 : index
    %get3A_0 = arith.constant 0 : index
    %get3A_1 = vector.load %arg1[%get3A, %get3A_0] : memref<1000x128xf32, #tpu.memory_space<vmem>>, vector<1000x128xf32>
    %get3A_2 = arith.constant 0 : index
    %get3A_3 = arith.constant 0 : index
    %get3A_4 = vector.load %arg2[%get3A_2, %get3A_3] : memref<128x256xf32, #tpu.memory_space<vmem>>, vector<128x256xf32>
    %dot_general3A = arith.constant dense<0.000000e+00> : vector<1000x256xf32>
    %dot_general3A_5 = tpu.matmul %get3A_1, %get3A_4, %dot_general3A {dimension_numbers = #tpu.dot_dimension_numbers<[1], [0], [0], [1], [0, 0, 1, 1], [], []>, transpose_lhs_hint = false} : vector<1000x128xf32>, vector<128x256xf32>, vector<1000x256xf32> -> vector<1000x256xf32>
    %get3A_6 = arith.constant 0 : index
    %get3A_7 = arith.constant 0 : index
    %get3A_8 = vector.load %arg3[%get3A_6, %get3A_7] : memref<1x256xf32, #tpu.memory_space<vmem>>, vector<1x256xf32>
    %add3A = vector.broadcast %get3A_8 : vector<1x256xf32> to vector<1000x256xf32>
    %add3A_9 = arith.addf %dot_general3A_5, %add3A : vector<1000x256xf32>
    %gt3A = arith.constant 0.000000e+00 : f32
    %gt3A_10 = vector.broadcast %gt3A : f32 to vector<1000x256xf32>
    %gt3A_11 = arith.cmpf ogt, %add3A_9, %gt3A_10 : vector<1000x256xf32>
    %min3A = arith.constant 0.000000e+00 : f32
    %min3A_12 = vector.broadcast %min3A : f32 to vector<1000x256xf32>
    %min3A_13 = arith.minimumf %add3A_9, %min3A_12 : vector<1000x256xf32>
    %exp3A = math.exp %min3A_13 : vector<1000x256xf32>
    %sub3A = arith.constant 1.000000e+00 : f32
    %sub3A_14 = vector.broadcast %sub3A : f32 to vector<1000x256xf32>
    %sub3A_15 = arith.subf %exp3A, %sub3A_14 : vector<1000x256xf32>
    %select_n3A = arith.select %gt3A_11, %add3A_9, %sub3A_15 : vector<1000x256xi1>, vector<1000x256xf32>
    %swap3A = arith.constant 0 : index
    %swap3A_16 = arith.constant 0 : index
    %swap3A_17 = vector.load %arg4[%swap3A, %swap3A_16] : memref<1000x256xf32, #tpu.memory_space<vmem>>, vector<1000x256xf32>
    tpu.vector_store %arg4[%swap3A, %swap3A_16], %select_n3A {strides = array<i32>} : memref<1000x256xf32, #tpu.memory_space<vmem>>, vector<1000x256xf32>,
    return
  }
  func.func @transform_0(%arg0: i32) -> (i32, i32) {
    %c0_i32 = arith.constant 0 : i32
    %c0_i32_0 = arith.constant 0 : i32
    return %arg0, %c0_i32 : i32, i32
  }
  func.func @transform_1(%arg0: i32) -> (i32, i32) {
    %c0_i32 = arith.constant 0 : i32
    %c0_i32_0 = arith.constant 0 : i32
    %c0_i32_1 = arith.constant 0 : i32
    return %c0_i32, %c0_i32_0 : i32, i32
  }
  func.func @transform_2(%arg0: i32) -> (i32, i32) {
    %c0_i32 = arith.constant 0 : i32
    %c0_i32_0 = arith.constant 0 : i32
    %c0_i32_1 = arith.constant 0 : i32
    return %c0_i32, %c0_i32_0 : i32, i32
  }
  func.func @transform_3(%arg0: i32) -> (i32, i32) {
    %c0_i32 = arith.constant 0 : i32
    %c0_i32_0 = arith.constant 0 : i32
    return %arg0, %c0_i32 : i32, i32
  }
}

module attributes {stable_mosaic.version = 14 : i64} {
  func.func @_head_body(%arg0: memref<512x256xf32, #tpu.memory_space<vmem>>, %arg1: memref<256x256xf32, #tpu.memory_space<vmem>>, %arg2: memref<1x256xf32, #tpu.memory_space<vmem>>, %arg3: memref<1x256xf32, #tpu.memory_space<vmem>>, %arg4: memref<1x1xf32, #tpu.memory_space<vmem>>, %arg5: memref<512x1xf32, #tpu.memory_space<vmem>>) attributes {dimension_semantics = [], scalar_prefetch = 0 : i64, scratch_operands = 0 : i64, tpu.core_type = #tpu.core_type<tc>} {
    %get3A = arith.constant 0 : index
    %get3A_0 = arith.constant 0 : index
    %get3A_1 = vector.load %arg0[%get3A, %get3A_0] : memref<512x256xf32, #tpu.memory_space<vmem>>, vector<512x256xf32>
    %get3A_2 = arith.constant 0 : index
    %get3A_3 = arith.constant 0 : index
    %get3A_4 = vector.load %arg1[%get3A_2, %get3A_3] : memref<256x256xf32, #tpu.memory_space<vmem>>, vector<256x256xf32>
    %dot_general3A = arith.constant dense<0.000000e+00> : vector<512x256xf32>
    %dot_general3A_5 = tpu.matmul %get3A_1, %get3A_4, %dot_general3A {dimension_numbers = #tpu.dot_dimension_numbers<[1], [0], [0], [1], [0, 0, 1, 1], [], []>, transpose_lhs_hint = false} : vector<512x256xf32>, vector<256x256xf32>, vector<512x256xf32> -> vector<512x256xf32>
    %get3A_6 = arith.constant 0 : index
    %get3A_7 = arith.constant 0 : index
    %get3A_8 = vector.load %arg2[%get3A_6, %get3A_7] : memref<1x256xf32, #tpu.memory_space<vmem>>, vector<1x256xf32>
    %add3A = vector.broadcast %get3A_8 : vector<1x256xf32> to vector<512x256xf32>
    %add3A_9 = arith.addf %dot_general3A_5, %add3A : vector<512x256xf32>
    %max3A = arith.constant 0.000000e+00 : f32
    %max3A_10 = vector.broadcast %max3A : f32 to vector<512x256xf32>
    %max3A_11 = arith.maximumf %add3A_9, %max3A_10 : vector<512x256xf32>
    %get3A_12 = arith.constant 0 : index
    %get3A_13 = arith.constant 0 : index
    %get3A_14 = vector.load %arg3[%get3A_12, %get3A_13] : memref<1x256xf32, #tpu.memory_space<vmem>>, vector<1x256xf32>
    %mul3A = vector.broadcast %get3A_14 : vector<1x256xf32> to vector<512x256xf32>
    %mul3A_15 = arith.mulf %max3A_11, %mul3A : vector<512x256xf32>
    %reduce_sum3A = arith.constant dense<0.000000e+00> : vector<512xf32>
    %reduce_sum3A_16 = vector.multi_reduction <add>, %mul3A_15, %reduce_sum3A [1] : vector<512x256xf32> to vector<512xf32>
    %broadcast_in_dim3A = vector.shape_cast %reduce_sum3A_16 : vector<512xf32> to vector<512x1xf32>
    %get3A_17 = arith.constant 0 : index
    %get3A_18 = arith.constant 0 : index
    %get3A_19 = vector.load %arg4[%get3A_17, %get3A_18] : memref<1x1xf32, #tpu.memory_space<vmem>>, vector<1x1xf32>
    %add3A_20 = vector.broadcast %get3A_19 : vector<1x1xf32> to vector<512x1xf32>
    %add3A_21 = arith.addf %broadcast_in_dim3A, %add3A_20 : vector<512x1xf32>
    %neg3A = arith.constant 0.000000e+00 : f32
    %neg3A_22 = vector.broadcast %neg3A : f32 to vector<512x1xf32>
    %neg3A_23 = arith.subf %neg3A_22, %add3A_21 : vector<512x1xf32>
    %exp3A = math.exp %neg3A_23 : vector<512x1xf32>
    %add3A_24 = arith.constant 1.000000e+00 : f32
    %add3A_25 = vector.broadcast %add3A_24 : f32 to vector<512x1xf32>
    %add3A_26 = arith.addf %add3A_25, %exp3A : vector<512x1xf32>
    %div3A = arith.constant 1.000000e+00 : f32
    %div3A_27 = vector.broadcast %div3A : f32 to vector<512x1xf32>
    %div3A_28 = arith.divf %div3A_27, %add3A_26 : vector<512x1xf32>
    %swap3A = arith.constant 0 : index
    %swap3A_29 = arith.constant 0 : index
    %swap3A_30 = vector.load %arg5[%swap3A, %swap3A_29] : memref<512x1xf32, #tpu.memory_space<vmem>>, vector<512x1xf32>
    tpu.vector_store %arg5[%swap3A, %swap3A_29], %div3A_28 {strides = array<i32>} : memref<512x1xf32, #tpu.memory_space<vmem>>, vector<512x1xf32>,
    return
  }
}

</mosaic_0001>

<sc_bundles>
// kernel: kernel.5.cloned.1.call-start
scs
__scs_entry_jumppad:
0x0: {  	(pc) =	sbr.rel $0x88, $3  }
0x1: {  	(tag) =	ssettag $0x0;
	lr =	simm.s32 $0x1  }
0x2: {  	[smem:$0x3F99] =	sst lr;
	_ =	strace $0xD0000000  }
0x3: {  	_ = 	snop  }
0x4: {  	_ = 	snop  }
0x5: {  	_ = 	snop  }
0x6: {  	_ = 	snop  }
0x7: {  	_ = 	snop  }
__scs_overlays_trampoline_lowered:
0x8: {  	[smem:$0x3FA8] =	sst s0  }
0x9: {  	[smem:$0x3FA9] =	sst s1  }
0xa: {  	[smem:$0x3FAA] =	sst s2  }
0xb: {  	[smem:$0x3FAB] =	sst s3  }
0xc: {  	[smem:$0x3FAC] =	sst s4  }
0xd: {  	[smem:$0x3FAD] =	sst s5  }
0xe: {  	[smem:$0x3FAE] =	sst s6  }
0xf: {  	[smem:$0x3FAF] =	sst s7  }
0x10: {  	[smem:$0x3FB0] =	sst s8  }
0x11: {  	[smem:$0x3FB1] =	sst s9;
	s0 =	simm.s32 @!p0 $0x0  }
0x12: {  	s1 =	sld [smem:$0x3F97];
	s0 =	simm.s32 @p0 $0x1  }
0x13: {  	[smem:$0x3FB2] =	sst s0;
	s0 =	simm.s32 @!p1 $0x0  }
0x14: {  	s2 =	sld [smem:$0x3F96];
	s0 =	simm.s32 @p1 $0x1  }
0x15: {  	[smem:$0x3FB3] =	sst s0;
	s0 =	simm.s32 @!p2 $0x0  }
0x16: {  	s3 =	sld [smem:$0x3FDB];
	s0 =	simm.s32 @p2 $0x1  }
0x17: {  	s4 =	simm.s32 $0x1BF5;
	[smem:$0x3FB5] =	sst s0  }
0x18: {  	s0 =	sld [smem:$0x3F98];
	_ =	swait.ge [sflag:s4], $0x0  }
0x19: {  	s7 =	sld [smem:$0x3F99]  }
0x1a: {  	s8 =	sadd.s32 $0xFFFFE003, lr  }
0x1b: {  	s9 =	sadd.s32 $0xFFFFFEF7, lr;
	s5 =	simm.s32 $0xFFFFFFFF;
	p2 =	slt.u32 s8, $0xFFFFF086  }
0x1c: {  	p1 =	slt.u32 s9, $0xF7A;
	s5 =	simm.s32 @!p2 $0x0  }
0x1d: {  	s5 =	simm.s32 @p1 $0x1;
	p0 =	seq.s32 s7, s2  }
0x1e: {  	s7 =	smul.u32 @!p0 $0xF7A, s2;
	p2 =	seq.s32 @!p0 s5, $0x0  }
0x1f: {  	s9 =	smul.u32 $0xF7A, s1;
	s8 =	simm.s32 @!p0 $0x1BF5;
	p2 =	por !p2, p0  }
0x20: {  	[sflag:s8] =	ssyncset.s32 @!p0 $0xFFFFF086;
	s6 =	sadd.s32 @!p0 s3, s7;
	s7 =	simm.s32 @!p0 $0x108  }
0x21: {  	s3 =	sadd.s32 s3, s9;
	s6 =	sadd.s32 @!p0 $0x88, s6;
	s7 =	simm.s32 @p2 $0x1082  }
0x22: {  	[simem:s7], [sflag:s8] =	dma.local @!p0 [hbm:s6], $0xF7A  }
0x23: {  	s9 =	sor.u32 $0xD0000000, s2;
	s6 =	simm.s32 $0x108;
	_ =	swait.ge @!p0 [sflag:s8], $0x0  }
0x24: {  	s3 =	sadd.s32 $0x88, s3;
	s6 =	simm.s32 @!p1 $0x1082;
	[sflag:s4] =	ssyncset.s32 $0xFFFFF086  }
0x25: {  	[simem:s6], [sflag:s4] =	dma.local [hbm:s3], $0xF7A  }
0x26: {  	[smem:$0x3F99] =	sst s1;
	(tag) =	ssettag s2;
	_ =	strace s9  }
0x27: {  	s1 =	sld [smem:$0x3FA9]  }
0x28: {  	s2 =	sld [smem:$0x3FAA]  }
0x29: {  	s4 =	sld [smem:$0x3FAC]  }
0x2a: {  	p0 =	seq.s32 s5, $0x0;
	s5 =	sld [smem:$0x3FAD]  }
0x2b: {  	s6 =	sld [smem:$0x3FAE]  }
0x2c: {  	s7 =	sld [smem:$0x3FAF]  }
0x2d: {  	s3 =	simm.s32 $0x108;
	s8 =	sld [smem:$0x3FB0]  }
0x2e: {  	s3 =	simm.s32 @!p0 $0x1082;
	s9 =	sld [smem:$0x3FB1]  }
0x2f: {  	lr =	sadd.s32 s0, s3;
	s0 =	sld [smem:$0x3FA8]  }
0x30: {  	s3 =	sld [smem:$0x3FAB]  }
0x31: {  	[smem:$0x3FB4] =	sst s10  }
0x32: {  	s10 =	sld [smem:$0x3FB2];
	_ =	sdelay $0x3  }
0x33: {  	p0 =	seq.s32 s10, $0x1;
	s10 =	sld [smem:$0x3FB4];
	_ =	sdelay $0x3  }
0x34: {  	[smem:$0x3FB4] =	sst s10  }
0x35: {  	s10 =	sld [smem:$0x3FB3];
	_ =	sdelay $0x3  }
0x36: {  	p1 =	seq.s32 s10, $0x1;
	s10 =	sld [smem:$0x3FB4];
	_ =	sdelay $0x3  }
0x37: {  	[smem:$0x3FB4] =	sst s10  }
0x38: {  	s10 =	sld [smem:$0x3FB5]  }
0x39: {  	_ = 	snop;
	(pc) =	sbr.ind lr, $3  }
0x3a: {  	_ = 	snop  }
0x3b: {  	_ = 	snop  }
0x3c: {  	p2 =	seq.s32 s10, $0x1;
	s10 =	sld [smem:$0x3FB4]  }
0x3d: {  	_ =	shalt  }
0x3e: {  	_ =	shalt  }
0x3f: {  	_ =	shalt  }
0x40: {  	_ =	shalt  }
0x41: {  	_ =	shalt  }
0x42: {  	_ =	shalt  }
0x43: {  	_ =	shalt  }
0x44: {  	_ =	shalt  }
0x45: {  	_ =	shalt  }
0x46: {  	_ =	shalt  }
0x47: {  	_ =	shalt  }
0x48: {  	_ =	shalt  }
0x49: {  	_ =	shalt  }
0x4a: {  	_ =	shalt  }
0x4b: {  	_ =	shalt  }
0x4c: {  	_ =	shalt  }
0x4d: {  	_ =	shalt  }
0x4e: {  	_ =	shalt  }
0x4f: {  	_ =	shalt  }
0x50: {  	_ =	shalt  }
0x51: {  	_ =	shalt  }
0x52: {  	_ =	shalt  }
0x53: {  	_ =	shalt  }
0x54: {  	_ =	shalt  }
0x55: {  	_ =	shalt  }
0x56: {  	_ =	shalt  }
0x57: {  	_ =	shalt  }
0x58: {  	_ =	shalt  }
0x59: {  	_ =	shalt  }
0x5a: {  	_ =	shalt  }
0x5b: {  	_ =	shalt  }
0x5c: {  	_ =	shalt  }
0x5d: {  	_ =	shalt  }
0x5e: {  	_ =	shalt  }
0x5f: {  	_ =	shalt  }
0x60: {  	_ =	shalt  }
0x61: {  	_ =	shalt  }
0x62: {  	_ =	shalt  }
0x63: {  	_ =	shalt  }
0x64: {  	_ =	shalt  }
0x65: {  	_ =	shalt  }
0x66: {  	_ =	shalt  }
0x67: {  	_ =	shalt  }
0x68: {  	_ =	shalt  }
0x69: {  	_ =	shalt  }
0x6a: {  	_ =	shalt  }
0x6b: {  	_ =	shalt  }
0x6c: {  	_ =	shalt  }
0x6d: {  	_ =	shalt  }
0x6e: {  	_ =	shalt  }
0x6f: {  	_ =	shalt  }
0x70: {  	_ =	shalt  }
0x71: {  	_ =	shalt  }
0x72: {  	_ =	shalt  }
0x73: {  	_ =	shalt  }
0x74: {  	_ =	shalt  }
0x75: {  	_ =	shalt  }
0x76: {  	_ =	shalt  }
0x77: {  	_ =	shalt  }
0x78: {  	_ =	shalt  }
0x79: {  	_ =	shalt  }
0x7a: {  	_ =	shalt  }
0x7b: {  	_ =	shalt  }
0x7c: {  	_ =	shalt  }
0x7d: {  	_ =	shalt  }
0x7e: {  	_ =	shalt  }
0x7f: {  	_ =	shalt  }
0x80: {  	_ =	shalt  }
0x81: {  	_ =	shalt  }
0x82: {  	_ =	shalt  }
0x83: {  	_ =	shalt  }
0x84: {  	_ =	shalt  }
0x85: {  	_ =	shalt  }
0x86: {  	_ =	shalt  }
0x87: {  	_ =	shalt  }
.Lfunc_end0:
.L_simem_size_0:
called_computation_lowered:
.L_overlay_start_0:
0x88: {  	s2 =	sld [smem:$0x3FD9]  }
0x89: {  	s3 =	sld [smem:$0x3FFE];
	_ =	sdelay $0x1  }
0x8a: {  	s1 =	srdreg.scid  }
0x8b: {  	s0 =	sand.u32 $0x1, s1  }
0x8c: {  	s16 =	sshll.u32 s0, $0xA;
	s2 =	sadd.s32 s3, s2  }
0x8d: {  	s2 =	sadd.s32 s2, s16  }
0x8e: {  	[smem:$0x3FC0] =	sst s2  }
0x8f: {  	_ = 	snop  }
0x90: {  	(tm) =	ssettm $0x1  }
0x91: {  	s17 =	sld [smem:$0x3FFB];
	_ =	sdelay $0x3  }
0x92: {  	_ =	strace s17  }
0x93: {  	s2 =	sld [smem:$0x3FFC];
	_ =	sdelay $0x3  }
0x94: {  	_ =	strace s2  }
0x95: {  	s2 =	sld [smem:$0x3FFD];
	_ =	sdelay $0x3  }
0x96: {  	_ =	strace s2  }
0x97: {  	_ =	strace $0x8FFFFFFF  }
0x98: {  	s18 =	sld [smem:$0x3FDB];
	_ =	sdelay $0x1  }
0x99: {  	s19 =	simm.s32 $_scs_section_size  }
0x9a: {  	s4 =	simm.s32 $_size__tile_overlayer_lowered;
	s5 =	simm.s32 $_tile_overlayer_lowered  }
0x9b: {  	s22 =	simm.s32 $0x1BFF;
	s21 =	sshll.u32 s5, $0x1;
	s2 =	sadd.s32 s19, s18  }
0x9c: {  	s6 =	simm.s32 $0x0;
	s20 =	sshll.u32 s4, $0x1;
	s4 =	sadd.s32 s21, s2  }
0x9d: {  	[timem:s6], [sflag:s22] =	dma.local [hbm:s4], s20  }
0x9e: {  	_ =	swait.ge [sflag:s22], s20  }
0x9f: {  	s3 =	ssub.s32 $0x0, s20;
	[sflag:s22] =	ssyncset.done $0x0  }
0xa0: {  	[sflag:s22] =	ssyncadd.s32 s3;
	_ =	sdelay $0x1  }
0xa1: {  	s23 =	simm.s32 $0x1B8B  }
0xa2: {  	_ =	swait.ge [sflag:s23], $0x1  }
0xa3: {  	[sflag:s23] =	ssyncset.done $0x0  }
0xa4: {  	s25 =	simm.s32 $0x1B8E;
	s24 =	sld [smem:$0x3FFE];
	[sflag:s23] =	ssyncadd.s32 $0xFFFFFFFF  }
0xa5: {  	s26 =	simm.s32 $execute0_lowered;
	[smem:$0x3FD2] =	sst s25  }
0xa6: {  	s4 =	sshll.u32 s26, $0x1;
	_ =	strace $0x80000046;
	[dreg:$0x1] =	wrdreg $0xFFFFFFFF  }
0xa7: {  	s28 =	simm.s32 $_size_execute0_lowered;
	s2 =	sadd.s32 s2, s4;
	[dreg:$0x0] =	wrdreg $0x0  }
0xa8: {  	s4 =	sshll.u32 s28, $0x1;
	[dreg:$0x2] =	wrdreg s2  }
0xa9: {  	[dreg:$0x3] =	wrdreg s4  }
0xaa: {  	[dreg:$0x4] =	wrdreg $0xC0  }
0xab: {  	_ =	task [dreg:s6], $0x5FFFF  }
0xac: {  	[dreg:$0x1] =	wrdreg $0xFFFFFFFF  }
0xad: {  	[dreg:$0x0] =	wrdreg $0x60  }
0xae: {  	[dreg:$0x2] =	wrdreg s24  }
0xaf: {  	[dreg:$0x3] =	wrdreg $0x9  }
0xb0: {  	_ =	task.clear_ibuf [dreg:s6], $0x4FFFF;
	_ =	strace $0x90000046  }
0xb1: {  	s29 =	simm.s32 $0x9;
	_ =	strace $0x80000048  }
0xb2: {  	_ =	swait.ge [sflag:s29], $0x1  }
0xb3: {  	[sflag:s29] =	ssyncadd.s32 $0xFFFFFFFF  }
0xb4: {  	_ =	strace $0x90000048  }
0xb5: {  	_ =	sfence  }
0xb6: {  	s30 =	sld [smem:$0x0];
	_ =	sdelay $0x2  }
0xb7: {  	s31 =	sshll.u32 s1, $0xD;
	s1 =	sshrl.u32 s1, $0x2  }
0xb8: {  	s3 =	sand.u32 $0x4000, s31;
	s1 =	sadd.s32 s1, s30  }
0xb9: {  	s0 =	sor.u32 s3, s0;
	s1 =	sshll.u32 s1, $0x11  }
0xba: {  	s0 =	sor.u32 s1, s0  }
0xbb: {  	s0 =	sadd.s32 $0x8F2B, s0  }
0xbc: {  	[sflag:s0] =	ssyncadd.remote.s32 $0x1  }
0xbd: {  	_ =	sfence.sel $0xFFFF  }
0xbe: {  	[dreg:$0x0] =	wrdreg $0xFFFFFFFF;
	(pc) =	sbr.abs _section_cstart, $3  }
0xbf: {  	[dreg:$0x1] =	wrdreg $0xFFFFFFFF  }
0xc0: {  	_ =	task.clear_ibuf [dreg:s6], $0x2FFFF;
	_ =	strace $0x9FFFFFFF  }
0xc1: {  	(tm) =	ssettm $0x7FFFFFFF  }
tec
execute0_lowered:
.L_overlay_start_1:
0x0: {  	(tag) =	ssettag $0x1  }
0x1: {  	s4 =	rddreg [dreg:$0x0]  }
0x2: {  	s0 =	rddreg [dreg:$0x1];
	s3 =	srdreg.scid  }
0x3: {  	s2 =	simm.s32 $0x0;
	s1 =	stileid.u32;
	s9 =	simm.s32 $0x9000  }
0x4: {  	s10 =	simm.s32 $0x0;
	s5 =	sand.u32 $0x1, s3;
	[smem:$0x7FF] =	sst s2  }
0x5: {  	s6 =	sshll.u32 s1, $0x4;
	s3 =	sshll.u32 s5, $0x8;
	_ =	strace $0x80000047  }
.Ltmp0:
0x6: {  	s5 =	ssub.s32 $0x2, s5;
	s6 =	sor.u32 s6, s3;
	(pc) =	sbr.rel .LBB2_1-.Ltmp0, $4  }
0x7: {  	s3 =	sadd.s32 $0x1200, s4;
	s7 =	sshrl.u32 s6, $0x3;
	s6 =	sshll.u32 s6, $0x5  }
0x8: {  	s8 =	sshrl.u32 s5, $0x1;
	s7 =	sadd.s32 s7, s4;
	s6 =	sadd.s32 s6, s4  }
0x9: {  	s8 =	ssub.s32 s5, s8;
	s4 =	sadd.s32 $0x4F400, s7;
	s5 =	sadd.s32 $0x4F600, s6  }
0xa: {  	v0 =	vimm.f32 $0.0e+00;
	s6 =	smax.u32 s8, $0x1;
	s7 =	simm.s32 $0xA000;
	s8 =	simm.s32 $0x1  }
.LBB2_12:
0xb: {  	s10 =	sadd.s32 $0x1, s10  }
0xc: {  	p0 =	sne.s32 s10, s6  }
.Ltmp1:
0xd: {  	_ = 	snop;
	(pc) =	sbr.rel @!p0 .LBB2_13-.Ltmp1, $4  }
0xe: {  	[hbm4b:s5+s2] =	stream.linear.scatter [tilespmem:s9], [sflag:$0x1], $0x1000, $0x38;
	[tilespmem:$0xA018] =	vst v63  }
0xf: {  	_ =	swait.ge [sflag:s8], $0x1000  }
0x10: {  	[sflag:s8] =	ssyncset.done $0x0  }
0x11: {  	[sflag:s8] =	ssyncadd.s32 $0xFFFFF000  }
.LBB2_1:
0x12: {  	[tilespmem:s7], [sflag:$0x1] =	stream.linear.gather [hbm4b:s4+s2], $0x18, $0x38;
	[tilespmem:$0xA018] =	vst v63  }
0x13: {  	_ =	swait.ge [sflag:s8], $0x18  }
0x14: {  	[sflag:s8] =	ssyncset.done $0x0  }
0x15: {  	[sflag:s8] =	ssyncadd.s32 $0xFFFFFFE8  }
0x16: {  	[tilespmem:$0x9000] =	vst v0  }
0x17: {  	[tilespmem:$0x9010] =	vst v0  }
0x18: {  	[tilespmem:$0x9020] =	vst v0  }
0x19: {  	[tilespmem:$0x9030] =	vst v0  }
0x1a: {  	[tilespmem:$0x9040] =	vst v0  }
0x1b: {  	[tilespmem:$0x9050] =	vst v0  }
0x1c: {  	[tilespmem:$0x9060] =	vst v0  }
0x1d: {  	[tilespmem:$0x9070] =	vst v0  }
0x1e: {  	[tilespmem:$0x9080] =	vst v0  }
0x1f: {  	[tilespmem:$0x9090] =	vst v0  }
0x20: {  	[tilespmem:$0x90A0] =	vst v0  }
0x21: {  	[tilespmem:$0x90B0] =	vst v0  }
0x22: {  	[tilespmem:$0x90C0] =	vst v0  }
0x23: {  	[tilespmem:$0x90D0] =	vst v0  }
0x24: {  	[tilespmem:$0x90E0] =	vst v0  }
0x25: {  	[tilespmem:$0x90F0] =	vst v0  }
0x26: {  	[tilespmem:$0x9100] =	vst v0  }
0x27: {  	[tilespmem:$0x9110] =	vst v0  }
0x28: {  	[tilespmem:$0x9120] =	vst v0  }
0x29: {  	[tilespmem:$0x9130] =	vst v0  }
0x2a: {  	[tilespmem:$0x9140] =	vst v0  }
0x2b: {  	[tilespmem:$0x9150] =	vst v0  }
0x2c: {  	[tilespmem:$0x9160] =	vst v0  }
0x2d: {  	[tilespmem:$0x9170] =	vst v0  }
0x2e: {  	[tilespmem:$0x9180] =	vst v0  }
0x2f: {  	[tilespmem:$0x9190] =	vst v0  }
0x30: {  	[tilespmem:$0x91A0] =	vst v0  }
0x31: {  	[tilespmem:$0x91B0] =	vst v0  }
0x32: {  	[tilespmem:$0x91C0] =	vst v0  }
0x33: {  	[tilespmem:$0x91D0] =	vst v0  }
0x34: {  	[tilespmem:$0x91E0] =	vst v0  }
0x35: {  	[tilespmem:$0x91F0] =	vst v0  }
0x36: {  	[tilespmem:$0x9200] =	vst v0  }
0x37: {  	[tilespmem:$0x9210] =	vst v0  }
0x38: {  	[tilespmem:$0x9220] =	vst v0  }
0x39: {  	[tilespmem:$0x9230] =	vst v0  }
0x3a: {  	[tilespmem:$0x9240] =	vst v0  }
0x3b: {  	[tilespmem:$0x9250] =	vst v0  }
0x3c: {  	[tilespmem:$0x9260] =	vst v0  }
0x3d: {  	[tilespmem:$0x9270] =	vst v0  }
0x3e: {  	[tilespmem:$0x9280] =	vst v0  }
0x3f: {  	[tilespmem:$0x9290] =	vst v0  }
0x40: {  	[tilespmem:$0x92A0] =	vst v0  }
0x41: {  	[tilespmem:$0x92B0] =	vst v0  }
0x42: {  	[tilespmem:$0x92C0] =	vst v0  }
0x43: {  	[tilespmem:$0x92D0] =	vst v0  }
0x44: {  	[tilespmem:$0x92E0] =	vst v0  }
0x45: {  	[tilespmem:$0x92F0] =	vst v0  }
0x46: {  	[tilespmem:$0x9300] =	vst v0  }
0x47: {  	[tilespmem:$0x9310] =	vst v0  }
0x48: {  	[tilespmem:$0x9320] =	vst v0  }
0x49: {  	[tilespmem:$0x9330] =	vst v0  }
0x4a: {  	[tilespmem:$0x9340] =	vst v0  }
0x4b: {  	[tilespmem:$0x9350] =	vst v0  }
0x4c: {  	[tilespmem:$0x9360] =	vst v0  }
0x4d: {  	[tilespmem:$0x9370] =	vst v0  }
0x4e: {  	[tilespmem:$0x9380] =	vst v0  }
0x4f: {  	[tilespmem:$0x9390] =	vst v0  }
0x50: {  	[tilespmem:$0x93A0] =	vst v0  }
0x51: {  	[tilespmem:$0x93B0] =	vst v0  }
0x52: {  	[tilespmem:$0x93C0] =	vst v0  }
0x53: {  	[tilespmem:$0x93D0] =	vst v0  }
0x54: {  	[tilespmem:$0x93E0] =	vst v0  }
0x55: {  	[tilespmem:$0x93F0] =	vst v0  }
0x56: {  	[tilespmem:$0x9400] =	vst v0  }
0x57: {  	[tilespmem:$0x9410] =	vst v0  }
0x58: {  	[tilespmem:$0x9420] =	vst v0  }
0x59: {  	[tilespmem:$0x9430] =	vst v0  }
0x5a: {  	[tilespmem:$0x9440] =	vst v0  }
0x5b: {  	[tilespmem:$0x9450] =	vst v0  }
0x5c: {  	[tilespmem:$0x9460] =	vst v0  }
0x5d: {  	[tilespmem:$0x9470] =	vst v0  }
0x5e: {  	[tilespmem:$0x9480] =	vst v0  }
0x5f: {  	[tilespmem:$0x9490] =	vst v0  }
0x60: {  	[tilespmem:$0x94A0] =	vst v0  }
0x61: {  	[tilespmem:$0x94B0] =	vst v0  }
0x62: {  	[tilespmem:$0x94C0] =	vst v0  }
0x63: {  	[tilespmem:$0x94D0] =	vst v0  }
0x64: {  	[tilespmem:$0x94E0] =	vst v0  }
0x65: {  	[tilespmem:$0x94F0] =	vst v0  }
0x66: {  	[tilespmem:$0x9500] =	vst v0  }
0x67: {  	[tilespmem:$0x9510] =	vst v0  }
0x68: {  	[tilespmem:$0x9520] =	vst v0  }
0x69: {  	[tilespmem:$0x9530] =	vst v0  }
0x6a: {  	[tilespmem:$0x9540] =	vst v0  }
0x6b: {  	[tilespmem:$0x9550] =	vst v0  }
0x6c: {  	[tilespmem:$0x9560] =	vst v0  }
0x6d: {  	[tilespmem:$0x9570] =	vst v0  }
0x6e: {  	[tilespmem:$0x9580] =	vst v0  }
0x6f: {  	[tilespmem:$0x9590] =	vst v0  }
0x70: {  	[tilespmem:$0x95A0] =	vst v0  }
0x71: {  	[tilespmem:$0x95B0] =	vst v0  }
0x72: {  	[tilespmem:$0x95C0] =	vst v0  }
0x73: {  	[tilespmem:$0x95D0] =	vst v0  }
0x74: {  	[tilespmem:$0x95E0] =	vst v0  }
0x75: {  	[tilespmem:$0x95F0] =	vst v0  }
0x76: {  	[tilespmem:$0x9600] =	vst v0  }
0x77: {  	[tilespmem:$0x9610] =	vst v0  }
0x78: {  	[tilespmem:$0x9620] =	vst v0  }
0x79: {  	[tilespmem:$0x9630] =	vst v0  }
0x7a: {  	[tilespmem:$0x9640] =	vst v0  }
0x7b: {  	[tilespmem:$0x9650] =	vst v0  }
0x7c: {  	[tilespmem:$0x9660] =	vst v0  }
0x7d: {  	[tilespmem:$0x9670] =	vst v0  }
0x7e: {  	[tilespmem:$0x9680] =	vst v0  }
0x7f: {  	[tilespmem:$0x9690] =	vst v0  }
0x80: {  	[tilespmem:$0x96A0] =	vst v0  }
0x81: {  	[tilespmem:$0x96B0] =	vst v0  }
0x82: {  	[tilespmem:$0x96C0] =	vst v0  }
0x83: {  	[tilespmem:$0x96D0] =	vst v0  }
0x84: {  	[tilespmem:$0x96E0] =	vst v0  }
0x85: {  	[tilespmem:$0x96F0] =	vst v0  }
0x86: {  	[tilespmem:$0x9700] =	vst v0  }
0x87: {  	[tilespmem:$0x9710] =	vst v0  }
0x88: {  	[tilespmem:$0x9720] =	vst v0  }
0x89: {  	[tilespmem:$0x9730] =	vst v0  }
0x8a: {  	[tilespmem:$0x9740] =	vst v0  }
0x8b: {  	[tilespmem:$0x9750] =	vst v0  }
0x8c: {  	[tilespmem:$0x9760] =	vst v0  }
0x8d: {  	[tilespmem:$0x9770] =	vst v0  }
0x8e: {  	[tilespmem:$0x9780] =	vst v0  }
0x8f: {  	[tilespmem:$0x9790] =	vst v0  }
0x90: {  	[tilespmem:$0x97A0] =	vst v0  }
0x91: {  	[tilespmem:$0x97B0] =	vst v0  }
0x92: {  	[tilespmem:$0x97C0] =	vst v0  }
0x93: {  	[tilespmem:$0x97D0] =	vst v0  }
0x94: {  	[tilespmem:$0x97E0] =	vst v0  }
0x95: {  	[tilespmem:$0x97F0] =	vst v0  }
0x96: {  	[tilespmem:$0x9800] =	vst v0  }
0x97: {  	[tilespmem:$0x9810] =	vst v0  }
0x98: {  	[tilespmem:$0x9820] =	vst v0  }
0x99: {  	[tilespmem:$0x9830] =	vst v0  }
0x9a: {  	[tilespmem:$0x9840] =	vst v0  }
0x9b: {  	[tilespmem:$0x9850] =	vst v0  }
0x9c: {  	[tilespmem:$0x9860] =	vst v0  }
0x9d: {  	[tilespmem:$0x9870] =	vst v0  }
0x9e: {  	[tilespmem:$0x9880] =	vst v0  }
0x9f: {  	[tilespmem:$0x9890] =	vst v0  }
0xa0: {  	[tilespmem:$0x98A0] =	vst v0  }
0xa1: {  	[tilespmem:$0x98B0] =	vst v0  }
0xa2: {  	[tilespmem:$0x98C0] =	vst v0  }
0xa3: {  	[tilespmem:$0x98D0] =	vst v0  }
0xa4: {  	[tilespmem:$0x98E0] =	vst v0  }
0xa5: {  	[tilespmem:$0x98F0] =	vst v0  }
0xa6: {  	[tilespmem:$0x9900] =	vst v0  }
0xa7: {  	[tilespmem:$0x9910] =	vst v0  }
0xa8: {  	[tilespmem:$0x9920] =	vst v0  }
0xa9: {  	[tilespmem:$0x9930] =	vst v0  }
0xaa: {  	[tilespmem:$0x9940] =	vst v0  }
0xab: {  	[tilespmem:$0x9950] =	vst v0  }
0xac: {  	[tilespmem:$0x9960] =	vst v0  }
0xad: {  	[tilespmem:$0x9970] =	vst v0  }
0xae: {  	[tilespmem:$0x9980] =	vst v0  }
0xaf: {  	[tilespmem:$0x9990] =	vst v0  }
0xb0: {  	[tilespmem:$0x99A0] =	vst v0  }
0xb1: {  	[tilespmem:$0x99B0] =	vst v0  }
0xb2: {  	[tilespmem:$0x99C0] =	vst v0  }
0xb3: {  	[tilespmem:$0x99D0] =	vst v0  }
0xb4: {  	[tilespmem:$0x99E0] =	vst v0  }
0xb5: {  	[tilespmem:$0x99F0] =	vst v0  }
0xb6: {  	[tilespmem:$0x9A00] =	vst v0  }
0xb7: {  	[tilespmem:$0x9A10] =	vst v0  }
0xb8: {  	[tilespmem:$0x9A20] =	vst v0  }
0xb9: {  	[tilespmem:$0x9A30] =	vst v0  }
0xba: {  	[tilespmem:$0x9A40] =	vst v0  }
0xbb: {  	[tilespmem:$0x9A50] =	vst v0  }
0xbc: {  	[tilespmem:$0x9A60] =	vst v0  }
0xbd: {  	[tilespmem:$0x9A70] =	vst v0  }
0xbe: {  	[tilespmem:$0x9A80] =	vst v0  }
0xbf: {  	[tilespmem:$0x9A90] =	vst v0  }
0xc0: {  	[tilespmem:$0x9AA0] =	vst v0  }
0xc1: {  	[tilespmem:$0x9AB0] =	vst v0  }
0xc2: {  	[tilespmem:$0x9AC0] =	vst v0  }
0xc3: {  	[tilespmem:$0x9AD0] =	vst v0  }
0xc4: {  	[tilespmem:$0x9AE0] =	vst v0  }
0xc5: {  	[tilespmem:$0x9AF0] =	vst v0  }
0xc6: {  	[tilespmem:$0x9B00] =	vst v0  }
0xc7: {  	[tilespmem:$0x9B10] =	vst v0  }
0xc8: {  	[tilespmem:$0x9B20] =	vst v0  }
0xc9: {  	[tilespmem:$0x9B30] =	vst v0  }
0xca: {  	[tilespmem:$0x9B40] =	vst v0  }
0xcb: {  	[tilespmem:$0x9B50] =	vst v0  }
0xcc: {  	[tilespmem:$0x9B60] =	vst v0  }
0xcd: {  	[tilespmem:$0x9B70] =	vst v0  }
0xce: {  	[tilespmem:$0x9B80] =	vst v0  }
0xcf: {  	[tilespmem:$0x9B90] =	vst v0  }
0xd0: {  	[tilespmem:$0x9BA0] =	vst v0  }
0xd1: {  	[tilespmem:$0x9BB0] =	vst v0  }
0xd2: {  	[tilespmem:$0x9BC0] =	vst v0  }
0xd3: {  	[tilespmem:$0x9BD0] =	vst v0  }
0xd4: {  	[tilespmem:$0x9BE0] =	vst v0  }
0xd5: {  	[tilespmem:$0x9BF0] =	vst v0  }
0xd6: {  	[tilespmem:$0x9C00] =	vst v0  }
0xd7: {  	[tilespmem:$0x9C10] =	vst v0  }
0xd8: {  	[tilespmem:$0x9C20] =	vst v0  }
0xd9: {  	[tilespmem:$0x9C30] =	vst v0  }
0xda: {  	[tilespmem:$0x9C40] =	vst v0  }
0xdb: {  	[tilespmem:$0x9C50] =	vst v0  }
0xdc: {  	[tilespmem:$0x9C60] =	vst v0  }
0xdd: {  	[tilespmem:$0x9C70] =	vst v0  }
0xde: {  	[tilespmem:$0x9C80] =	vst v0  }
0xdf: {  	[tilespmem:$0x9C90] =	vst v0  }
0xe0: {  	[tilespmem:$0x9CA0] =	vst v0  }
0xe1: {  	[tilespmem:$0x9CB0] =	vst v0  }
0xe2: {  	[tilespmem:$0x9CC0] =	vst v0  }
0xe3: {  	[tilespmem:$0x9CD0] =	vst v0  }
0xe4: {  	[tilespmem:$0x9CE0] =	vst v0  }
0xe5: {  	[tilespmem:$0x9CF0] =	vst v0  }
0xe6: {  	[tilespmem:$0x9D00] =	vst v0  }
0xe7: {  	[tilespmem:$0x9D10] =	vst v0  }
0xe8: {  	[tilespmem:$0x9D20] =	vst v0  }
0xe9: {  	[tilespmem:$0x9D30] =	vst v0  }
0xea: {  	[tilespmem:$0x9D40] =	vst v0  }
0xeb: {  	[tilespmem:$0x9D50] =	vst v0  }
0xec: {  	[tilespmem:$0x9D60] =	vst v0  }
0xed: {  	[tilespmem:$0x9D70] =	vst v0  }
0xee: {  	[tilespmem:$0x9D80] =	vst v0  }
0xef: {  	[tilespmem:$0x9D90] =	vst v0  }
0xf0: {  	[tilespmem:$0x9DA0] =	vst v0  }
0xf1: {  	[tilespmem:$0x9DB0] =	vst v0  }
0xf2: {  	[tilespmem:$0x9DC0] =	vst v0  }
0xf3: {  	[tilespmem:$0x9DD0] =	vst v0  }
0xf4: {  	[tilespmem:$0x9DE0] =	vst v0  }
0xf5: {  	[tilespmem:$0x9DF0] =	vst v0  }
0xf6: {  	[tilespmem:$0x9E00] =	vst v0  }
0xf7: {  	[tilespmem:$0x9E10] =	vst v0  }
0xf8: {  	[tilespmem:$0x9E20] =	vst v0;
	v1 =	vld [tilespmem:$0xA000]  }
0xf9: {  	[tilespmem:$0x9E30] =	vst v0;
	v2 =	vld [tilespmem:$0xA008]  }
0xfa: {  	[tilespmem:$0x9E40] =	vst v0  }
0xfb: {  	[tilespmem:$0x9E50] =	vst v0  }
0xfc: {  	[tilespmem:$0x9E60] =	vst v0  }
0xfd: {  	[tilespmem:$0x9E70] =	vst v0;
	(v2sf) =	vpush v1, $0x0  }
0xfe: {  	[tilespmem:$0x9E80] =	vst v0;
	(v2sf) =	vpush v2, $0x8  }
0xff: {  	[tilespmem:$0x9E90] =	vst v0  }
0x100: {  	[tilespmem:$0x9EA0] =	vst v0  }
0x101: {  	[tilespmem:$0x9EB0] =	vst v0  }
0x102: {  	[tilespmem:$0x9EC0] =	vst v0  }
0x103: {  	[tilespmem:$0x9ED0] =	vst v0  }
0x104: {  	[tilespmem:$0x9EE0] =	vst v0  }
0x105: {  	[tilespmem:$0x9EF0] =	vst v0  }
0x106: {  	[tilespmem:$0x9F00] =	vst v0  }
0x107: {  	[tilespmem:$0x9F10] =	vst v0  }
0x108: {  	[tilespmem:$0x9F20] =	vst v0  }
0x109: {  	[tilespmem:$0x9F30] =	vst v0  }
0x10a: {  	[tilespmem:$0x9F40] =	vst v0  }
0x10b: {  	[tilespmem:$0x9F50] =	vst v0  }
0x10c: {  	[tilespmem:$0x9F60] =	vst v0;
	s11 =	spop (v2sf)  }
0x10d: {  	[tilespmem:$0x9F70] =	vst v0;
	s12 =	spop (v2sf)  }
0x10e: {  	[tilespmem:$0x9F80] =	vst v0;
	s13 =	ssub.s32 s12, s11  }
0x10f: {  	[tilespmem:$0x9F90] =	vst v0;
	s13 =	sadd.s32 $0x7F, s13  }
0x110: {  	[tilespmem:$0x9FA0] =	vst v0;
	p0 =	slt.s32 s13, $0x80  }
.Ltmp2:
0x111: {  	[tilespmem:$0x9FB0] =	vst v0;
	(pc) =	sbr.rel @p0 .LBB2_12-.Ltmp2, $4  }
0x112: {  	[tilespmem:$0x9FC0] =	vst v0  }
0x113: {  	[tilespmem:$0x9FD0] =	vst v0  }
0x114: {  	[tilespmem:$0x9FE0] =	vst v0  }
0x115: {  	[tilespmem:$0x9FF0] =	vst v0  }
.Ltmp3:
0x116: {  	(pc) =	sbr.rel .LBB2_3-.Ltmp3, $4  }
0x117: {  	s14 =	sshra.s32 s13, $0x1F  }
0x118: {  	s14 =	sshrl.u32 s14, $0x19  }
0x119: {  	s31 =	sadd.s32 s14, s13  }
0x11a: {  	s15 =	simm.s32 $0x0;
	s14 =	smov.u32 s11;
	s13 =	sshra.s32 s31, $0x7  }
.LBB2_11:
0x11b: {  	s15 =	sadd.s32 $0x1, s15  }
0x11c: {  	p0 =	sne.s32 s15, s13  }
.Ltmp4:
0x11d: {  	_ = 	snop;
	(pc) =	sbr.rel @!p0 .LBB2_12-.Ltmp4, $2  }
0x11e: {  	_ =	sdelay $0x2  }
0x11f: {  	s14 =	sadd.s32 $0x80, s14  }
.LBB2_3:
0x120: {  	s16 =	sshll.u32 s15, $0x7  }
0x121: {  	s16 =	sadd.s32 s11, s16  }
0x122: {  	p0 =	slt.s32 s16, $0x2680;
	s17 =	smov.u32 s16  }
0x123: {  	s17 =	simm.s32 @!p0 $0x2680  }
0x124: {  	s18 =	sand.u32 $0x7, s17  }
0x125: {  	p6 =	slt.s32 s16, $0x1;
	s19 =	sshra.s32 s17, $0x1F;
	p1 =	sne.s32 s18, $0x0  }
0x126: {  	s31 =	sshrl.u32 s19, $0x1D;
	p0 =	por !p6, !p1  }
0x127: {  	s18 =	simm.s32 $0x1;
	s17 =	sadd.s32 s31, s17;
	p0 =	por !p0, !p0  }
0x128: {  	s17 =	sshra.s32 s17, $0x3;
	s18 =	simm.s32 @!p0 $0x0  }
0x129: {  	s18 =	ssub.s32 s17, s18  }
0x12a: {  	s17 =	sshll.u32 s18, $0x8  }
0x12b: {  	s17 =	sand.u32 $0x1FFFFF00, s17  }
0x12c: {  	s21 =	simm.s32 $0x0;
	s17 =	sadd.s32 s3, s17  }
0x12d: {  	[tilespmem:s21], [sflag:$0x1] =	stream.linear.gather [hbm4b:s17+s21], $0x9000, $0x38;
	[tilespmem:$0xA018] =	vst v63  }
.Ltmp5:
0x12e: {  	_ = 	snop;
	(pc) =	sbr.rel .LBB2_4-.Ltmp5, $4  }
0x12f: {  	s19 =	ssub.s32 s12, s16;
	s17 =	sshll.u32 s18, $0x3;
	s18 =	sshll.u32 s18, $0xD  }
0x130: {  	p0 =	slt.s32 s19, $0x80;
	_ =	swait.ge [sflag:s8], $0x9000;
	s18 =	ssub.s32 $0x0, s18  }
0x131: {  	s19 =	simm.s32 @!p0 $0x80;
	[sflag:s8] =	ssyncset.done $0x0;
	s20 =	sshra.s32 s18, $0x2  }
0x132: {  	s18 =	sadd.s32 s16, s19;
	[sflag:s8] =	ssyncadd.s32 $0xFFFF7000;
	s19 =	sor.u32 $0x80, s20  }
.LBB2_8:
0x133: {  	v17 =	vadd.f32 v17, v12  }
0x134: {  	v13 =	vadd.f32 v18, v13;
	v14 =	vadd.f32 v19, v14  }
0x135: {  	v15 =	vadd.f32 v20, v15;
	v12 =	vadd.f32 v21, v16  }
.LBB2_9:
0x136: {  	s21 =	sshll.u32 s21, $0x8  }
0x137: {  	s21 =	sand.u32 $0x3FFFFF00, s21  }
0x138: {  	[tilespmem:s21+$0x9000] =	vst.add.f32.msk $0xffff, v12  }
0x139: {  	[tilespmem:s21+$0x9010] =	vst.add.f32.msk $0xffff, v1  }
0x13a: {  	[tilespmem:s21+$0x9020] =	vst.add.f32.msk $0xffff, v2  }
0x13b: {  	[tilespmem:s21+$0x9030] =	vst.add.f32.msk $0xffff, v3  }
0x13c: {  	[tilespmem:s21+$0x9040] =	vst.add.f32.msk $0xffff, v5  }
0x13d: {  	[tilespmem:s21+$0x9050] =	vst.add.f32.msk $0xffff, v6  }
0x13e: {  	[tilespmem:s21+$0x9060] =	vst.add.f32.msk $0xffff, v7  }
0x13f: {  	[tilespmem:s21+$0x9070] =	vst.add.f32.msk $0xffff, v8  }
0x140: {  	[tilespmem:s21+$0x9080] =	vst.add.f32.msk $0xffff, v9  }
0x141: {  	[tilespmem:s21+$0x9090] =	vst.add.f32.msk $0xffff, v10  }
0x142: {  	[tilespmem:s21+$0x90A0] =	vst.add.f32.msk $0xffff, v11  }
0x143: {  	[tilespmem:s21+$0x90B0] =	vst.add.f32.msk $0xffff, v17  }
0x144: {  	[tilespmem:s21+$0x90C0] =	vst.add.f32.msk $0xffff, v13  }
0x145: {  	[tilespmem:s21+$0x90D0] =	vst.add.f32.msk $0xffff, v14  }
0x146: {  	[tilespmem:s21+$0x90E0] =	vst.add.f32.msk $0xffff, v15  }
0x147: {  	[tilespmem:s21+$0x90F0] =	vst.add.f32.msk $0xffff, v4  }
.LBB2_10:
0x148: {  	p0 =	sne.s32 s20, $0x10  }
.Ltmp6:
0x149: {  	_ = 	snop;
	(pc) =	sbr.rel @!p0 .LBB2_11-.Ltmp6, $2  }
0x14a: {  	_ =	sdelay $0x2  }
0x14b: {  	s21 =	smov.u32 s20  }
.LBB2_4:
0x14c: {  	v1 =	vmov s21;
	s20 =	sadd.s32 $0x1, s21  }
0x14d: {  	v2 =	vmov s20;
	_ =	sdelay $0x3  }
0x14e: {  	v1 =	vld.idx.msk [tilespmem:v1+s7+$0x0], $0xffff  }
0x14f: {  	v2 =	vld.idx.msk [tilespmem:v2+s7+$0x0], $0xffff;
	_ =	sdelay $0x3  }
0x150: {  	(v2sf) =	vpush v1, $0x0  }
0x151: {  	(v2sf) =	vpush v2, $0x0;
	_ =	sdelay $0xd  }
0x152: {  	s24 =	spop (v2sf)  }
0x153: {  	s22 =	spop (v2sf);
	p0 =	sge.s32 s24, s18  }
0x154: {  	p1 =	sle.s32 @!p0 s22, s16  }
0x155: {  	p0 =	por p0, p1  }
.Ltmp7:
0x156: {  	_ = 	snop;
	(pc) =	sbr.rel @p0 .LBB2_10-.Ltmp7, $1  }
0x157: {  	_ =	sdelay $0x3  }
0x158: {  	p0 =	sgt.s32 s24, s16  }
0x159: {  	s23 =	smov.u32 s16;
	p1 =	slt.s32 s22, s18;
	s25 =	smov.u32 s18  }
0x15a: {  	s23 =	smov.u32 @p0 s24;
	s25 =	smov.u32 @p1 s22  }
0x15b: {  	s23 =	ssub.s32 s23, s17;
	s22 =	ssub.s32 s25, s17  }
0x15c: {  	v12 =	vimm.f32 $0.0e+00;
	p0 =	sge.s32 s23, s22  }
.Ltmp8:
0x15d: {  	v1 =	vimm.f32 $0.0e+00;
	v2 =	vimm.f32 $0.0e+00;
	v3 =	vimm.f32 $0.0e+00;
	(pc) =	sbr.rel @p0 .LBB2_9-.Ltmp8, $4  }
0x15e: {  	v5 =	vimm.f32 $0.0e+00;
	v6 =	vimm.f32 $0.0e+00;
	v7 =	vimm.f32 $0.0e+00  }
0x15f: {  	v8 =	vimm.f32 $0.0e+00;
	v9 =	vimm.f32 $0.0e+00;
	v10 =	vimm.f32 $0.0e+00  }
0x160: {  	v11 =	vimm.f32 $0.0e+00;
	v17 =	vimm.f32 $0.0e+00;
	v13 =	vimm.f32 $0.0e+00  }
0x161: {  	v14 =	vimm.f32 $0.0e+00;
	v15 =	vimm.f32 $0.0e+00;
	v4 =	vimm.f32 $0.0e+00  }
0x162: {  	p0 =	sgt.s32 s24, s14;
	s25 =	smov.u32 s14  }
0x163: {  	s25 =	smov.u32 @p0 s24  }
0x164: {  	s24 =	sshll.u32 s25, $0xA  }
0x165: {  	s24 =	sshra.s32 s24, $0x2  }
0x166: {  	s24 =	sadd.s32 s24, s19  }
0x167: {  	v1 =	vld [tilespmem:s24+$0x70]  }
0x168: {  	v2 =	vld [tilespmem:s24+$0xFFFFFF90]  }
0x169: {  	v3 =	vld [tilespmem:s24+$0xFFFFFFA0]  }
0x16a: {  	v5 =	vld [tilespmem:s24+$0xFFFFFFB0]  }
0x16b: {  	v6 =	vld [tilespmem:s24+$0xFFFFFFC0]  }
0x16c: {  	v7 =	vld [tilespmem:s24+$0xFFFFFFD0]  }
0x16d: {  	v8 =	vld [tilespmem:s24+$0xFFFFFFE0]  }
0x16e: {  	v9 =	vld [tilespmem:s24+$0xFFFFFFF0]  }
0x16f: {  	v10 =	vld [tilespmem:s24+$0x0]  }
0x170: {  	v11 =	vld [tilespmem:s24+$0x10]  }
0x171: {  	v13 =	vld [tilespmem:s24+$0x20]  }
0x172: {  	v12 =	vimm.f32 $0.0e+00;
	s23 =	sadd.s32 $0x1, s23;
	v17 =	vld [tilespmem:s24+$0x30]  }
0x173: {  	p0 =	slt.s32 s23, s22;
	v18 =	vld [tilespmem:s24+$0x40];
	v4 =	vadd.f32 v1, v12  }
.Ltmp9:
0x174: {  	v19 =	vld [tilespmem:s24+$0x50];
	v1 =	vadd.f32 v2, v12;
	v2 =	vadd.f32 v3, v12;
	(pc) =	sbr.rel @!p0 .LBB2_8-.Ltmp9, $4  }
0x175: {  	v14 =	vimm.f32 $0.0e+00;
	v20 =	vld [tilespmem:s24+$0x60];
	v3 =	vadd.f32 v5, v12;
	v5 =	vadd.f32 v6, v12  }
0x176: {  	v15 =	vimm.f32 $0.0e+00;
	v21 =	vld [tilespmem:s24+$0xFFFFFF80];
	v6 =	vadd.f32 v7, v12;
	v7 =	vadd.f32 v8, v12  }
0x177: {  	v16 =	vimm.f32 $0.0e+00;
	v8 =	vadd.f32 v9, v12;
	v9 =	vadd.f32 v10, v12  }
0x178: {  	s24 =	sadd.s32 $0x100, s24;
	v10 =	vadd.f32 v11, v12;
	v11 =	vadd.f32 v13, v12;
	v13 =	vimm.f32 $0.0e+00  }
.LBB2_7:
0x179: {  	v22 =	vld [tilespmem:s24+$0x70];
	s23 =	sadd.s32 $0x1, s23;
	v12 =	vadd.f32 v17, v12  }
0x17a: {  	v13 =	vadd.f32 v18, v13;
	v17 =	vld [tilespmem:s24+$0xFFFFFF90];
	p0 =	slt.s32 s23, s22  }
0x17b: {  	v14 =	vadd.f32 v19, v14;
	v18 =	vld [tilespmem:s24+$0xFFFFFFA0]  }
0x17c: {  	v15 =	vadd.f32 v20, v15;
	v19 =	vld [tilespmem:s24+$0xFFFFFFB0]  }
0x17d: {  	v16 =	vadd.f32 v21, v16;
	v20 =	vld [tilespmem:s24+$0xFFFFFFC0]  }
0x17e: {  	v21 =	vld [tilespmem:s24+$0xFFFFFFD0];
	v4 =	vadd.f32 v22, v4  }
0x17f: {  	v1 =	vadd.f32 v17, v1;
	v17 =	vld [tilespmem:s24+$0xFFFFFFE0]  }
0x180: {  	v2 =	vadd.f32 v18, v2;
	v18 =	vld [tilespmem:s24+$0xFFFFFFF0]  }
0x181: {  	v3 =	vadd.f32 v19, v3;
	v19 =	vld [tilespmem:s24+$0x0]  }
0x182: {  	v5 =	vadd.f32 v20, v5;
	v20 =	vld [tilespmem:s24+$0x10]  }
0x183: {  	v6 =	vadd.f32 v21, v6;
	v22 =	vld [tilespmem:s24+$0x20]  }
.Ltmp10:
0x184: {  	v7 =	vadd.f32 v17, v7;
	v17 =	vld [tilespmem:s24+$0x30];
	(pc) =	sbr.rel @p0 .LBB2_7-.Ltmp10, $4  }
0x185: {  	v8 =	vadd.f32 v18, v8;
	v18 =	vld [tilespmem:s24+$0x40]  }
0x186: {  	v9 =	vadd.f32 v19, v9;
	v19 =	vld [tilespmem:s24+$0x50]  }
0x187: {  	v10 =	vadd.f32 v20, v10;
	v20 =	vld [tilespmem:s24+$0x60]  }
0x188: {  	v21 =	vld [tilespmem:s24+$0xFFFFFF80];
	v11 =	vadd.f32 v22, v11;
	s24 =	sadd.s32 $0x100, s24  }
.Ltmp11:
0x189: {  	_ = 	snop;
	(pc) =	sbr.rel .LBB2_8-.Ltmp11, $1  }
0x18a: {  	_ =	sdelay $0x3  }
.LBB2_13:
0x18b: {  	_ =	sfence.sel $0x180000  }
0x18c: {  	[bflag:$0x0] =	sbarrier.arrive $0xFFFF  }
0x18d: {  	p0 =	sne.s32 s1, $0x0;
	_ =	strace $0x90000047  }
0x18e: {  	s0 =	sadd.s32 @!p0 $0x100000, s0;
	[bflag:$0x2] =	sbarrier.arrive $0xFFFF  }
0x18f: {  	[sflag:s0] =	ssyncadd.tile.s32 @!p0 $0x1;
	_ =	shalt  }
.Lfunc_end2:
_tile_overlayer_lowered:
.L_overlay_start_2:
0x190: {  	(tag) =	ssettag $0x2  }
0x191: {  	s0 =	rddreg [dreg:$0x0];
	s2 =	stileid.u32  }
0x192: {  	s1 =	rddreg [dreg:$0x1];
	p0 =	sne.s32 s2, $0x0  }
0x193: {  	s3 =	rddreg [dreg:$0x2];
	[bflag:$0x3] =	sbarrier.arrive $0xFFFF;
	s2 =	simm.s32 @!p0 $0x1C01  }
0x194: {  	[timem:s3], [sflag:s2] =	dma.local @!p0 [hbm:s0], s1  }
0x195: {  	s0 =	simm.s32 @!p0 $0x1  }
0x196: {  	_ =	swait.ge @!p0 [sflag:s0], s1  }
0x197: {  	s1 =	ssub.s32 @!p0 $0x0, s1;
	[sflag:s0] =	ssyncset.done @!p0 $0x0  }
0x198: {  	[sflag:s0] =	ssyncadd.s32 @!p0 s1  }
0x199: {  	[bflag:$0x3] =	sbarrier.arrive $0xFFFF  }
0x19a: {  	_ =	shalt  }

</sc_bundles>
